<compile_context>
chip_gen: v7x
topology: tpu7x:2x2x1
jax: 0.10.2.dev20260603
libtpu: 0.0.44.dev20260713+nightly
codegen_flags: <defaults>
</compile_context>

<pallas_src>
import functools
import numpy as np
import jax
import jax.numpy as jnp
from jax import lax
from jax.experimental import pallas as pl
from jax.experimental.pallas import tpu as pltpu
from jax.experimental.pallas import tpu_sc as plsc

_CLASSES = ["c%d" % i for i in range(1, 65)]
_CATE2ID = {c: i + 1 for i, c in enumerate(_CLASSES)}
_SMOOTHING_PAIR = {
    "c1": ["c2", "c3"], "c4": ["c5"], "c10": ["c11", "c12", "c13"],
    "c20": ["c21"], "c30": ["c31", "c32"], "c40": ["c41", "c42", "c43", "c44"],
    "c50": ["c51"], "c60": ["c61", "c62"],
}
_SMOOTH_LABELS = (1, 4, 10, 20, 30, 40, 50, 60)
_SMOOTHING = 0.1
_CONFIDENCE = 1.0 - _SMOOTHING
_C = 65
_LOSS_WEIGHT = 1.0

_N = 131072
_BM = 16384
_NSC = 32768
_NTC = _N - _NSC
_RPT = _NSC // 32
_CHUNK = 256


def _build_table():
    table = np.zeros((_C, _C), dtype=np.float32)
    for lbl in range(_C):
        if lbl > 0:
            cat = _CLASSES[lbl - 1]
            if cat in _SMOOTHING_PAIR:
                sls = _SMOOTHING_PAIR[cat]
                sub = _SMOOTHING / len(sls)
                for sl in sls:
                    table[lbl, _CATE2ID[sl]] = sub
        table[lbl, lbl] = _CONFIDENCE
    return table

_TABLE_NP = _build_table()
_TB2T_NP = np.concatenate(
    [_TABLE_NP.T, _TABLE_NP.sum(axis=1)[None, :]], axis=0
).astype(np.float32)
_R8_NP = (np.arange(128)[:, None] // 16 == np.arange(8)[None, :]).astype(
    np.float32)


def _loss_block(x_ref, lbl_ref, tb2t_ref, out_ref):
    x = x_ref[...]
    xt = x.T
    lbl = lbl_ref[...].reshape(1, _BM)
    et = jnp.exp(xt)
    ones_c = jnp.ones((1, _C), dtype=jnp.float32)
    se = jnp.dot(ones_c, et, preferred_element_type=jnp.float32)
    lse = jnp.log(se)
    rows = jax.lax.broadcasted_iota(jnp.int32, (_C, _BM), 0)
    oht = (rows == lbl).astype(jnp.float32)
    gr = jnp.dot(tb2t_ref[...], oht,
                 preferred_element_type=jnp.float32)
    gt = gr[:_C, :]
    rsl = gr[_C:, :]
    t2 = xt * gt
    p2 = jnp.dot(ones_c, t2, preferred_element_type=jnp.float32)
    contrib = lse * rsl - p2

    @pl.when(pl.program_id(0) == 0)
    def _init():
        out_ref[...] = jnp.zeros_like(out_ref)

    out_ref[...] += contrib


def _fin_block(se_ref, lbl8_ref, dot_ref, r8_ref, out_ref):
    z2 = jnp.dot(se_ref[...], r8_ref[...],
                 preferred_element_type=jnp.float32)
    lse8 = jnp.log(z2)
    lbl8 = lbl8_ref[...]
    delta = lbl8 == _SMOOTH_LABELS[0]
    for a in _SMOOTH_LABELS[1:]:
        delta = jnp.logical_or(delta, lbl8 == a)
    rs8 = _CONFIDENCE + _SMOOTHING * delta.astype(jnp.float32)
    c = rs8 * lse8
    ones_row = jnp.ones((1, _NSC // 8), dtype=jnp.float32)
    p1 = jnp.dot(ones_row, c, preferred_element_type=jnp.float32)
    out_ref[...] = (jnp.sum(p1) - jnp.sum(dot_ref[...])).reshape(1, 1)


def _make_sc_kernel():
    mesh = plsc.VectorSubcoreMesh(core_axis_name="c", subcore_axis_name="s")

    @functools.partial(
        pl.kernel,
        out_type=(jax.ShapeDtypeStruct((_NSC // 8, 128), jnp.float32),
                  jax.ShapeDtypeStruct((512,), jnp.float32)),
        mesh=mesh,
        scratch_types=[
            pltpu.VMEM((_CHUNK, _C), jnp.float32),
            pltpu.VMEM((_RPT,), jnp.int32),
            pltpu.VMEM((_C, _C), jnp.float32),
            pltpu.VMEM((_RPT // 8, 128), jnp.float32),
            pltpu.VMEM((16,), jnp.float32),
        ],
        compiler_params=pltpu.CompilerParams(use_tc_tiling_on_sc=True),
    )
    def kernel_sc(x_hbm, lbl_hbm, tbl_hbm, se_hbm, dot_hbm,
                  xv, lblv, tblv, sev, dotv):
        wid = lax.axis_index("s") * 2 + lax.axis_index("c")
        row0 = _NTC + wid * _RPT
        pltpu.sync_copy(lbl_hbm.at[pl.ds(row0, _RPT)], lblv)
        pltpu.sync_copy(tbl_hbm, tblv)
        iota16 = lax.iota(jnp.int32, 16)
        tailmask = iota16 == 15
        dotv[pl.ds(0, 16)] = jnp.zeros((16,), jnp.float32)

        def chunk_body(ci, _):
            pltpu.sync_copy(x_hbm.at[pl.ds(row0 + ci * _CHUNK, _CHUNK)], xv)

            def group_body(g, _):
                goff = g * 16
                lbl16 = lblv[pl.ds(ci * _CHUNK + goff, 16)]
                acc_dt = jnp.zeros((16,), jnp.float32)
                for rr in range(16):
                    lbl_r = lbl16[rr]
                    acc_se = jnp.zeros((16,), jnp.float32)
                    acc_dot = jnp.zeros((16,), jnp.float32)
                    for k in range(4):
                        v = xv[goff + rr, pl.ds(k * 16, 16)]
                        t = tblv[lbl_r, pl.ds(k * 16, 16)]
                        acc_se = acc_se + jnp.exp(v)
                        acc_dot = acc_dot + t * v
                    v = xv[goff + rr, pl.ds(49, 16)]
                    t = tblv[lbl_r, pl.ds(49, 16)]
                    acc_se = acc_se + jnp.exp(jnp.where(tailmask, v, -30.0))
                    acc_dot = acc_dot + jnp.where(tailmask, t * v, 0.0)
                    acc_dt = acc_dt + acc_dot
                    r_abs = ci * _CHUNK + goff + rr
                    sev[r_abs // 8, pl.ds((r_abs % 8) * 16, 16)] = acc_se
                dotv[pl.ds(0, 16)] = dotv[pl.ds(0, 16)] + acc_dt
                return 0

            lax.fori_loop(0, _CHUNK // 16, group_body, 0)
            return 0

        lax.fori_loop(0, _RPT // _CHUNK, chunk_body, 0)
        pltpu.sync_copy(sev, se_hbm.at[pl.ds(wid * (_RPT // 8), _RPT // 8)])
        pltpu.sync_copy(dotv, dot_hbm.at[pl.ds(wid * 16, 16)])

    return kernel_sc


def kernel(cls_score, label):
    n, c = cls_score.shape
    lbl_i32 = label.astype(jnp.int32)
    se16, dotacc = _make_sc_kernel()(
        cls_score, lbl_i32, jnp.asarray(_TABLE_NP))

    grid = _NTC // _BM
    lbl3 = lbl_i32[:_NTC].reshape(grid, 1, _BM)
    main = pl.pallas_call(
        _loss_block,
        grid=(grid,),
        in_specs=[
            pl.BlockSpec((_BM, c), lambda i: (i, 0)),
            pl.BlockSpec((1, 1, _BM), lambda i: (i, 0, 0)),
            pl.BlockSpec((c + 1, c), lambda i: (0, 0)),
        ],
        out_specs=pl.BlockSpec((1, _BM), lambda i: (0, 0)),
        out_shape=jax.ShapeDtypeStruct((1, _BM), jnp.float32),
        compiler_params=pltpu.CompilerParams(
            dimension_semantics=("arbitrary",)),
    )(cls_score, lbl3, jnp.asarray(_TB2T_NP))

    lbl8 = lbl_i32[_NTC:].reshape(_NSC // 8, 8)
    fin = pl.pallas_call(
        _fin_block,
        in_specs=[
            pl.BlockSpec((_NSC // 8, 128), lambda: (0, 0)),
            pl.BlockSpec((_NSC // 8, 8), lambda: (0, 0)),
            pl.BlockSpec((4, 128), lambda: (0, 0)),
            pl.BlockSpec((128, 8), lambda: (0, 0)),
        ],
        out_specs=pl.BlockSpec((1, 1), lambda: (0, 0)),
        out_shape=jax.ShapeDtypeStruct((1, 1), jnp.float32),
    )(se16, lbl8, dotacc.reshape(4, 128), jnp.asarray(_R8_NP))

    total = jnp.sum(main) + fin[0, 0]
    return total * (_LOSS_WEIGHT / n)

# --- scband reference (transcript-rebuilt; emitter-appended) ---
"""Pipeline reference for scband-label-smooth-loss-63926293233763 (READ-ONLY COPY).

The authoritative reference and input builder live on the scoring server;
editing this copy changes nothing except your own understanding.
"""

import jax, jax.numpy as jnp
import numpy as np

CLASSES = ["c%d" % i for i in range(1, 65)]
CATE2ID = {c: i + 1 for i, c in enumerate(CLASSES)}
SMOOTHING_PAIR = {"c1": ["c2", "c3"], "c4": ["c5"], "c10": ["c11", "c12", "c13"], "c20": ["c21"], "c30": ["c31", "c32"], "c40": ["c41", "c42", "c43", "c44"], "c50": ["c51"], "c60": ["c61", "c62"]}
SMOOTHING = 0.1
CONFIDENCE = 1.0 - SMOOTHING
NUM_COLS = len(CLASSES) + 1
LOSS_WEIGHT = 1.0


def _build_table():
    # Precompute, for every possible label value, the smoothed target distribution.
    # This exactly reproduces the per-row python loop in smooth_one_hot (which only
    # depends on the label value) followed by scatter_ of `confidence` at the label index.
    table = np.zeros((NUM_COLS, NUM_COLS), dtype=np.float32)
    for lbl in range(NUM_COLS):
        if lbl > 0:
            cat = CLASSES[lbl - 1]
            if cat in SMOOTHING_PAIR:
                sls = SMOOTHING_PAIR[cat]
                sub = SMOOTHING / len(sls)
                for sl in sls:
                    table[lbl, CATE2ID[sl]] = sub
        # scatter_(1, label, confidence) applies to every row, including label == 0
        table[lbl, lbl] = CONFIDENCE
    return table

TABLE = jnp.asarray(_build_table())


def setup_inputs(seed: int = 0) -> dict:
    key = jax.random.key(seed)
    k1, k2 = jax.random.split(key)
    cls_score = jax.random.normal(k1, (131072, NUM_COLS), dtype=jnp.float32)
    label = jax.random.randint(k2, (131072,), 0, NUM_COLS)
    return {"cls_score": cls_score, "label": label}


def reference(cls_score, label):
    pred = jax.nn.log_softmax(cls_score, axis=-1)
    true_dist = jnp.take(TABLE, label, axis=0)  # gather of smoothed one-hot rows
    loss = jnp.mean(jnp.sum(-true_dist * pred, axis=-1))
    return LOSS_WEIGHT * loss

if __name__ == "__main__":
    import jax
    _d = setup_inputs()
    print(jax.jit(kernel)(*tuple(_d.values())))

</pallas_src>

<mosaic_0001>
#map = affine_map<(d0, d1) -> (0, 0)>
#map1 = affine_map<(d0, d1) -> (0)>
module attributes {stable_mosaic.version = 14 : i64} {
  func.func @kernel_sc(%arg0: i32, %arg1: i32, %arg2: memref<131072x65xf32, #tpu.memory_space<hbm>>, %arg3: memref<131072xi32, #tpu.memory_space<hbm>>, %arg4: memref<65x65xf32, #tpu.memory_space<hbm>>, %arg5: memref<4096x128xf32, #tpu.memory_space<hbm>>, %arg6: memref<512xf32, #tpu.memory_space<hbm>>, %arg7: memref<256x65xf32, #tpu.memory_space<vmem>>, %arg8: memref<1024xi32, #tpu.memory_space<vmem>>, %arg9: memref<65x65xf32, #tpu.memory_space<vmem>>, %arg10: memref<128x128xf32, #tpu.memory_space<vmem>>, %arg11: memref<16xf32, #tpu.memory_space<vmem>>) attributes {dimension_semantics = [#tpu.dimension_semantics<core_parallel>, #tpu.dimension_semantics<subcore_parallel>], iteration_bounds = array<i64: 2, 16>, scalar_prefetch = 0 : i64, scratch_operands = 5 : i64, tpu.core_type = #tpu.core_type<sc_vector_subcore>, window_params = [{transform_indices = #map}, {transform_indices = #map1}, {transform_indices = #map}, {transform_indices = #map}, {transform_indices = #map1}]} {
    %mul3A = arith.constant 2 : i32
    %mul3A_0 = arith.muli %arg1, %mul3A : i32
    %add3A = arith.addi %mul3A_0, %arg0 : i32
    %mul3A_1 = arith.constant 1024 : i32
    %mul3A_2 = arith.muli %add3A, %mul3A_1 : i32
    %add3A_3 = arith.constant 98304 : i32
    %add3A_4 = arith.addi %add3A_3, %mul3A_2 : i32
    "tpu.region"() ({
      %run_scoped3A = tpu.sem_alloc : memref<!tpu.dma_semaphore, #tpu.memory_space<semaphore_mem>>
      %dma_start3A = tpu.memref_slice %arg3[%add3A_4] : memref<131072xi32, #tpu.memory_space<hbm>> -> memref<1024xi32, #tpu.memory_space<hbm>>
      %dma_start3A_21 = tpu.memref_slice %arg3[%add3A_4] : memref<131072xi32, #tpu.memory_space<hbm>> -> memref<1024xi32, #tpu.memory_space<hbm>>
      tpu.enqueue_dma source(%dma_start3A_21 : memref<1024xi32, #tpu.memory_space<hbm>>) target(%arg8 : memref<1024xi32, #tpu.memory_space<vmem>>) target_semaphore(%run_scoped3A : memref<!tpu.dma_semaphore, #tpu.memory_space<semaphore_mem>>)
      %dma_wait3A = tpu.memref_slice %arg3[%add3A_4] : memref<131072xi32, #tpu.memory_space<hbm>> -> memref<1024xi32, #tpu.memory_space<hbm>>
      %dma_wait3A_22 = tpu.memref_slice %arg3[%add3A_4] : memref<131072xi32, #tpu.memory_space<hbm>> -> memref<1024xi32, #tpu.memory_space<hbm>>
      tpu.wait_dma2 semaphore(%run_scoped3A : memref<!tpu.dma_semaphore, #tpu.memory_space<semaphore_mem>>) src(%dma_wait3A_22 : memref<1024xi32, #tpu.memory_space<hbm>>) dst(%arg8 : memref<1024xi32, #tpu.memory_space<vmem>>)
      tpu.yield
    }) : () -> ()
    "tpu.region"() ({
      %run_scoped3A = tpu.sem_alloc : memref<!tpu.dma_semaphore, #tpu.memory_space<semaphore_mem>>
      tpu.enqueue_dma source(%arg4 : memref<65x65xf32, #tpu.memory_space<hbm>>) target(%arg9 : memref<65x65xf32, #tpu.memory_space<vmem>>) target_semaphore(%run_scoped3A : memref<!tpu.dma_semaphore, #tpu.memory_space<semaphore_mem>>)
      tpu.wait_dma2 semaphore(%run_scoped3A : memref<!tpu.dma_semaphore, #tpu.memory_space<semaphore_mem>>) src(%arg4 : memref<65x65xf32, #tpu.memory_space<hbm>>) dst(%arg9 : memref<65x65xf32, #tpu.memory_space<vmem>>)
      tpu.yield
    }) : () -> ()
    %iota3A = tpu.iota {dimensions = array<i32: 0>} : vector<16xi32>
    %eq3A = arith.constant 15 : i32
    %eq3A_5 = vector.broadcast %eq3A : i32 to vector<16xi32>
    %eq3A_6 = arith.cmpi eq, %iota3A, %eq3A_5 : vector<16xi32>
    %broadcast_in_dim3A = arith.constant 0.000000e+00 : f32
    %broadcast_in_dim3A_7 = vector.broadcast %broadcast_in_dim3A : f32 to vector<16xf32>
    %swap3A = arith.constant 0 : index
    %swap3A_8 = tpu.vector_load %arg11[%swap3A] {strides = array<i32>} : memref<16xf32, #tpu.memory_space<vmem>>, vector<16xf32>,
    %swap3A_9 = vector.shape_cast %swap3A_8 : vector<16xf32> to vector<16xf32>
    %swap3A_10 = vector.shape_cast %broadcast_in_dim3A_7 : vector<16xf32> to vector<16xf32>
    tpu.vector_store %arg11[%swap3A], %swap3A_10 {strides = array<i32>} : memref<16xf32, #tpu.memory_space<vmem>>, vector<16xf32>,
    %scan3A = arith.constant 0 : i32
    %scan3A_11 = arith.constant 0 : i32
    %scan3A_12 = arith.constant 4 : i32
    %scan3A_13 = arith.addi %scan3A_11, %scan3A_12 : i32
    %scan3A_14 = arith.constant 1 : i32
    %scan3A_15 = scf.for %scan3A_21 = %scan3A_11 to %scan3A_13 step %scan3A_14 iter_args(%scan3A_22 = %scan3A) -> (i32)  : i32 {
      %mul3A_23 = arith.constant 256 : i32
      %mul3A_24 = arith.muli %scan3A_21, %mul3A_23 : i32
      %add3A_25 = arith.addi %add3A_4, %mul3A_24 : i32
      "tpu.region"() ({
        %run_scoped3A = tpu.sem_alloc : memref<!tpu.dma_semaphore, #tpu.memory_space<semaphore_mem>>
        %dma_start3A = arith.constant 0 : i32
        %dma_start3A_34 = tpu.memref_slice %arg2[%add3A_25, %dma_start3A] : memref<131072x65xf32, #tpu.memory_space<hbm>> -> memref<256x65xf32, #tpu.memory_space<hbm>>
        %dma_start3A_35 = arith.constant 0 : i32
        %dma_start3A_36 = tpu.memref_slice %arg2[%add3A_25, %dma_start3A_35] : memref<131072x65xf32, #tpu.memory_space<hbm>> -> memref<256x65xf32, #tpu.memory_space<hbm>>
        tpu.enqueue_dma source(%dma_start3A_36 : memref<256x65xf32, #tpu.memory_space<hbm>>) target(%arg7 : memref<256x65xf32, #tpu.memory_space<vmem>>) target_semaphore(%run_scoped3A : memref<!tpu.dma_semaphore, #tpu.memory_space<semaphore_mem>>)
        %dma_wait3A = arith.constant 0 : i32
        %dma_wait3A_37 = tpu.memref_slice %arg2[%add3A_25, %dma_wait3A] : memref<131072x65xf32, #tpu.memory_space<hbm>> -> memref<256x65xf32, #tpu.memory_space<hbm>>
        %dma_wait3A_38 = arith.constant 0 : i32
        %dma_wait3A_39 = tpu.memref_slice %arg2[%add3A_25, %dma_wait3A_38] : memref<131072x65xf32, #tpu.memory_space<hbm>> -> memref<256x65xf32, #tpu.memory_space<hbm>>
        tpu.wait_dma2 semaphore(%run_scoped3A : memref<!tpu.dma_semaphore, #tpu.memory_space<semaphore_mem>>) src(%dma_wait3A_39 : memref<256x65xf32, #tpu.memory_space<hbm>>) dst(%arg7 : memref<256x65xf32, #tpu.memory_space<vmem>>)
        tpu.yield
      }) : () -> ()
      %scan3A_26 = arith.constant 0 : i32
      %scan3A_27 = arith.constant 0 : i32
      %scan3A_28 = arith.constant 16 : i32
      %scan3A_29 = arith.addi %scan3A_27, %scan3A_28 : i32
      %scan3A_30 = arith.constant 1 : i32
      %scan3A_31 = scf.for %scan3A_34 = %scan3A_27 to %scan3A_29 step %scan3A_30 iter_args(%scan3A_35 = %scan3A_26) -> (i32)  : i32 {
        %mul3A_36 = arith.constant 16 : i32
        %mul3A_37 = arith.muli %scan3A_34, %mul3A_36 : i32
        %mul3A_38 = arith.constant 256 : i32
        %mul3A_39 = arith.muli %scan3A_21, %mul3A_38 : i32
        %add3A_40 = arith.addi %mul3A_39, %mul3A_37 : i32
        %get3A = arith.index_cast %add3A_40 : i32 to index
        %get3A_41 = tpu.vector_load %arg8[%get3A] {strides = array<i32>} : memref<1024xi32, #tpu.memory_space<vmem>>, vector<16xi32>,
        %get3A_42 = vector.shape_cast %get3A_41 : vector<16xi32> to vector<16xi32>
        %broadcast_in_dim3A_43 = arith.constant 0.000000e+00 : f32
        %broadcast_in_dim3A_44 = vector.broadcast %broadcast_in_dim3A_43 : f32 to vector<16xf32>
        %slice3A = vector.extract_strided_slice %get3A_42 {offsets = [0], sizes = [1], strides = [1]} : vector<16xi32> to vector<1xi32>
        %squeeze3A = vector.extract %slice3A[0] : i32 from vector<1xi32>
        %broadcast_in_dim3A_45 = arith.constant 0.000000e+00 : f32
        %broadcast_in_dim3A_46 = vector.broadcast %broadcast_in_dim3A_45 : f32 to vector<16xf32>
        %broadcast_in_dim3A_47 = arith.constant 0.000000e+00 : f32
        %broadcast_in_dim3A_48 = vector.broadcast %broadcast_in_dim3A_47 : f32 to vector<16xf32>
        %add3A_49 = arith.constant 0 : i32
        %add3A_50 = arith.addi %mul3A_37, %add3A_49 : i32
        %get3A_51 = arith.index_cast %add3A_50 : i32 to index
        %get3A_52 = arith.constant 0 : index
        %get3A_53 = tpu.vector_load %arg7[%get3A_51, %get3A_52] {strides = array<i32>} : memref<256x65xf32, #tpu.memory_space<vmem>>, vector<1x16xf32>,
        %get3A_54 = vector.shape_cast %get3A_53 : vector<1x16xf32> to vector<16xf32>
        %get3A_55 = arith.index_cast %squeeze3A : i32 to index
        %get3A_56 = arith.constant 0 : index
        %get3A_57 = tpu.vector_load %arg9[%get3A_55, %get3A_56] {strides = array<i32>} : memref<65x65xf32, #tpu.memory_space<vmem>>, vector<1x16xf32>,
        %get3A_58 = vector.shape_cast %get3A_57 : vector<1x16xf32> to vector<16xf32>
        %exp3A = math.exp %get3A_54 : vector<16xf32>
        %add3A_59 = arith.addf %broadcast_in_dim3A_46, %exp3A : vector<16xf32>
        %mul3A_60 = arith.mulf %get3A_58, %get3A_54 : vector<16xf32>
        %add3A_61 = arith.addf %broadcast_in_dim3A_48, %mul3A_60 : vector<16xf32>
        %add3A_62 = arith.constant 0 : i32
        %add3A_63 = arith.addi %mul3A_37, %add3A_62 : i32
        %get3A_64 = arith.index_cast %add3A_63 : i32 to index
        %get3A_65 = arith.constant 16 : index
        %get3A_66 = tpu.vector_load %arg7[%get3A_64, %get3A_65] {strides = array<i32>} : memref<256x65xf32, #tpu.memory_space<vmem>>, vector<1x16xf32>,
        %get3A_67 = vector.shape_cast %get3A_66 : vector<1x16xf32> to vector<16xf32>
        %get3A_68 = arith.index_cast %squeeze3A : i32 to index
        %get3A_69 = arith.constant 16 : index
        %get3A_70 = tpu.vector_load %arg9[%get3A_68, %get3A_69] {strides = array<i32>} : memref<65x65xf32, #tpu.memory_space<vmem>>, vector<1x16xf32>,
        %get3A_71 = vector.shape_cast %get3A_70 : vector<1x16xf32> to vector<16xf32>
        %exp3A_72 = math.exp %get3A_67 : vector<16xf32>
        %add3A_73 = arith.addf %add3A_59, %exp3A_72 : vector<16xf32>
        %mul3A_74 = arith.mulf %get3A_71, %get3A_67 : vector<16xf32>
        %add3A_75 = arith.addf %add3A_61, %mul3A_74 : vector<16xf32>
        %add3A_76 = arith.constant 0 : i32
        %add3A_77 = arith.addi %mul3A_37, %add3A_76 : i32
        %get3A_78 = arith.index_cast %add3A_77 : i32 to index
        %get3A_79 = arith.constant 32 : index
        %get3A_80 = tpu.vector_load %arg7[%get3A_78, %get3A_79] {strides = array<i32>} : memref<256x65xf32, #tpu.memory_space<vmem>>, vector<1x16xf32>,
        %get3A_81 = vector.shape_cast %get3A_80 : vector<1x16xf32> to vector<16xf32>
        %get3A_82 = arith.index_cast %squeeze3A : i32 to index
        %get3A_83 = arith.constant 32 : index
        %get3A_84 = tpu.vector_load %arg9[%get3A_82, %get3A_83] {strides = array<i32>} : memref<65x65xf32, #tpu.memory_space<vmem>>, vector<1x16xf32>,
        %get3A_85 = vector.shape_cast %get3A_84 : vector<1x16xf32> to vector<16xf32>
        %exp3A_86 = math.exp %get3A_81 : vector<16xf32>
        %add3A_87 = arith.addf %add3A_73, %exp3A_86 : vector<16xf32>
        %mul3A_88 = arith.mulf %get3A_85, %get3A_81 : vector<16xf32>
        %add3A_89 = arith.addf %add3A_75, %mul3A_88 : vector<16xf32>
        %add3A_90 = arith.constant 0 : i32
        %add3A_91 = arith.addi %mul3A_37, %add3A_90 : i32
        %get3A_92 = arith.index_cast %add3A_91 : i32 to index
        %get3A_93 = arith.constant 48 : index
        %get3A_94 = tpu.vector_load %arg7[%get3A_92, %get3A_93] {strides = array<i32>} : memref<256x65xf32, #tpu.memory_space<vmem>>, vector<1x16xf32>,
        %get3A_95 = vector.shape_cast %get3A_94 : vector<1x16xf32> to vector<16xf32>
        %get3A_96 = arith.index_cast %squeeze3A : i32 to index
        %get3A_97 = arith.constant 48 : index
        %get3A_98 = tpu.vector_load %arg9[%get3A_96, %get3A_97] {strides = array<i32>} : memref<65x65xf32, #tpu.memory_space<vmem>>, vector<1x16xf32>,
        %get3A_99 = vector.shape_cast %get3A_98 : vector<1x16xf32> to vector<16xf32>
        %exp3A_100 = math.exp %get3A_95 : vector<16xf32>
        %add3A_101 = arith.addf %add3A_87, %exp3A_100 : vector<16xf32>
        %mul3A_102 = arith.mulf %get3A_99, %get3A_95 : vector<16xf32>
        %add3A_103 = arith.addf %add3A_89, %mul3A_102 : vector<16xf32>
        %add3A_104 = arith.constant 0 : i32
        %add3A_105 = arith.addi %mul3A_37, %add3A_104 : i32
        %get3A_106 = arith.index_cast %add3A_105 : i32 to index
        %get3A_107 = arith.constant 49 : index
        %get3A_108 = tpu.vector_load %arg7[%get3A_106, %get3A_107] {strides = array<i32>} : memref<256x65xf32, #tpu.memory_space<vmem>>, vector<1x16xf32>,
        %get3A_109 = vector.shape_cast %get3A_108 : vector<1x16xf32> to vector<16xf32>
        %get3A_110 = arith.index_cast %squeeze3A : i32 to index
        %get3A_111 = arith.constant 49 : index
        %get3A_112 = tpu.vector_load %arg9[%get3A_110, %get3A_111] {strides = array<i32>} : memref<65x65xf32, #tpu.memory_space<vmem>>, vector<1x16xf32>,
        %get3A_113 = vector.shape_cast %get3A_112 : vector<1x16xf32> to vector<16xf32>
        %jit3A = arith.constant -3.000000e+01 : f32
        %broadcast_in_dim3A_114 = vector.broadcast %jit3A : f32 to vector<16xf32>
        %select_n3A = arith.select %eq3A_6, %get3A_109, %broadcast_in_dim3A_114 : vector<16xi1>, vector<16xf32>
        %exp3A_115 = math.exp %select_n3A : vector<16xf32>
        %add3A_116 = arith.addf %add3A_101, %exp3A_115 : vector<16xf32>
        %mul3A_117 = arith.mulf %get3A_113, %get3A_109 : vector<16xf32>
        %jit3A_118 = arith.constant 0.000000e+00 : f32
        %broadcast_in_dim3A_119 = vector.broadcast %jit3A_118 : f32 to vector<16xf32>
        %select_n3A_120 = arith.select %eq3A_6, %mul3A_117, %broadcast_in_dim3A_119 : vector<16xi1>, vector<16xf32>
        %add3A_121 = arith.addf %add3A_103, %select_n3A_120 : vector<16xf32>
        %add3A_122 = arith.addf %broadcast_in_dim3A_44, %add3A_121 : vector<16xf32>
        %mul3A_123 = arith.constant 256 : i32
        %mul3A_124 = arith.muli %scan3A_21, %mul3A_123 : i32
        %add3A_125 = arith.addi %mul3A_124, %mul3A_37 : i32
        %add3A_126 = arith.constant 0 : i32
        %add3A_127 = arith.addi %add3A_125, %add3A_126 : i32
        %jit3A_128 = arith.constant 8 : i32
        %div3A = arith.divsi %add3A_127, %jit3A_128 : i32
        %sign3A = arith.constant 0 : i32
        %sign3A_129 = arith.cmpi sgt, %add3A_127, %sign3A : i32
        %sign3A_130 = arith.extui %sign3A_129 : i1 to i32
        %sign3A_131 = arith.constant 0 : i32
        %sign3A_132 = arith.cmpi slt, %add3A_127, %sign3A_131 : i32
        %sign3A_133 = arith.extui %sign3A_132 : i1 to i32
        %sign3A_134 = arith.subi %sign3A_130, %sign3A_133 : i32
        %sign3A_135 = arith.constant 0 : i32
        %sign3A_136 = arith.cmpi sgt, %jit3A_128, %sign3A_135 : i32
        %sign3A_137 = arith.extui %sign3A_136 : i1 to i32
        %sign3A_138 = arith.constant 0 : i32
        %sign3A_139 = arith.cmpi slt, %jit3A_128, %sign3A_138 : i32
        %sign3A_140 = arith.extui %sign3A_139 : i1 to i32
        %sign3A_141 = arith.subi %sign3A_137, %sign3A_140 : i32
        %ne3A = arith.cmpi ne, %sign3A_134, %sign3A_141 : i32
        %rem3A = arith.remsi %add3A_127, %jit3A_128 : i32
        %ne3A_142 = arith.constant 0 : i32
        %ne3A_143 = arith.cmpi ne, %rem3A, %ne3A_142 : i32
        %and3A = arith.andi %ne3A, %ne3A_143 : i1
        %sub3A = arith.constant 1 : i32
        %sub3A_144 = arith.subi %div3A, %sub3A : i32
        %select_n3A_145 = arith.select %and3A, %sub3A_144, %div3A : i32
        %jit3A_146 = arith.constant 8 : i32
        %eq3A_147 = arith.constant 0 : i32
        %eq3A_148 = arith.cmpi eq, %jit3A_146, %eq3A_147 : i32
        %jit3A_149 = arith.constant 1 : i32
        %select_n3A_150 = arith.select %eq3A_148, %jit3A_149, %jit3A_146 : i32
        %rem3A_151 = arith.remsi %add3A_127, %select_n3A_150 : i32
        %ne3A_152 = arith.constant 0 : i32
        %ne3A_153 = arith.cmpi ne, %rem3A_151, %ne3A_152 : i32
        %lt3A = arith.constant 0 : i32
        %lt3A_154 = arith.cmpi slt, %rem3A_151, %lt3A : i32
        %lt3A_155 = arith.constant 0 : i32
        %lt3A_156 = arith.cmpi slt, %select_n3A_150, %lt3A_155 : i32
        %ne3A_157 = arith.xori %lt3A_154, %lt3A_156 : i1
        %and3A_158 = arith.andi %ne3A_157, %ne3A_153 : i1
        %add3A_159 = arith.addi %rem3A_151, %select_n3A_150 : i32
        %select_n3A_160 = arith.select %and3A_158, %add3A_159, %rem3A_151 : i32
        %mul3A_161 = arith.constant 16 : i32
        %mul3A_162 = arith.muli %select_n3A_160, %mul3A_161 : i32
        %swap3A_163 = arith.index_cast %select_n3A_145 : i32 to index
        %swap3A_164 = arith.index_cast %mul3A_162 : i32 to index
        %swap3A_165 = tpu.vector_load %arg10[%swap3A_163, %swap3A_164] {strides = array<i32>} : memref<128x128xf32, #tpu.memory_space<vmem>>, vector<1x16xf32>,
        %swap3A_166 = vector.shape_cast %swap3A_165 : vector<1x16xf32> to vector<16xf32>
        %swap3A_167 = vector.shape_cast %add3A_116 : vector<16xf32> to vector<1x16xf32>
        tpu.vector_store %arg10[%swap3A_163, %swap3A_164], %swap3A_167 {strides = array<i32>} : memref<128x128xf32, #tpu.memory_space<vmem>>, vector<1x16xf32>,
        %slice3A_168 = vector.extract_strided_slice %get3A_42 {offsets = [1], sizes = [1], strides = [1]} : vector<16xi32> to vector<1xi32>
        %squeeze3A_169 = vector.extract %slice3A_168[0] : i32 from vector<1xi32>
        %broadcast_in_dim3A_170 = arith.constant 0.000000e+00 : f32
        %broadcast_in_dim3A_171 = vector.broadcast %broadcast_in_dim3A_170 : f32 to vector<16xf32>
        %broadcast_in_dim3A_172 = arith.constant 0.000000e+00 : f32
        %broadcast_in_dim3A_173 = vector.broadcast %broadcast_in_dim3A_172 : f32 to vector<16xf32>
        %add3A_174 = arith.constant 1 : i32
        %add3A_175 = arith.addi %mul3A_37, %add3A_174 : i32
        %get3A_176 = arith.index_cast %add3A_175 : i32 to index
        %get3A_177 = arith.constant 0 : index
        %get3A_178 = tpu.vector_load %arg7[%get3A_176, %get3A_177] {strides = array<i32>} : memref<256x65xf32, #tpu.memory_space<vmem>>, vector<1x16xf32>,
        %get3A_179 = vector.shape_cast %get3A_178 : vector<1x16xf32> to vector<16xf32>
        %get3A_180 = arith.index_cast %squeeze3A_169 : i32 to index
        %get3A_181 = arith.constant 0 : index
        %get3A_182 = tpu.vector_load %arg9[%get3A_180, %get3A_181] {strides = array<i32>} : memref<65x65xf32, #tpu.memory_space<vmem>>, vector<1x16xf32>,
        %get3A_183 = vector.shape_cast %get3A_182 : vector<1x16xf32> to vector<16xf32>
        %exp3A_184 = math.exp %get3A_179 : vector<16xf32>
        %add3A_185 = arith.addf %broadcast_in_dim3A_171, %exp3A_184 : vector<16xf32>
        %mul3A_186 = arith.mulf %get3A_183, %get3A_179 : vector<16xf32>
        %add3A_187 = arith.addf %broadcast_in_dim3A_173, %mul3A_186 : vector<16xf32>
        %add3A_188 = arith.constant 1 : i32
        %add3A_189 = arith.addi %mul3A_37, %add3A_188 : i32
        %get3A_190 = arith.index_cast %add3A_189 : i32 to index
        %get3A_191 = arith.constant 16 : index
        %get3A_192 = tpu.vector_load %arg7[%get3A_190, %get3A_191] {strides = array<i32>} : memref<256x65xf32, #tpu.memory_space<vmem>>, vector<1x16xf32>,
        %get3A_193 = vector.shape_cast %get3A_192 : vector<1x16xf32> to vector<16xf32>
        %get3A_194 = arith.index_cast %squeeze3A_169 : i32 to index
        %get3A_195 = arith.constant 16 : index
        %get3A_196 = tpu.vector_load %arg9[%get3A_194, %get3A_195] {strides = array<i32>} : memref<65x65xf32, #tpu.memory_space<vmem>>, vector<1x16xf32>,
        %get3A_197 = vector.shape_cast %get3A_196 : vector<1x16xf32> to vector<16xf32>
        %exp3A_198 = math.exp %get3A_193 : vector<16xf32>
        %add3A_199 = arith.addf %add3A_185, %exp3A_198 : vector<16xf32>
        %mul3A_200 = arith.mulf %get3A_197, %get3A_193 : vector<16xf32>
        %add3A_201 = arith.addf %add3A_187, %mul3A_200 : vector<16xf32>
        %add3A_202 = arith.constant 1 : i32
        %add3A_203 = arith.addi %mul3A_37, %add3A_202 : i32
        %get3A_204 = arith.index_cast %add3A_203 : i32 to index
        %get3A_205 = arith.constant 32 : index
        %get3A_206 = tpu.vector_load %arg7[%get3A_204, %get3A_205] {strides = array<i32>} : memref<256x65xf32, #tpu.memory_space<vmem>>, vector<1x16xf32>,
        %get3A_207 = vector.shape_cast %get3A_206 : vector<1x16xf32> to vector<16xf32>
        %get3A_208 = arith.index_cast %squeeze3A_169 : i32 to index
        %get3A_209 = arith.constant 32 : index
        %get3A_210 = tpu.vector_load %arg9[%get3A_208, %get3A_209] {strides = array<i32>} : memref<65x65xf32, #tpu.memory_space<vmem>>, vector<1x16xf32>,
        %get3A_211 = vector.shape_cast %get3A_210 : vector<1x16xf32> to vector<16xf32>
        %exp3A_212 = math.exp %get3A_207 : vector<16xf32>
        %add3A_213 = arith.addf %add3A_199, %exp3A_212 : vector<16xf32>
        %mul3A_214 = arith.mulf %get3A_211, %get3A_207 : vector<16xf32>
        %add3A_215 = arith.addf %add3A_201, %mul3A_214 : vector<16xf32>
        %add3A_216 = arith.constant 1 : i32
        %add3A_217 = arith.addi %mul3A_37, %add3A_216 : i32
        %get3A_218 = arith.index_cast %add3A_217 : i32 to index
        %get3A_219 = arith.constant 48 : index
        %get3A_220 = tpu.vector_load %arg7[%get3A_218, %get3A_219] {strides = array<i32>} : memref<256x65xf32, #tpu.memory_space<vmem>>, vector<1x16xf32>,
        %get3A_221 = vector.shape_cast %get3A_220 : vector<1x16xf32> to vector<16xf32>
        %get3A_222 = arith.index_cast %squeeze3A_169 : i32 to index
        %get3A_223 = arith.constant 48 : index
        %get3A_224 = tpu.vector_load %arg9[%get3A_222, %get3A_223] {strides = array<i32>} : memref<65x65xf32, #tpu.memory_space<vmem>>, vector<1x16xf32>,
        %get3A_225 = vector.shape_cast %get3A_224 : vector<1x16xf32> to vector<16xf32>
        %exp3A_226 = math.exp %get3A_221 : vector<16xf32>
        %add3A_227 = arith.addf %add3A_213, %exp3A_226 : vector<16xf32>
        %mul3A_228 = arith.mulf %get3A_225, %get3A_221 : vector<16xf32>
        %add3A_229 = arith.addf %add3A_215, %mul3A_228 : vector<16xf32>
        %add3A_230 = arith.constant 1 : i32
        %add3A_231 = arith.addi %mul3A_37, %add3A_230 : i32
        %get3A_232 = arith.index_cast %add3A_231 : i32 to index
        %get3A_233 = arith.constant 49 : index
        %get3A_234 = tpu.vector_load %arg7[%get3A_232, %get3A_233] {strides = array<i32>} : memref<256x65xf32, #tpu.memory_space<vmem>>, vector<1x16xf32>,
        %get3A_235 = vector.shape_cast %get3A_234 : vector<1x16xf32> to vector<16xf32>
        %get3A_236 = arith.index_cast %squeeze3A_169 : i32 to index
        %get3A_237 = arith.constant 49 : index
        %get3A_238 = tpu.vector_load %arg9[%get3A_236, %get3A_237] {strides = array<i32>} : memref<65x65xf32, #tpu.memory_space<vmem>>, vector<1x16xf32>,
        %get3A_239 = vector.shape_cast %get3A_238 : vector<1x16xf32> to vector<16xf32>
        %jit3A_240 = arith.constant -3.000000e+01 : f32
        %broadcast_in_dim3A_241 = vector.broadcast %jit3A_240 : f32 to vector<16xf32>
        %select_n3A_242 = arith.select %eq3A_6, %get3A_235, %broadcast_in_dim3A_241 : vector<16xi1>, vector<16xf32>
        %exp3A_243 = math.exp %select_n3A_242 : vector<16xf32>
        %add3A_244 = arith.addf %add3A_227, %exp3A_243 : vector<16xf32>
        %mul3A_245 = arith.mulf %get3A_239, %get3A_235 : vector<16xf32>
        %jit3A_246 = arith.constant 0.000000e+00 : f32
        %broadcast_in_dim3A_247 = vector.broadcast %jit3A_246 : f32 to vector<16xf32>
        %select_n3A_248 = arith.select %eq3A_6, %mul3A_245, %broadcast_in_dim3A_247 : vector<16xi1>, vector<16xf32>
        %add3A_249 = arith.addf %add3A_229, %select_n3A_248 : vector<16xf32>
        %add3A_250 = arith.addf %add3A_122, %add3A_249 : vector<16xf32>
        %mul3A_251 = arith.constant 256 : i32
        %mul3A_252 = arith.muli %scan3A_21, %mul3A_251 : i32
        %add3A_253 = arith.addi %mul3A_252, %mul3A_37 : i32
        %add3A_254 = arith.constant 1 : i32
        %add3A_255 = arith.addi %add3A_253, %add3A_254 : i32
        %jit3A_256 = arith.constant 8 : i32
        %div3A_257 = arith.divsi %add3A_255, %jit3A_256 : i32
        %sign3A_258 = arith.constant 0 : i32
        %sign3A_259 = arith.cmpi sgt, %add3A_255, %sign3A_258 : i32
        %sign3A_260 = arith.extui %sign3A_259 : i1 to i32
        %sign3A_261 = arith.constant 0 : i32
        %sign3A_262 = arith.cmpi slt, %add3A_255, %sign3A_261 : i32
        %sign3A_263 = arith.extui %sign3A_262 : i1 to i32
        %sign3A_264 = arith.subi %sign3A_260, %sign3A_263 : i32
        %sign3A_265 = arith.constant 0 : i32
        %sign3A_266 = arith.cmpi sgt, %jit3A_256, %sign3A_265 : i32
        %sign3A_267 = arith.extui %sign3A_266 : i1 to i32
        %sign3A_268 = arith.constant 0 : i32
        %sign3A_269 = arith.cmpi slt, %jit3A_256, %sign3A_268 : i32
        %sign3A_270 = arith.extui %sign3A_269 : i1 to i32
        %sign3A_271 = arith.subi %sign3A_267, %sign3A_270 : i32
        %ne3A_272 = arith.cmpi ne, %sign3A_264, %sign3A_271 : i32
        %rem3A_273 = arith.remsi %add3A_255, %jit3A_256 : i32
        %ne3A_274 = arith.constant 0 : i32
        %ne3A_275 = arith.cmpi ne, %rem3A_273, %ne3A_274 : i32
        %and3A_276 = arith.andi %ne3A_272, %ne3A_275 : i1
        %sub3A_277 = arith.constant 1 : i32
        %sub3A_278 = arith.subi %div3A_257, %sub3A_277 : i32
        %select_n3A_279 = arith.select %and3A_276, %sub3A_278, %div3A_257 : i32
        %jit3A_280 = arith.constant 8 : i32
        %eq3A_281 = arith.constant 0 : i32
        %eq3A_282 = arith.cmpi eq, %jit3A_280, %eq3A_281 : i32
        %jit3A_283 = arith.constant 1 : i32
        %select_n3A_284 = arith.select %eq3A_282, %jit3A_283, %jit3A_280 : i32
        %rem3A_285 = arith.remsi %add3A_255, %select_n3A_284 : i32
        %ne3A_286 = arith.constant 0 : i32
        %ne3A_287 = arith.cmpi ne, %rem3A_285, %ne3A_286 : i32
        %lt3A_288 = arith.constant 0 : i32
        %lt3A_289 = arith.cmpi slt, %rem3A_285, %lt3A_288 : i32
        %lt3A_290 = arith.constant 0 : i32
        %lt3A_291 = arith.cmpi slt, %select_n3A_284, %lt3A_290 : i32
        %ne3A_292 = arith.xori %lt3A_289, %lt3A_291 : i1
        %and3A_293 = arith.andi %ne3A_292, %ne3A_287 : i1
        %add3A_294 = arith.addi %rem3A_285, %select_n3A_284 : i32
        %select_n3A_295 = arith.select %and3A_293, %add3A_294, %rem3A_285 : i32
        %mul3A_296 = arith.constant 16 : i32
        %mul3A_297 = arith.muli %select_n3A_295, %mul3A_296 : i32
        %swap3A_298 = arith.index_cast %select_n3A_279 : i32 to index
        %swap3A_299 = arith.index_cast %mul3A_297 : i32 to index
        %swap3A_300 = tpu.vector_load %arg10[%swap3A_298, %swap3A_299] {strides = array<i32>} : memref<128x128xf32, #tpu.memory_space<vmem>>, vector<1x16xf32>,
        %swap3A_301 = vector.shape_cast %swap3A_300 : vector<1x16xf32> to vector<16xf32>
        %swap3A_302 = vector.shape_cast %add3A_244 : vector<16xf32> to vector<1x16xf32>
        tpu.vector_store %arg10[%swap3A_298, %swap3A_299], %swap3A_302 {strides = array<i32>} : memref<128x128xf32, #tpu.memory_space<vmem>>, vector<1x16xf32>,
        %slice3A_303 = vector.extract_strided_slice %get3A_42 {offsets = [2], sizes = [1], strides = [1]} : vector<16xi32> to vector<1xi32>
        %squeeze3A_304 = vector.extract %slice3A_303[0] : i32 from vector<1xi32>
        %broadcast_in_dim3A_305 = arith.constant 0.000000e+00 : f32
        %broadcast_in_dim3A_306 = vector.broadcast %broadcast_in_dim3A_305 : f32 to vector<16xf32>
        %broadcast_in_dim3A_307 = arith.constant 0.000000e+00 : f32
        %broadcast_in_dim3A_308 = vector.broadcast %broadcast_in_dim3A_307 : f32 to vector<16xf32>
        %add3A_309 = arith.constant 2 : i32
        %add3A_310 = arith.addi %mul3A_37, %add3A_309 : i32
        %get3A_311 = arith.index_cast %add3A_310 : i32 to index
        %get3A_312 = arith.constant 0 : index
        %get3A_313 = tpu.vector_load %arg7[%get3A_311, %get3A_312] {strides = array<i32>} : memref<256x65xf32, #tpu.memory_space<vmem>>, vector<1x16xf32>,
        %get3A_314 = vector.shape_cast %get3A_313 : vector<1x16xf32> to vector<16xf32>
        %get3A_315 = arith.index_cast %squeeze3A_304 : i32 to index
        %get3A_316 = arith.constant 0 : index
        %get3A_317 = tpu.vector_load %arg9[%get3A_315, %get3A_316] {strides = array<i32>} : memref<65x65xf32, #tpu.memory_space<vmem>>, vector<1x16xf32>,
        %get3A_318 = vector.shape_cast %get3A_317 : vector<1x16xf32> to vector<16xf32>
        %exp3A_319 = math.exp %get3A_314 : vector<16xf32>
        %add3A_320 = arith.addf %broadcast_in_dim3A_306, %exp3A_319 : vector<16xf32>
        %mul3A_321 = arith.mulf %get3A_318, %get3A_314 : vector<16xf32>
        %add3A_322 = arith.addf %broadcast_in_dim3A_308, %mul3A_321 : vector<16xf32>
        %add3A_323 = arith.constant 2 : i32
        %add3A_324 = arith.addi %mul3A_37, %add3A_323 : i32
        %get3A_325 = arith.index_cast %add3A_324 : i32 to index
        %get3A_326 = arith.constant 16 : index
        %get3A_327 = tpu.vector_load %arg7[%get3A_325, %get3A_326] {strides = array<i32>} : memref<256x65xf32, #tpu.memory_space<vmem>>, vector<1x16xf32>,
        %get3A_328 = vector.shape_cast %get3A_327 : vector<1x16xf32> to vector<16xf32>
        %get3A_329 = arith.index_cast %squeeze3A_304 : i32 to index
        %get3A_330 = arith.constant 16 : index
        %get3A_331 = tpu.vector_load %arg9[%get3A_329, %get3A_330] {strides = array<i32>} : memref<65x65xf32, #tpu.memory_space<vmem>>, vector<1x16xf32>,
        %get3A_332 = vector.shape_cast %get3A_331 : vector<1x16xf32> to vector<16xf32>
        %exp3A_333 = math.exp %get3A_328 : vector<16xf32>
        %add3A_334 = arith.addf %add3A_320, %exp3A_333 : vector<16xf32>
        %mul3A_335 = arith.mulf %get3A_332, %get3A_328 : vector<16xf32>
        %add3A_336 = arith.addf %add3A_322, %mul3A_335 : vector<16xf32>
        %add3A_337 = arith.constant 2 : i32
        %add3A_338 = arith.addi %mul3A_37, %add3A_337 : i32
        %get3A_339 = arith.index_cast %add3A_338 : i32 to index
        %get3A_340 = arith.constant 32 : index
        %get3A_341 = tpu.vector_load %arg7[%get3A_339, %get3A_340] {strides = array<i32>} : memref<256x65xf32, #tpu.memory_space<vmem>>, vector<1x16xf32>,
        %get3A_342 = vector.shape_cast %get3A_341 : vector<1x16xf32> to vector<16xf32>
        %get3A_343 = arith.index_cast %squeeze3A_304 : i32 to index
        %get3A_344 = arith.constant 32 : index
        %get3A_345 = tpu.vector_load %arg9[%get3A_343, %get3A_344] {strides = array<i32>} : memref<65x65xf32, #tpu.memory_space<vmem>>, vector<1x16xf32>,
        %get3A_346 = vector.shape_cast %get3A_345 : vector<1x16xf32> to vector<16xf32>
        %exp3A_347 = math.exp %get3A_342 : vector<16xf32>
        %add3A_348 = arith.addf %add3A_334, %exp3A_347 : vector<16xf32>
        %mul3A_349 = arith.mulf %get3A_346, %get3A_342 : vector<16xf32>
        %add3A_350 = arith.addf %add3A_336, %mul3A_349 : vector<16xf32>
        %add3A_351 = arith.constant 2 : i32
        %add3A_352 = arith.addi %mul3A_37, %add3A_351 : i32
        %get3A_353 = arith.index_cast %add3A_352 : i32 to index
        %get3A_354 = arith.constant 48 : index
        %get3A_355 = tpu.vector_load %arg7[%get3A_353, %get3A_354] {strides = array<i32>} : memref<256x65xf32, #tpu.memory_space<vmem>>, vector<1x16xf32>,
        %get3A_356 = vector.shape_cast %get3A_355 : vector<1x16xf32> to vector<16xf32>
        %get3A_357 = arith.index_cast %squeeze3A_304 : i32 to index
        %get3A_358 = arith.constant 48 : index
        %get3A_359 = tpu.vector_load %arg9[%get3A_357, %get3A_358] {strides = array<i32>} : memref<65x65xf32, #tpu.memory_space<vmem>>, vector<1x16xf32>,
        %get3A_360 = vector.shape_cast %get3A_359 : vector<1x16xf32> to vector<16xf32>
        %exp3A_361 = math.exp %get3A_356 : vector<16xf32>
        %add3A_362 = arith.addf %add3A_348, %exp3A_361 : vector<16xf32>
        %mul3A_363 = arith.mulf %get3A_360, %get3A_356 : vector<16xf32>
        %add3A_364 = arith.addf %add3A_350, %mul3A_363 : vector<16xf32>
        %add3A_365 = arith.constant 2 : i32
        %add3A_366 = arith.addi %mul3A_37, %add3A_365 : i32
        %get3A_367 = arith.index_cast %add3A_366 : i32 to index
        %get3A_368 = arith.constant 49 : index
        %get3A_369 = tpu.vector_load %arg7[%get3A_367, %get3A_368] {strides = array<i32>} : memref<256x65xf32, #tpu.memory_space<vmem>>, vector<1x16xf32>,
        %get3A_370 = vector.shape_cast %get3A_369 : vector<1x16xf32> to vector<16xf32>
        %get3A_371 = arith.index_cast %squeeze3A_304 : i32 to index
        %get3A_372 = arith.constant 49 : index
        %get3A_373 = tpu.vector_load %arg9[%get3A_371, %get3A_372] {strides = array<i32>} : memref<65x65xf32, #tpu.memory_space<vmem>>, vector<1x16xf32>,
        %get3A_374 = vector.shape_cast %get3A_373 : vector<1x16xf32> to vector<16xf32>
        %jit3A_375 = arith.constant -3.000000e+01 : f32
        %broadcast_in_dim3A_376 = vector.broadcast %jit3A_375 : f32 to vector<16xf32>
        %select_n3A_377 = arith.select %eq3A_6, %get3A_370, %broadcast_in_dim3A_376 : vector<16xi1>, vector<16xf32>
        %exp3A_378 = math.exp %select_n3A_377 : vector<16xf32>
        %add3A_379 = arith.addf %add3A_362, %exp3A_378 : vector<16xf32>
        %mul3A_380 = arith.mulf %get3A_374, %get3A_370 : vector<16xf32>
        %jit3A_381 = arith.constant 0.000000e+00 : f32
        %broadcast_in_dim3A_382 = vector.broadcast %jit3A_381 : f32 to vector<16xf32>
        %select_n3A_383 = arith.select %eq3A_6, %mul3A_380, %broadcast_in_dim3A_382 : vector<16xi1>, vector<16xf32>
        %add3A_384 = arith.addf %add3A_364, %select_n3A_383 : vector<16xf32>
        %add3A_385 = arith.addf %add3A_250, %add3A_384 : vector<16xf32>
        %mul3A_386 = arith.constant 256 : i32
        %mul3A_387 = arith.muli %scan3A_21, %mul3A_386 : i32
        %add3A_388 = arith.addi %mul3A_387, %mul3A_37 : i32
        %add3A_389 = arith.constant 2 : i32
        %add3A_390 = arith.addi %add3A_388, %add3A_389 : i32
        %jit3A_391 = arith.constant 8 : i32
        %div3A_392 = arith.divsi %add3A_390, %jit3A_391 : i32
        %sign3A_393 = arith.constant 0 : i32
        %sign3A_394 = arith.cmpi sgt, %add3A_390, %sign3A_393 : i32
        %sign3A_395 = arith.extui %sign3A_394 : i1 to i32
        %sign3A_396 = arith.constant 0 : i32
        %sign3A_397 = arith.cmpi slt, %add3A_390, %sign3A_396 : i32
        %sign3A_398 = arith.extui %sign3A_397 : i1 to i32
        %sign3A_399 = arith.subi %sign3A_395, %sign3A_398 : i32
        %sign3A_400 = arith.constant 0 : i32
        %sign3A_401 = arith.cmpi sgt, %jit3A_391, %sign3A_400 : i32
        %sign3A_402 = arith.extui %sign3A_401 : i1 to i32
        %sign3A_403 = arith.constant 0 : i32
        %sign3A_404 = arith.cmpi slt, %jit3A_391, %sign3A_403 : i32
        %sign3A_405 = arith.extui %sign3A_404 : i1 to i32
        %sign3A_406 = arith.subi %sign3A_402, %sign3A_405 : i32
        %ne3A_407 = arith.cmpi ne, %sign3A_399, %sign3A_406 : i32
        %rem3A_408 = arith.remsi %add3A_390, %jit3A_391 : i32
        %ne3A_409 = arith.constant 0 : i32
        %ne3A_410 = arith.cmpi ne, %rem3A_408, %ne3A_409 : i32
        %and3A_411 = arith.andi %ne3A_407, %ne3A_410 : i1
        %sub3A_412 = arith.constant 1 : i32
        %sub3A_413 = arith.subi %div3A_392, %sub3A_412 : i32
        %select_n3A_414 = arith.select %and3A_411, %sub3A_413, %div3A_392 : i32
        %jit3A_415 = arith.constant 8 : i32
        %eq3A_416 = arith.constant 0 : i32
        %eq3A_417 = arith.cmpi eq, %jit3A_415, %eq3A_416 : i32
        %jit3A_418 = arith.constant 1 : i32
        %select_n3A_419 = arith.select %eq3A_417, %jit3A_418, %jit3A_415 : i32
        %rem3A_420 = arith.remsi %add3A_390, %select_n3A_419 : i32
        %ne3A_421 = arith.constant 0 : i32
        %ne3A_422 = arith.cmpi ne, %rem3A_420, %ne3A_421 : i32
        %lt3A_423 = arith.constant 0 : i32
        %lt3A_424 = arith.cmpi slt, %rem3A_420, %lt3A_423 : i32
        %lt3A_425 = arith.constant 0 : i32
        %lt3A_426 = arith.cmpi slt, %select_n3A_419, %lt3A_425 : i32
        %ne3A_427 = arith.xori %lt3A_424, %lt3A_426 : i1
        %and3A_428 = arith.andi %ne3A_427, %ne3A_422 : i1
        %add3A_429 = arith.addi %rem3A_420, %select_n3A_419 : i32
        %select_n3A_430 = arith.select %and3A_428, %add3A_429, %rem3A_420 : i32
        %mul3A_431 = arith.constant 16 : i32
        %mul3A_432 = arith.muli %select_n3A_430, %mul3A_431 : i32
        %swap3A_433 = arith.index_cast %select_n3A_414 : i32 to index
        %swap3A_434 = arith.index_cast %mul3A_432 : i32 to index
        %swap3A_435 = tpu.vector_load %arg10[%swap3A_433, %swap3A_434] {strides = array<i32>} : memref<128x128xf32, #tpu.memory_space<vmem>>, vector<1x16xf32>,
        %swap3A_436 = vector.shape_cast %swap3A_435 : vector<1x16xf32> to vector<16xf32>
        %swap3A_437 = vector.shape_cast %add3A_379 : vector<16xf32> to vector<1x16xf32>
        tpu.vector_store %arg10[%swap3A_433, %swap3A_434], %swap3A_437 {strides = array<i32>} : memref<128x128xf32, #tpu.memory_space<vmem>>, vector<1x16xf32>,
        %slice3A_438 = vector.extract_strided_slice %get3A_42 {offsets = [3], sizes = [1], strides = [1]} : vector<16xi32> to vector<1xi32>
        %squeeze3A_439 = vector.extract %slice3A_438[0] : i32 from vector<1xi32>
        %broadcast_in_dim3A_440 = arith.constant 0.000000e+00 : f32
        %broadcast_in_dim3A_441 = vector.broadcast %broadcast_in_dim3A_440 : f32 to vector<16xf32>
        %broadcast_in_dim3A_442 = arith.constant 0.000000e+00 : f32
        %broadcast_in_dim3A_443 = vector.broadcast %broadcast_in_dim3A_442 : f32 to vector<16xf32>
        %add3A_444 = arith.constant 3 : i32
        %add3A_445 = arith.addi %mul3A_37, %add3A_444 : i32
        %get3A_446 = arith.index_cast %add3A_445 : i32 to index
        %get3A_447 = arith.constant 0 : index
        %get3A_448 = tpu.vector_load %arg7[%get3A_446, %get3A_447] {strides = array<i32>} : memref<256x65xf32, #tpu.memory_space<vmem>>, vector<1x16xf32>,
        %get3A_449 = vector.shape_cast %get3A_448 : vector<1x16xf32> to vector<16xf32>
        %get3A_450 = arith.index_cast %squeeze3A_439 : i32 to index
        %get3A_451 = arith.constant 0 : index
        %get3A_452 = tpu.vector_load %arg9[%get3A_450, %get3A_451] {strides = array<i32>} : memref<65x65xf32, #tpu.memory_space<vmem>>, vector<1x16xf32>,
        %get3A_453 = vector.shape_cast %get3A_452 : vector<1x16xf32> to vector<16xf32>
        %exp3A_454 = math.exp %get3A_449 : vector<16xf32>
        %add3A_455 = arith.addf %broadcast_in_dim3A_441, %exp3A_454 : vector<16xf32>
        %mul3A_456 = arith.mulf %get3A_453, %get3A_449 : vector<16xf32>
        %add3A_457 = arith.addf %broadcast_in_dim3A_443, %mul3A_456 : vector<16xf32>
        %add3A_458 = arith.constant 3 : i32
        %add3A_459 = arith.addi %mul3A_37, %add3A_458 : i32
        %get3A_460 = arith.index_cast %add3A_459 : i32 to index
        %get3A_461 = arith.constant 16 : index
        %get3A_462 = tpu.vector_load %arg7[%get3A_460, %get3A_461] {strides = array<i32>} : memref<256x65xf32, #tpu.memory_space<vmem>>, vector<1x16xf32>,
        %get3A_463 = vector.shape_cast %get3A_462 : vector<1x16xf32> to vector<16xf32>
        %get3A_464 = arith.index_cast %squeeze3A_439 : i32 to index
        %get3A_465 = arith.constant 16 : index
        %get3A_466 = tpu.vector_load %arg9[%get3A_464, %get3A_465] {strides = array<i32>} : memref<65x65xf32, #tpu.memory_space<vmem>>, vector<1x16xf32>,
        %get3A_467 = vector.shape_cast %get3A_466 : vector<1x16xf32> to vector<16xf32>
        %exp3A_468 = math.exp %get3A_463 : vector<16xf32>
        %add3A_469 = arith.addf %add3A_455, %exp3A_468 : vector<16xf32>
        %mul3A_470 = arith.mulf %get3A_467, %get3A_463 : vector<16xf32>
        %add3A_471 = arith.addf %add3A_457, %mul3A_470 : vector<16xf32>
        %add3A_472 = arith.constant 3 : i32
        %add3A_473 = arith.addi %mul3A_37, %add3A_472 : i32
        %get3A_474 = arith.index_cast %add3A_473 : i32 to index
        %get3A_475 = arith.constant 32 : index
        %get3A_476 = tpu.vector_load %arg7[%get3A_474, %get3A_475] {strides = array<i32>} : memref<256x65xf32, #tpu.memory_space<vmem>>, vector<1x16xf32>,
        %get3A_477 = vector.shape_cast %get3A_476 : vector<1x16xf32> to vector<16xf32>
        %get3A_478 = arith.index_cast %squeeze3A_439 : i32 to index
        %get3A_479 = arith.constant 32 : index
        %get3A_480 = tpu.vector_load %arg9[%get3A_478, %get3A_479] {strides = array<i32>} : memref<65x65xf32, #tpu.memory_space<vmem>>, vector<1x16xf32>,
        %get3A_481 = vector.shape_cast %get3A_480 : vector<1x16xf32> to vector<16xf32>
        %exp3A_482 = math.exp %get3A_477 : vector<16xf32>
        %add3A_483 = arith.addf %add3A_469, %exp3A_482 : vector<16xf32>
        %mul3A_484 = arith.mulf %get3A_481, %get3A_477 : vector<16xf32>
        %add3A_485 = arith.addf %add3A_471, %mul3A_484 : vector<16xf32>
        %add3A_486 = arith.constant 3 : i32
        %add3A_487 = arith.addi %mul3A_37, %add3A_486 : i32
        %get3A_488 = arith.index_cast %add3A_487 : i32 to index
        %get3A_489 = arith.constant 48 : index
        %get3A_490 = tpu.vector_load %arg7[%get3A_488, %get3A_489] {strides = array<i32>} : memref<256x65xf32, #tpu.memory_space<vmem>>, vector<1x16xf32>,
        %get3A_491 = vector.shape_cast %get3A_490 : vector<1x16xf32> to vector<16xf32>
        %get3A_492 = arith.index_cast %squeeze3A_439 : i32 to index
        %get3A_493 = arith.constant 48 : index
        %get3A_494 = tpu.vector_load %arg9[%get3A_492, %get3A_493] {strides = array<i32>} : memref<65x65xf32, #tpu.memory_space<vmem>>, vector<1x16xf32>,
        %get3A_495 = vector.shape_cast %get3A_494 : vector<1x16xf32> to vector<16xf32>
        %exp3A_496 = math.exp %get3A_491 : vector<16xf32>
        %add3A_497 = arith.addf %add3A_483, %exp3A_496 : vector<16xf32>
        %mul3A_498 = arith.mulf %get3A_495, %get3A_491 : vector<16xf32>
        %add3A_499 = arith.addf %add3A_485, %mul3A_498 : vector<16xf32>
        %add3A_500 = arith.constant 3 : i32
        %add3A_501 = arith.addi %mul3A_37, %add3A_500 : i32
        %get3A_502 = arith.index_cast %add3A_501 : i32 to index
        %get3A_503 = arith.constant 49 : index
        %get3A_504 = tpu.vector_load %arg7[%get3A_502, %get3A_503] {strides = array<i32>} : memref<256x65xf32, #tpu.memory_space<vmem>>, vector<1x16xf32>,
        %get3A_505 = vector.shape_cast %get3A_504 : vector<1x16xf32> to vector<16xf32>
        %get3A_506 = arith.index_cast %squeeze3A_439 : i32 to index
        %get3A_507 = arith.constant 49 : index
        %get3A_508 = tpu.vector_load %arg9[%get3A_506, %get3A_507] {strides = array<i32>} : memref<65x65xf32, #tpu.memory_space<vmem>>, vector<1x16xf32>,
        %get3A_509 = vector.shape_cast %get3A_508 : vector<1x16xf32> to vector<16xf32>
        %jit3A_510 = arith.constant -3.000000e+01 : f32
        %broadcast_in_dim3A_511 = vector.broadcast %jit3A_510 : f32 to vector<16xf32>
        %select_n3A_512 = arith.select %eq3A_6, %get3A_505, %broadcast_in_dim3A_511 : vector<16xi1>, vector<16xf32>
        %exp3A_513 = math.exp %select_n3A_512 : vector<16xf32>
        %add3A_514 = arith.addf %add3A_497, %exp3A_513 : vector<16xf32>
        %mul3A_515 = arith.mulf %get3A_509, %get3A_505 : vector<16xf32>
        %jit3A_516 = arith.constant 0.000000e+00 : f32
        %broadcast_in_dim3A_517 = vector.broadcast %jit3A_516 : f32 to vector<16xf32>
        %select_n3A_518 = arith.select %eq3A_6, %mul3A_515, %broadcast_in_dim3A_517 : vector<16xi1>, vector<16xf32>
        %add3A_519 = arith.addf %add3A_499, %select_n3A_518 : vector<16xf32>
        %add3A_520 = arith.addf %add3A_385, %add3A_519 : vector<16xf32>
        %mul3A_521 = arith.constant 256 : i32
        %mul3A_522 = arith.muli %scan3A_21, %mul3A_521 : i32
        %add3A_523 = arith.addi %mul3A_522, %mul3A_37 : i32
        %add3A_524 = arith.constant 3 : i32
        %add3A_525 = arith.addi %add3A_523, %add3A_524 : i32
        %jit3A_526 = arith.constant 8 : i32
        %div3A_527 = arith.divsi %add3A_525, %jit3A_526 : i32
        %sign3A_528 = arith.constant 0 : i32
        %sign3A_529 = arith.cmpi sgt, %add3A_525, %sign3A_528 : i32
        %sign3A_530 = arith.extui %sign3A_529 : i1 to i32
        %sign3A_531 = arith.constant 0 : i32
        %sign3A_532 = arith.cmpi slt, %add3A_525, %sign3A_531 : i32
        %sign3A_533 = arith.extui %sign3A_532 : i1 to i32
        %sign3A_534 = arith.subi %sign3A_530, %sign3A_533 : i32
        %sign3A_535 = arith.constant 0 : i32
        %sign3A_536 = arith.cmpi sgt, %jit3A_526, %sign3A_535 : i32
        %sign3A_537 = arith.extui %sign3A_536 : i1 to i32
        %sign3A_538 = arith.constant 0 : i32
        %sign3A_539 = arith.cmpi slt, %jit3A_526, %sign3A_538 : i32
        %sign3A_540 = arith.extui %sign3A_539 : i1 to i32
        %sign3A_541 = arith.subi %sign3A_537, %sign3A_540 : i32
        %ne3A_542 = arith.cmpi ne, %sign3A_534, %sign3A_541 : i32
        %rem3A_543 = arith.remsi %add3A_525, %jit3A_526 : i32
        %ne3A_544 = arith.constant 0 : i32
        %ne3A_545 = arith.cmpi ne, %rem3A_543, %ne3A_544 : i32
        %and3A_546 = arith.andi %ne3A_542, %ne3A_545 : i1
        %sub3A_547 = arith.constant 1 : i32
        %sub3A_548 = arith.subi %div3A_527, %sub3A_547 : i32
        %select_n3A_549 = arith.select %and3A_546, %sub3A_548, %div3A_527 : i32
        %jit3A_550 = arith.constant 8 : i32
        %eq3A_551 = arith.constant 0 : i32
        %eq3A_552 = arith.cmpi eq, %jit3A_550, %eq3A_551 : i32
        %jit3A_553 = arith.constant 1 : i32
        %select_n3A_554 = arith.select %eq3A_552, %jit3A_553, %jit3A_550 : i32
        %rem3A_555 = arith.remsi %add3A_525, %select_n3A_554 : i32
        %ne3A_556 = arith.constant 0 : i32
        %ne3A_557 = arith.cmpi ne, %rem3A_555, %ne3A_556 : i32
        %lt3A_558 = arith.constant 0 : i32
        %lt3A_559 = arith.cmpi slt, %rem3A_555, %lt3A_558 : i32
        %lt3A_560 = arith.constant 0 : i32
        %lt3A_561 = arith.cmpi slt, %select_n3A_554, %lt3A_560 : i32
        %ne3A_562 = arith.xori %lt3A_559, %lt3A_561 : i1
        %and3A_563 = arith.andi %ne3A_562, %ne3A_557 : i1
        %add3A_564 = arith.addi %rem3A_555, %select_n3A_554 : i32
        %select_n3A_565 = arith.select %and3A_563, %add3A_564, %rem3A_555 : i32
        %mul3A_566 = arith.constant 16 : i32
        %mul3A_567 = arith.muli %select_n3A_565, %mul3A_566 : i32
        %swap3A_568 = arith.index_cast %select_n3A_549 : i32 to index
        %swap3A_569 = arith.index_cast %mul3A_567 : i32 to index
        %swap3A_570 = tpu.vector_load %arg10[%swap3A_568, %swap3A_569] {strides = array<i32>} : memref<128x128xf32, #tpu.memory_space<vmem>>, vector<1x16xf32>,
        %swap3A_571 = vector.shape_cast %swap3A_570 : vector<1x16xf32> to vector<16xf32>
        %swap3A_572 = vector.shape_cast %add3A_514 : vector<16xf32> to vector<1x16xf32>
        tpu.vector_store %arg10[%swap3A_568, %swap3A_569], %swap3A_572 {strides = array<i32>} : memref<128x128xf32, #tpu.memory_space<vmem>>, vector<1x16xf32>,
        %slice3A_573 = vector.extract_strided_slice %get3A_42 {offsets = [4], sizes = [1], strides = [1]} : vector<16xi32> to vector<1xi32>
        %squeeze3A_574 = vector.extract %slice3A_573[0] : i32 from vector<1xi32>
        %broadcast_in_dim3A_575 = arith.constant 0.000000e+00 : f32
        %broadcast_in_dim3A_576 = vector.broadcast %broadcast_in_dim3A_575 : f32 to vector<16xf32>
        %broadcast_in_dim3A_577 = arith.constant 0.000000e+00 : f32
        %broadcast_in_dim3A_578 = vector.broadcast %broadcast_in_dim3A_577 : f32 to vector<16xf32>
        %add3A_579 = arith.constant 4 : i32
        %add3A_580 = arith.addi %mul3A_37, %add3A_579 : i32
        %get3A_581 = arith.index_cast %add3A_580 : i32 to index
        %get3A_582 = arith.constant 0 : index
        %get3A_583 = tpu.vector_load %arg7[%get3A_581, %get3A_582] {strides = array<i32>} : memref<256x65xf32, #tpu.memory_space<vmem>>, vector<1x16xf32>,
        %get3A_584 = vector.shape_cast %get3A_583 : vector<1x16xf32> to vector<16xf32>
        %get3A_585 = arith.index_cast %squeeze3A_574 : i32 to index
        %get3A_586 = arith.constant 0 : index
        %get3A_587 = tpu.vector_load %arg9[%get3A_585, %get3A_586] {strides = array<i32>} : memref<65x65xf32, #tpu.memory_space<vmem>>, vector<1x16xf32>,
        %get3A_588 = vector.shape_cast %get3A_587 : vector<1x16xf32> to vector<16xf32>
        %exp3A_589 = math.exp %get3A_584 : vector<16xf32>
        %add3A_590 = arith.addf %broadcast_in_dim3A_576, %exp3A_589 : vector<16xf32>
        %mul3A_591 = arith.mulf %get3A_588, %get3A_584 : vector<16xf32>
        %add3A_592 = arith.addf %broadcast_in_dim3A_578, %mul3A_591 : vector<16xf32>
        %add3A_593 = arith.constant 4 : i32
        %add3A_594 = arith.addi %mul3A_37, %add3A_593 : i32
        %get3A_595 = arith.index_cast %add3A_594 : i32 to index
        %get3A_596 = arith.constant 16 : index
        %get3A_597 = tpu.vector_load %arg7[%get3A_595, %get3A_596] {strides = array<i32>} : memref<256x65xf32, #tpu.memory_space<vmem>>, vector<1x16xf32>,
        %get3A_598 = vector.shape_cast %get3A_597 : vector<1x16xf32> to vector<16xf32>
        %get3A_599 = arith.index_cast %squeeze3A_574 : i32 to index
        %get3A_600 = arith.constant 16 : index
        %get3A_601 = tpu.vector_load %arg9[%get3A_599, %get3A_600] {strides = array<i32>} : memref<65x65xf32, #tpu.memory_space<vmem>>, vector<1x16xf32>,
        %get3A_602 = vector.shape_cast %get3A_601 : vector<1x16xf32> to vector<16xf32>
        %exp3A_603 = math.exp %get3A_598 : vector<16xf32>
        %add3A_604 = arith.addf %add3A_590, %exp3A_603 : vector<16xf32>
        %mul3A_605 = arith.mulf %get3A_602, %get3A_598 : vector<16xf32>
        %add3A_606 = arith.addf %add3A_592, %mul3A_605 : vector<16xf32>
        %add3A_607 = arith.constant 4 : i32
        %add3A_608 = arith.addi %mul3A_37, %add3A_607 : i32
        %get3A_609 = arith.index_cast %add3A_608 : i32 to index
        %get3A_610 = arith.constant 32 : index
        %get3A_611 = tpu.vector_load %arg7[%get3A_609, %get3A_610] {strides = array<i32>} : memref<256x65xf32, #tpu.memory_space<vmem>>, vector<1x16xf32>,
        %get3A_612 = vector.shape_cast %get3A_611 : vector<1x16xf32> to vector<16xf32>
        %get3A_613 = arith.index_cast %squeeze3A_574 : i32 to index
        %get3A_614 = arith.constant 32 : index
        %get3A_615 = tpu.vector_load %arg9[%get3A_613, %get3A_614] {strides = array<i32>} : memref<65x65xf32, #tpu.memory_space<vmem>>, vector<1x16xf32>,
        %get3A_616 = vector.shape_cast %get3A_615 : vector<1x16xf32> to vector<16xf32>
        %exp3A_617 = math.exp %get3A_612 : vector<16xf32>
        %add3A_618 = arith.addf %add3A_604, %exp3A_617 : vector<16xf32>
        %mul3A_619 = arith.mulf %get3A_616, %get3A_612 : vector<16xf32>
        %add3A_620 = arith.addf %add3A_606, %mul3A_619 : vector<16xf32>
        %add3A_621 = arith.constant 4 : i32
        %add3A_622 = arith.addi %mul3A_37, %add3A_621 : i32
        %get3A_623 = arith.index_cast %add3A_622 : i32 to index
        %get3A_624 = arith.constant 48 : index
        %get3A_625 = tpu.vector_load %arg7[%get3A_623, %get3A_624] {strides = array<i32>} : memref<256x65xf32, #tpu.memory_space<vmem>>, vector<1x16xf32>,
        %get3A_626 = vector.shape_cast %get3A_625 : vector<1x16xf32> to vector<16xf32>
        %get3A_627 = arith.index_cast %squeeze3A_574 : i32 to index
        %get3A_628 = arith.constant 48 : index
        %get3A_629 = tpu.vector_load %arg9[%get3A_627, %get3A_628] {strides = array<i32>} : memref<65x65xf32, #tpu.memory_space<vmem>>, vector<1x16xf32>,
        %get3A_630 = vector.shape_cast %get3A_629 : vector<1x16xf32> to vector<16xf32>
        %exp3A_631 = math.exp %get3A_626 : vector<16xf32>
        %add3A_632 = arith.addf %add3A_618, %exp3A_631 : vector<16xf32>
        %mul3A_633 = arith.mulf %get3A_630, %get3A_626 : vector<16xf32>
        %add3A_634 = arith.addf %add3A_620, %mul3A_633 : vector<16xf32>
        %add3A_635 = arith.constant 4 : i32
        %add3A_636 = arith.addi %mul3A_37, %add3A_635 : i32
        %get3A_637 = arith.index_cast %add3A_636 : i32 to index
        %get3A_638 = arith.constant 49 : index
        %get3A_639 = tpu.vector_load %arg7[%get3A_637, %get3A_638] {strides = array<i32>} : memref<256x65xf32, #tpu.memory_space<vmem>>, vector<1x16xf32>,
        %get3A_640 = vector.shape_cast %get3A_639 : vector<1x16xf32> to vector<16xf32>
        %get3A_641 = arith.index_cast %squeeze3A_574 : i32 to index
        %get3A_642 = arith.constant 49 : index
        %get3A_643 = tpu.vector_load %arg9[%get3A_641, %get3A_642] {strides = array<i32>} : memref<65x65xf32, #tpu.memory_space<vmem>>, vector<1x16xf32>,
        %get3A_644 = vector.shape_cast %get3A_643 : vector<1x16xf32> to vector<16xf32>
        %jit3A_645 = arith.constant -3.000000e+01 : f32
        %broadcast_in_dim3A_646 = vector.broadcast %jit3A_645 : f32 to vector<16xf32>
        %select_n3A_647 = arith.select %eq3A_6, %get3A_640, %broadcast_in_dim3A_646 : vector<16xi1>, vector<16xf32>
        %exp3A_648 = math.exp %select_n3A_647 : vector<16xf32>
        %add3A_649 = arith.addf %add3A_632, %exp3A_648 : vector<16xf32>
        %mul3A_650 = arith.mulf %get3A_644, %get3A_640 : vector<16xf32>
        %jit3A_651 = arith.constant 0.000000e+00 : f32
        %broadcast_in_dim3A_652 = vector.broadcast %jit3A_651 : f32 to vector<16xf32>
        %select_n3A_653 = arith.select %eq3A_6, %mul3A_650, %broadcast_in_dim3A_652 : vector<16xi1>, vector<16xf32>
        %add3A_654 = arith.addf %add3A_634, %select_n3A_653 : vector<16xf32>
        %add3A_655 = arith.addf %add3A_520, %add3A_654 : vector<16xf32>
        %mul3A_656 = arith.constant 256 : i32
        %mul3A_657 = arith.muli %scan3A_21, %mul3A_656 : i32
        %add3A_658 = arith.addi %mul3A_657, %mul3A_37 : i32
        %add3A_659 = arith.constant 4 : i32
        %add3A_660 = arith.addi %add3A_658, %add3A_659 : i32
        %jit3A_661 = arith.constant 8 : i32
        %div3A_662 = arith.divsi %add3A_660, %jit3A_661 : i32
        %sign3A_663 = arith.constant 0 : i32
        %sign3A_664 = arith.cmpi sgt, %add3A_660, %sign3A_663 : i32
        %sign3A_665 = arith.extui %sign3A_664 : i1 to i32
        %sign3A_666 = arith.constant 0 : i32
        %sign3A_667 = arith.cmpi slt, %add3A_660, %sign3A_666 : i32
        %sign3A_668 = arith.extui %sign3A_667 : i1 to i32
        %sign3A_669 = arith.subi %sign3A_665, %sign3A_668 : i32
        %sign3A_670 = arith.constant 0 : i32
        %sign3A_671 = arith.cmpi sgt, %jit3A_661, %sign3A_670 : i32
        %sign3A_672 = arith.extui %sign3A_671 : i1 to i32
        %sign3A_673 = arith.constant 0 : i32
        %sign3A_674 = arith.cmpi slt, %jit3A_661, %sign3A_673 : i32
        %sign3A_675 = arith.extui %sign3A_674 : i1 to i32
        %sign3A_676 = arith.subi %sign3A_672, %sign3A_675 : i32
        %ne3A_677 = arith.cmpi ne, %sign3A_669, %sign3A_676 : i32
        %rem3A_678 = arith.remsi %add3A_660, %jit3A_661 : i32
        %ne3A_679 = arith.constant 0 : i32
        %ne3A_680 = arith.cmpi ne, %rem3A_678, %ne3A_679 : i32
        %and3A_681 = arith.andi %ne3A_677, %ne3A_680 : i1
        %sub3A_682 = arith.constant 1 : i32
        %sub3A_683 = arith.subi %div3A_662, %sub3A_682 : i32
        %select_n3A_684 = arith.select %and3A_681, %sub3A_683, %div3A_662 : i32
        %jit3A_685 = arith.constant 8 : i32
        %eq3A_686 = arith.constant 0 : i32
        %eq3A_687 = arith.cmpi eq, %jit3A_685, %eq3A_686 : i32
        %jit3A_688 = arith.constant 1 : i32
        %select_n3A_689 = arith.select %eq3A_687, %jit3A_688, %jit3A_685 : i32
        %rem3A_690 = arith.remsi %add3A_660, %select_n3A_689 : i32
        %ne3A_691 = arith.constant 0 : i32
        %ne3A_692 = arith.cmpi ne, %rem3A_690, %ne3A_691 : i32
        %lt3A_693 = arith.constant 0 : i32
        %lt3A_694 = arith.cmpi slt, %rem3A_690, %lt3A_693 : i32
        %lt3A_695 = arith.constant 0 : i32
        %lt3A_696 = arith.cmpi slt, %select_n3A_689, %lt3A_695 : i32
        %ne3A_697 = arith.xori %lt3A_694, %lt3A_696 : i1
        %and3A_698 = arith.andi %ne3A_697, %ne3A_692 : i1
        %add3A_699 = arith.addi %rem3A_690, %select_n3A_689 : i32
        %select_n3A_700 = arith.select %and3A_698, %add3A_699, %rem3A_690 : i32
        %mul3A_701 = arith.constant 16 : i32
        %mul3A_702 = arith.muli %select_n3A_700, %mul3A_701 : i32
        %swap3A_703 = arith.index_cast %select_n3A_684 : i32 to index
        %swap3A_704 = arith.index_cast %mul3A_702 : i32 to index
        %swap3A_705 = tpu.vector_load %arg10[%swap3A_703, %swap3A_704] {strides = array<i32>} : memref<128x128xf32, #tpu.memory_space<vmem>>, vector<1x16xf32>,
        %swap3A_706 = vector.shape_cast %swap3A_705 : vector<1x16xf32> to vector<16xf32>
        %swap3A_707 = vector.shape_cast %add3A_649 : vector<16xf32> to vector<1x16xf32>
        tpu.vector_store %arg10[%swap3A_703, %swap3A_704], %swap3A_707 {strides = array<i32>} : memref<128x128xf32, #tpu.memory_space<vmem>>, vector<1x16xf32>,
        %slice3A_708 = vector.extract_strided_slice %get3A_42 {offsets = [5], sizes = [1], strides = [1]} : vector<16xi32> to vector<1xi32>
        %squeeze3A_709 = vector.extract %slice3A_708[0] : i32 from vector<1xi32>
        %broadcast_in_dim3A_710 = arith.constant 0.000000e+00 : f32
        %broadcast_in_dim3A_711 = vector.broadcast %broadcast_in_dim3A_710 : f32 to vector<16xf32>
        %broadcast_in_dim3A_712 = arith.constant 0.000000e+00 : f32
        %broadcast_in_dim3A_713 = vector.broadcast %broadcast_in_dim3A_712 : f32 to vector<16xf32>
        %add3A_714 = arith.constant 5 : i32
        %add3A_715 = arith.addi %mul3A_37, %add3A_714 : i32
        %get3A_716 = arith.index_cast %add3A_715 : i32 to index
        %get3A_717 = arith.constant 0 : index
        %get3A_718 = tpu.vector_load %arg7[%get3A_716, %get3A_717] {strides = array<i32>} : memref<256x65xf32, #tpu.memory_space<vmem>>, vector<1x16xf32>,
        %get3A_719 = vector.shape_cast %get3A_718 : vector<1x16xf32> to vector<16xf32>
        %get3A_720 = arith.index_cast %squeeze3A_709 : i32 to index
        %get3A_721 = arith.constant 0 : index
        %get3A_722 = tpu.vector_load %arg9[%get3A_720, %get3A_721] {strides = array<i32>} : memref<65x65xf32, #tpu.memory_space<vmem>>, vector<1x16xf32>,
        %get3A_723 = vector.shape_cast %get3A_722 : vector<1x16xf32> to vector<16xf32>
        %exp3A_724 = math.exp %get3A_719 : vector<16xf32>
        %add3A_725 = arith.addf %broadcast_in_dim3A_711, %exp3A_724 : vector<16xf32>
        %mul3A_726 = arith.mulf %get3A_723, %get3A_719 : vector<16xf32>
        %add3A_727 = arith.addf %broadcast_in_dim3A_713, %mul3A_726 : vector<16xf32>
        %add3A_728 = arith.constant 5 : i32
        %add3A_729 = arith.addi %mul3A_37, %add3A_728 : i32
        %get3A_730 = arith.index_cast %add3A_729 : i32 to index
        %get3A_731 = arith.constant 16 : index
        %get3A_732 = tpu.vector_load %arg7[%get3A_730, %get3A_731] {strides = array<i32>} : memref<256x65xf32, #tpu.memory_space<vmem>>, vector<1x16xf32>,
        %get3A_733 = vector.shape_cast %get3A_732 : vector<1x16xf32> to vector<16xf32>
        %get3A_734 = arith.index_cast %squeeze3A_709 : i32 to index
        %get3A_735 = arith.constant 16 : index
        %get3A_736 = tpu.vector_load %arg9[%get3A_734, %get3A_735] {strides = array<i32>} : memref<65x65xf32, #tpu.memory_space<vmem>>, vector<1x16xf32>,
        %get3A_737 = vector.shape_cast %get3A_736 : vector<1x16xf32> to vector<16xf32>
        %exp3A_738 = math.exp %get3A_733 : vector<16xf32>
        %add3A_739 = arith.addf %add3A_725, %exp3A_738 : vector<16xf32>
        %mul3A_740 = arith.mulf %get3A_737, %get3A_733 : vector<16xf32>
        %add3A_741 = arith.addf %add3A_727, %mul3A_740 : vector<16xf32>
        %add3A_742 = arith.constant 5 : i32
        %add3A_743 = arith.addi %mul3A_37, %add3A_742 : i32
        %get3A_744 = arith.index_cast %add3A_743 : i32 to index
        %get3A_745 = arith.constant 32 : index
        %get3A_746 = tpu.vector_load %arg7[%get3A_744, %get3A_745] {strides = array<i32>} : memref<256x65xf32, #tpu.memory_space<vmem>>, vector<1x16xf32>,
        %get3A_747 = vector.shape_cast %get3A_746 : vector<1x16xf32> to vector<16xf32>
        %get3A_748 = arith.index_cast %squeeze3A_709 : i32 to index
        %get3A_749 = arith.constant 32 : index
        %get3A_750 = tpu.vector_load %arg9[%get3A_748, %get3A_749] {strides = array<i32>} : memref<65x65xf32, #tpu.memory_space<vmem>>, vector<1x16xf32>,
        %get3A_751 = vector.shape_cast %get3A_750 : vector<1x16xf32> to vector<16xf32>
        %exp3A_752 = math.exp %get3A_747 : vector<16xf32>
        %add3A_753 = arith.addf %add3A_739, %exp3A_752 : vector<16xf32>
        %mul3A_754 = arith.mulf %get3A_751, %get3A_747 : vector<16xf32>
        %add3A_755 = arith.addf %add3A_741, %mul3A_754 : vector<16xf32>
        %add3A_756 = arith.constant 5 : i32
        %add3A_757 = arith.addi %mul3A_37, %add3A_756 : i32
        %get3A_758 = arith.index_cast %add3A_757 : i32 to index
        %get3A_759 = arith.constant 48 : index
        %get3A_760 = tpu.vector_load %arg7[%get3A_758, %get3A_759] {strides = array<i32>} : memref<256x65xf32, #tpu.memory_space<vmem>>, vector<1x16xf32>,
        %get3A_761 = vector.shape_cast %get3A_760 : vector<1x16xf32> to vector<16xf32>
        %get3A_762 = arith.index_cast %squeeze3A_709 : i32 to index
        %get3A_763 = arith.constant 48 : index
        %get3A_764 = tpu.vector_load %arg9[%get3A_762, %get3A_763] {strides = array<i32>} : memref<65x65xf32, #tpu.memory_space<vmem>>, vector<1x16xf32>,
        %get3A_765 = vector.shape_cast %get3A_764 : vector<1x16xf32> to vector<16xf32>
        %exp3A_766 = math.exp %get3A_761 : vector<16xf32>
        %add3A_767 = arith.addf %add3A_753, %exp3A_766 : vector<16xf32>
        %mul3A_768 = arith.mulf %get3A_765, %get3A_761 : vector<16xf32>
        %add3A_769 = arith.addf %add3A_755, %mul3A_768 : vector<16xf32>
        %add3A_770 = arith.constant 5 : i32
        %add3A_771 = arith.addi %mul3A_37, %add3A_770 : i32
        %get3A_772 = arith.index_cast %add3A_771 : i32 to index
        %get3A_773 = arith.constant 49 : index
        %get3A_774 = tpu.vector_load %arg7[%get3A_772, %get3A_773] {strides = array<i32>} : memref<256x65xf32, #tpu.memory_space<vmem>>, vector<1x16xf32>,
        %get3A_775 = vector.shape_cast %get3A_774 : vector<1x16xf32> to vector<16xf32>
        %get3A_776 = arith.index_cast %squeeze3A_709 : i32 to index
        %get3A_777 = arith.constant 49 : index
        %get3A_778 = tpu.vector_load %arg9[%get3A_776, %get3A_777] {strides = array<i32>} : memref<65x65xf32, #tpu.memory_space<vmem>>, vector<1x16xf32>,
        %get3A_779 = vector.shape_cast %get3A_778 : vector<1x16xf32> to vector<16xf32>
        %jit3A_780 = arith.constant -3.000000e+01 : f32
        %broadcast_in_dim3A_781 = vector.broadcast %jit3A_780 : f32 to vector<16xf32>
        %select_n3A_782 = arith.select %eq3A_6, %get3A_775, %broadcast_in_dim3A_781 : vector<16xi1>, vector<16xf32>
        %exp3A_783 = math.exp %select_n3A_782 : vector<16xf32>
        %add3A_784 = arith.addf %add3A_767, %exp3A_783 : vector<16xf32>
        %mul3A_785 = arith.mulf %get3A_779, %get3A_775 : vector<16xf32>
        %jit3A_786 = arith.constant 0.000000e+00 : f32
        %broadcast_in_dim3A_787 = vector.broadcast %jit3A_786 : f32 to vector<16xf32>
        %select_n3A_788 = arith.select %eq3A_6, %mul3A_785, %broadcast_in_dim3A_787 : vector<16xi1>, vector<16xf32>
        %add3A_789 = arith.addf %add3A_769, %select_n3A_788 : vector<16xf32>
        %add3A_790 = arith.addf %add3A_655, %add3A_789 : vector<16xf32>
        %mul3A_791 = arith.constant 256 : i32
        %mul3A_792 = arith.muli %scan3A_21, %mul3A_791 : i32
        %add3A_793 = arith.addi %mul3A_792, %mul3A_37 : i32
        %add3A_794 = arith.constant 5 : i32
        %add3A_795 = arith.addi %add3A_793, %add3A_794 : i32
        %jit3A_796 = arith.constant 8 : i32
        %div3A_797 = arith.divsi %add3A_795, %jit3A_796 : i32
        %sign3A_798 = arith.constant 0 : i32
        %sign3A_799 = arith.cmpi sgt, %add3A_795, %sign3A_798 : i32
        %sign3A_800 = arith.extui %sign3A_799 : i1 to i32
        %sign3A_801 = arith.constant 0 : i32
        %sign3A_802 = arith.cmpi slt, %add3A_795, %sign3A_801 : i32
        %sign3A_803 = arith.extui %sign3A_802 : i1 to i32
        %sign3A_804 = arith.subi %sign3A_800, %sign3A_803 : i32
        %sign3A_805 = arith.constant 0 : i32
        %sign3A_806 = arith.cmpi sgt, %jit3A_796, %sign3A_805 : i32
        %sign3A_807 = arith.extui %sign3A_806 : i1 to i32
        %sign3A_808 = arith.constant 0 : i32
        %sign3A_809 = arith.cmpi slt, %jit3A_796, %sign3A_808 : i32
        %sign3A_810 = arith.extui %sign3A_809 : i1 to i32
        %sign3A_811 = arith.subi %sign3A_807, %sign3A_810 : i32
        %ne3A_812 = arith.cmpi ne, %sign3A_804, %sign3A_811 : i32
        %rem3A_813 = arith.remsi %add3A_795, %jit3A_796 : i32
        %ne3A_814 = arith.constant 0 : i32
        %ne3A_815 = arith.cmpi ne, %rem3A_813, %ne3A_814 : i32
        %and3A_816 = arith.andi %ne3A_812, %ne3A_815 : i1
        %sub3A_817 = arith.constant 1 : i32
        %sub3A_818 = arith.subi %div3A_797, %sub3A_817 : i32
        %select_n3A_819 = arith.select %and3A_816, %sub3A_818, %div3A_797 : i32
        %jit3A_820 = arith.constant 8 : i32
        %eq3A_821 = arith.constant 0 : i32
        %eq3A_822 = arith.cmpi eq, %jit3A_820, %eq3A_821 : i32
        %jit3A_823 = arith.constant 1 : i32
        %select_n3A_824 = arith.select %eq3A_822, %jit3A_823, %jit3A_820 : i32
        %rem3A_825 = arith.remsi %add3A_795, %select_n3A_824 : i32
        %ne3A_826 = arith.constant 0 : i32
        %ne3A_827 = arith.cmpi ne, %rem3A_825, %ne3A_826 : i32
        %lt3A_828 = arith.constant 0 : i32
        %lt3A_829 = arith.cmpi slt, %rem3A_825, %lt3A_828 : i32
        %lt3A_830 = arith.constant 0 : i32
        %lt3A_831 = arith.cmpi slt, %select_n3A_824, %lt3A_830 : i32
        %ne3A_832 = arith.xori %lt3A_829, %lt3A_831 : i1
        %and3A_833 = arith.andi %ne3A_832, %ne3A_827 : i1
        %add3A_834 = arith.addi %rem3A_825, %select_n3A_824 : i32
        %select_n3A_835 = arith.select %and3A_833, %add3A_834, %rem3A_825 : i32
        %mul3A_836 = arith.constant 16 : i32
        %mul3A_837 = arith.muli %select_n3A_835, %mul3A_836 : i32
        %swap3A_838 = arith.index_cast %select_n3A_819 : i32 to index
        %swap3A_839 = arith.index_cast %mul3A_837 : i32 to index
        %swap3A_840 = tpu.vector_load %arg10[%swap3A_838, %swap3A_839] {strides = array<i32>} : memref<128x128xf32, #tpu.memory_space<vmem>>, vector<1x16xf32>,
        %swap3A_841 = vector.shape_cast %swap3A_840 : vector<1x16xf32> to vector<16xf32>
        %swap3A_842 = vector.shape_cast %add3A_784 : vector<16xf32> to vector<1x16xf32>
        tpu.vector_store %arg10[%swap3A_838, %swap3A_839], %swap3A_842 {strides = array<i32>} : memref<128x128xf32, #tpu.memory_space<vmem>>, vector<1x16xf32>,
        %slice3A_843 = vector.extract_strided_slice %get3A_42 {offsets = [6], sizes = [1], strides = [1]} : vector<16xi32> to vector<1xi32>
        %squeeze3A_844 = vector.extract %slice3A_843[0] : i32 from vector<1xi32>
        %broadcast_in_dim3A_845 = arith.constant 0.000000e+00 : f32
        %broadcast_in_dim3A_846 = vector.broadcast %broadcast_in_dim3A_845 : f32 to vector<16xf32>
        %broadcast_in_dim3A_847 = arith.constant 0.000000e+00 : f32
        %broadcast_in_dim3A_848 = vector.broadcast %broadcast_in_dim3A_847 : f32 to vector<16xf32>
        %add3A_849 = arith.constant 6 : i32
        %add3A_850 = arith.addi %mul3A_37, %add3A_849 : i32
        %get3A_851 = arith.index_cast %add3A_850 : i32 to index
        %get3A_852 = arith.constant 0 : index
        %get3A_853 = tpu.vector_load %arg7[%get3A_851, %get3A_852] {strides = array<i32>} : memref<256x65xf32, #tpu.memory_space<vmem>>, vector<1x16xf32>,
        %get3A_854 = vector.shape_cast %get3A_853 : vector<1x16xf32> to vector<16xf32>
        %get3A_855 = arith.index_cast %squeeze3A_844 : i32 to index
        %get3A_856 = arith.constant 0 : index
        %get3A_857 = tpu.vector_load %arg9[%get3A_855, %get3A_856] {strides = array<i32>} : memref<65x65xf32, #tpu.memory_space<vmem>>, vector<1x16xf32>,
        %get3A_858 = vector.shape_cast %get3A_857 : vector<1x16xf32> to vector<16xf32>
        %exp3A_859 = math.exp %get3A_854 : vector<16xf32>
        %add3A_860 = arith.addf %broadcast_in_dim3A_846, %exp3A_859 : vector<16xf32>
        %mul3A_861 = arith.mulf %get3A_858, %get3A_854 : vector<16xf32>
        %add3A_862 = arith.addf %broadcast_in_dim3A_848, %mul3A_861 : vector<16xf32>
        %add3A_863 = arith.constant 6 : i32
        %add3A_864 = arith.addi %mul3A_37, %add3A_863 : i32
        %get3A_865 = arith.index_cast %add3A_864 : i32 to index
        %get3A_866 = arith.constant 16 : index
        %get3A_867 = tpu.vector_load %arg7[%get3A_865, %get3A_866] {strides = array<i32>} : memref<256x65xf32, #tpu.memory_space<vmem>>, vector<1x16xf32>,
        %get3A_868 = vector.shape_cast %get3A_867 : vector<1x16xf32> to vector<16xf32>
        %get3A_869 = arith.index_cast %squeeze3A_844 : i32 to index
        %get3A_870 = arith.constant 16 : index
        %get3A_871 = tpu.vector_load %arg9[%get3A_869, %get3A_870] {strides = array<i32>} : memref<65x65xf32, #tpu.memory_space<vmem>>, vector<1x16xf32>,
        %get3A_872 = vector.shape_cast %get3A_871 : vector<1x16xf32> to vector<16xf32>
        %exp3A_873 = math.exp %get3A_868 : vector<16xf32>
        %add3A_874 = arith.addf %add3A_860, %exp3A_873 : vector<16xf32>
        %mul3A_875 = arith.mulf %get3A_872, %get3A_868 : vector<16xf32>
        %add3A_876 = arith.addf %add3A_862, %mul3A_875 : vector<16xf32>
        %add3A_877 = arith.constant 6 : i32
        %add3A_878 = arith.addi %mul3A_37, %add3A_877 : i32
        %get3A_879 = arith.index_cast %add3A_878 : i32 to index
        %get3A_880 = arith.constant 32 : index
        %get3A_881 = tpu.vector_load %arg7[%get3A_879, %get3A_880] {strides = array<i32>} : memref<256x65xf32, #tpu.memory_space<vmem>>, vector<1x16xf32>,
        %get3A_882 = vector.shape_cast %get3A_881 : vector<1x16xf32> to vector<16xf32>
        %get3A_883 = arith.index_cast %squeeze3A_844 : i32 to index
        %get3A_884 = arith.constant 32 : index
        %get3A_885 = tpu.vector_load %arg9[%get3A_883, %get3A_884] {strides = array<i32>} : memref<65x65xf32, #tpu.memory_space<vmem>>, vector<1x16xf32>,
        %get3A_886 = vector.shape_cast %get3A_885 : vector<1x16xf32> to vector<16xf32>
        %exp3A_887 = math.exp %get3A_882 : vector<16xf32>
        %add3A_888 = arith.addf %add3A_874, %exp3A_887 : vector<16xf32>
        %mul3A_889 = arith.mulf %get3A_886, %get3A_882 : vector<16xf32>
        %add3A_890 = arith.addf %add3A_876, %mul3A_889 : vector<16xf32>
        %add3A_891 = arith.constant 6 : i32
        %add3A_892 = arith.addi %mul3A_37, %add3A_891 : i32
        %get3A_893 = arith.index_cast %add3A_892 : i32 to index
        %get3A_894 = arith.constant 48 : index
        %get3A_895 = tpu.vector_load %arg7[%get3A_893, %get3A_894] {strides = array<i32>} : memref<256x65xf32, #tpu.memory_space<vmem>>, vector<1x16xf32>,
        %get3A_896 = vector.shape_cast %get3A_895 : vector<1x16xf32> to vector<16xf32>
        %get3A_897 = arith.index_cast %squeeze3A_844 : i32 to index
        %get3A_898 = arith.constant 48 : index
        %get3A_899 = tpu.vector_load %arg9[%get3A_897, %get3A_898] {strides = array<i32>} : memref<65x65xf32, #tpu.memory_space<vmem>>, vector<1x16xf32>,
        %get3A_900 = vector.shape_cast %get3A_899 : vector<1x16xf32> to vector<16xf32>
        %exp3A_901 = math.exp %get3A_896 : vector<16xf32>
        %add3A_902 = arith.addf %add3A_888, %exp3A_901 : vector<16xf32>
        %mul3A_903 = arith.mulf %get3A_900, %get3A_896 : vector<16xf32>
        %add3A_904 = arith.addf %add3A_890, %mul3A_903 : vector<16xf32>
        %add3A_905 = arith.constant 6 : i32
        %add3A_906 = arith.addi %mul3A_37, %add3A_905 : i32
        %get3A_907 = arith.index_cast %add3A_906 : i32 to index
        %get3A_908 = arith.constant 49 : index
        %get3A_909 = tpu.vector_load %arg7[%get3A_907, %get3A_908] {strides = array<i32>} : memref<256x65xf32, #tpu.memory_space<vmem>>, vector<1x16xf32>,
        %get3A_910 = vector.shape_cast %get3A_909 : vector<1x16xf32> to vector<16xf32>
        %get3A_911 = arith.index_cast %squeeze3A_844 : i32 to index
        %get3A_912 = arith.constant 49 : index
        %get3A_913 = tpu.vector_load %arg9[%get3A_911, %get3A_912] {strides = array<i32>} : memref<65x65xf32, #tpu.memory_space<vmem>>, vector<1x16xf32>,
        %get3A_914 = vector.shape_cast %get3A_913 : vector<1x16xf32> to vector<16xf32>
        %jit3A_915 = arith.constant -3.000000e+01 : f32
        %broadcast_in_dim3A_916 = vector.broadcast %jit3A_915 : f32 to vector<16xf32>
        %select_n3A_917 = arith.select %eq3A_6, %get3A_910, %broadcast_in_dim3A_916 : vector<16xi1>, vector<16xf32>
        %exp3A_918 = math.exp %select_n3A_917 : vector<16xf32>
        %add3A_919 = arith.addf %add3A_902, %exp3A_918 : vector<16xf32>
        %mul3A_920 = arith.mulf %get3A_914, %get3A_910 : vector<16xf32>
        %jit3A_921 = arith.constant 0.000000e+00 : f32
        %broadcast_in_dim3A_922 = vector.broadcast %jit3A_921 : f32 to vector<16xf32>
        %select_n3A_923 = arith.select %eq3A_6, %mul3A_920, %broadcast_in_dim3A_922 : vector<16xi1>, vector<16xf32>
        %add3A_924 = arith.addf %add3A_904, %select_n3A_923 : vector<16xf32>
        %add3A_925 = arith.addf %add3A_790, %add3A_924 : vector<16xf32>
        %mul3A_926 = arith.constant 256 : i32
        %mul3A_927 = arith.muli %scan3A_21, %mul3A_926 : i32
        %add3A_928 = arith.addi %mul3A_927, %mul3A_37 : i32
        %add3A_929 = arith.constant 6 : i32
        %add3A_930 = arith.addi %add3A_928, %add3A_929 : i32
        %jit3A_931 = arith.constant 8 : i32
        %div3A_932 = arith.divsi %add3A_930, %jit3A_931 : i32
        %sign3A_933 = arith.constant 0 : i32
        %sign3A_934 = arith.cmpi sgt, %add3A_930, %sign3A_933 : i32
        %sign3A_935 = arith.extui %sign3A_934 : i1 to i32
        %sign3A_936 = arith.constant 0 : i32
        %sign3A_937 = arith.cmpi slt, %add3A_930, %sign3A_936 : i32
        %sign3A_938 = arith.extui %sign3A_937 : i1 to i32
        %sign3A_939 = arith.subi %sign3A_935, %sign3A_938 : i32
        %sign3A_940 = arith.constant 0 : i32
        %sign3A_941 = arith.cmpi sgt, %jit3A_931, %sign3A_940 : i32
        %sign3A_942 = arith.extui %sign3A_941 : i1 to i32
        %sign3A_943 = arith.constant 0 : i32
        %sign3A_944 = arith.cmpi slt, %jit3A_931, %sign3A_943 : i32
        %sign3A_945 = arith.extui %sign3A_944 : i1 to i32
        %sign3A_946 = arith.subi %sign3A_942, %sign3A_945 : i32
        %ne3A_947 = arith.cmpi ne, %sign3A_939, %sign3A_946 : i32
        %rem3A_948 = arith.remsi %add3A_930, %jit3A_931 : i32
        %ne3A_949 = arith.constant 0 : i32
        %ne3A_950 = arith.cmpi ne, %rem3A_948, %ne3A_949 : i32
        %and3A_951 = arith.andi %ne3A_947, %ne3A_950 : i1
        %sub3A_952 = arith.constant 1 : i32
        %sub3A_953 = arith.subi %div3A_932, %sub3A_952 : i32
        %select_n3A_954 = arith.select %and3A_951, %sub3A_953, %div3A_932 : i32
        %jit3A_955 = arith.constant 8 : i32
        %eq3A_956 = arith.constant 0 : i32
        %eq3A_957 = arith.cmpi eq, %jit3A_955, %eq3A_956 : i32
        %jit3A_958 = arith.constant 1 : i32
        %select_n3A_959 = arith.select %eq3A_957, %jit3A_958, %jit3A_955 : i32
        %rem3A_960 = arith.remsi %add3A_930, %select_n3A_959 : i32
        %ne3A_961 = arith.constant 0 : i32
        %ne3A_962 = arith.cmpi ne, %rem3A_960, %ne3A_961 : i32
        %lt3A_963 = arith.constant 0 : i32
        %lt3A_964 = arith.cmpi slt, %rem3A_960, %lt3A_963 : i32
        %lt3A_965 = arith.constant 0 : i32
        %lt3A_966 = arith.cmpi slt, %select_n3A_959, %lt3A_965 : i32
        %ne3A_967 = arith.xori %lt3A_964, %lt3A_966 : i1
        %and3A_968 = arith.andi %ne3A_967, %ne3A_962 : i1
        %add3A_969 = arith.addi %rem3A_960, %select_n3A_959 : i32
        %select_n3A_970 = arith.select %and3A_968, %add3A_969, %rem3A_960 : i32
        %mul3A_971 = arith.constant 16 : i32
        %mul3A_972 = arith.muli %select_n3A_970, %mul3A_971 : i32
        %swap3A_973 = arith.index_cast %select_n3A_954 : i32 to index
        %swap3A_974 = arith.index_cast %mul3A_972 : i32 to index
        %swap3A_975 = tpu.vector_load %arg10[%swap3A_973, %swap3A_974] {strides = array<i32>} : memref<128x128xf32, #tpu.memory_space<vmem>>, vector<1x16xf32>,
        %swap3A_976 = vector.shape_cast %swap3A_975 : vector<1x16xf32> to vector<16xf32>
        %swap3A_977 = vector.shape_cast %add3A_919 : vector<16xf32> to vector<1x16xf32>
        tpu.vector_store %arg10[%swap3A_973, %swap3A_974], %swap3A_977 {strides = array<i32>} : memref<128x128xf32, #tpu.memory_space<vmem>>, vector<1x16xf32>,
        %slice3A_978 = vector.extract_strided_slice %get3A_42 {offsets = [7], sizes = [1], strides = [1]} : vector<16xi32> to vector<1xi32>
        %squeeze3A_979 = vector.extract %slice3A_978[0] : i32 from vector<1xi32>
        %broadcast_in_dim3A_980 = arith.constant 0.000000e+00 : f32
        %broadcast_in_dim3A_981 = vector.broadcast %broadcast_in_dim3A_980 : f32 to vector<16xf32>
        %broadcast_in_dim3A_982 = arith.constant 0.000000e+00 : f32
        %broadcast_in_dim3A_983 = vector.broadcast %broadcast_in_dim3A_982 : f32 to vector<16xf32>
        %add3A_984 = arith.constant 7 : i32
        %add3A_985 = arith.addi %mul3A_37, %add3A_984 : i32
        %get3A_986 = arith.index_cast %add3A_985 : i32 to index
        %get3A_987 = arith.constant 0 : index
        %get3A_988 = tpu.vector_load %arg7[%get3A_986, %get3A_987] {strides = array<i32>} : memref<256x65xf32, #tpu.memory_space<vmem>>, vector<1x16xf32>,
        %get3A_989 = vector.shape_cast %get3A_988 : vector<1x16xf32> to vector<16xf32>
        %get3A_990 = arith.index_cast %squeeze3A_979 : i32 to index
        %get3A_991 = arith.constant 0 : index
        %get3A_992 = tpu.vector_load %arg9[%get3A_990, %get3A_991] {strides = array<i32>} : memref<65x65xf32, #tpu.memory_space<vmem>>, vector<1x16xf32>,
        %get3A_993 = vector.shape_cast %get3A_992 : vector<1x16xf32> to vector<16xf32>
        %exp3A_994 = math.exp %get3A_989 : vector<16xf32>
        %add3A_995 = arith.addf %broadcast_in_dim3A_981, %exp3A_994 : vector<16xf32>
        %mul3A_996 = arith.mulf %get3A_993, %get3A_989 : vector<16xf32>
        %add3A_997 = arith.addf %broadcast_in_dim3A_983, %mul3A_996 : vector<16xf32>
        %add3A_998 = arith.constant 7 : i32
        %add3A_999 = arith.addi %mul3A_37, %add3A_998 : i32
        %get3A_1000 = arith.index_cast %add3A_999 : i32 to index
        %get3A_1001 = arith.constant 16 : index
        %get3A_1002 = tpu.vector_load %arg7[%get3A_1000, %get3A_1001] {strides = array<i32>} : memref<256x65xf32, #tpu.memory_space<vmem>>, vector<1x16xf32>,
        %get3A_1003 = vector.shape_cast %get3A_1002 : vector<1x16xf32> to vector<16xf32>
        %get3A_1004 = arith.index_cast %squeeze3A_979 : i32 to index
        %get3A_1005 = arith.constant 16 : index
        %get3A_1006 = tpu.vector_load %arg9[%get3A_1004, %get3A_1005] {strides = array<i32>} : memref<65x65xf32, #tpu.memory_space<vmem>>, vector<1x16xf32>,
        %get3A_1007 = vector.shape_cast %get3A_1006 : vector<1x16xf32> to vector<16xf32>
        %exp3A_1008 = math.exp %get3A_1003 : vector<16xf32>
        %add3A_1009 = arith.addf %add3A_995, %exp3A_1008 : vector<16xf32>
        %mul3A_1010 = arith.mulf %get3A_1007, %get3A_1003 : vector<16xf32>
        %add3A_1011 = arith.addf %add3A_997, %mul3A_1010 : vector<16xf32>
        %add3A_1012 = arith.constant 7 : i32
        %add3A_1013 = arith.addi %mul3A_37, %add3A_1012 : i32
        %get3A_1014 = arith.index_cast %add3A_1013 : i32 to index
        %get3A_1015 = arith.constant 32 : index
        %get3A_1016 = tpu.vector_load %arg7[%get3A_1014, %get3A_1015] {strides = array<i32>} : memref<256x65xf32, #tpu.memory_space<vmem>>, vector<1x16xf32>,
        %get3A_1017 = vector.shape_cast %get3A_1016 : vector<1x16xf32> to vector<16xf32>
        %get3A_1018 = arith.index_cast %squeeze3A_979 : i32 to index
        %get3A_1019 = arith.constant 32 : index
        %get3A_1020 = tpu.vector_load %arg9[%get3A_1018, %get3A_1019] {strides = array<i32>} : memref<65x65xf32, #tpu.memory_space<vmem>>, vector<1x16xf32>,
        %get3A_1021 = vector.shape_cast %get3A_1020 : vector<1x16xf32> to vector<16xf32>
        %exp3A_1022 = math.exp %get3A_1017 : vector<16xf32>
        %add3A_1023 = arith.addf %add3A_1009, %exp3A_1022 : vector<16xf32>
        %mul3A_1024 = arith.mulf %get3A_1021, %get3A_1017 : vector<16xf32>
        %add3A_1025 = arith.addf %add3A_1011, %mul3A_1024 : vector<16xf32>
        %add3A_1026 = arith.constant 7 : i32
        %add3A_1027 = arith.addi %mul3A_37, %add3A_1026 : i32
        %get3A_1028 = arith.index_cast %add3A_1027 : i32 to index
        %get3A_1029 = arith.constant 48 : index
        %get3A_1030 = tpu.vector_load %arg7[%get3A_1028, %get3A_1029] {strides = array<i32>} : memref<256x65xf32, #tpu.memory_space<vmem>>, vector<1x16xf32>,
        %get3A_1031 = vector.shape_cast %get3A_1030 : vector<1x16xf32> to vector<16xf32>
        %get3A_1032 = arith.index_cast %squeeze3A_979 : i32 to index
        %get3A_1033 = arith.constant 48 : index
        %get3A_1034 = tpu.vector_load %arg9[%get3A_1032, %get3A_1033] {strides = array<i32>} : memref<65x65xf32, #tpu.memory_space<vmem>>, vector<1x16xf32>,
        %get3A_1035 = vector.shape_cast %get3A_1034 : vector<1x16xf32> to vector<16xf32>
        %exp3A_1036 = math.exp %get3A_1031 : vector<16xf32>
        %add3A_1037 = arith.addf %add3A_1023, %exp3A_1036 : vector<16xf32>
        %mul3A_1038 = arith.mulf %get3A_1035, %get3A_1031 : vector<16xf32>
        %add3A_1039 = arith.addf %add3A_1025, %mul3A_1038 : vector<16xf32>
        %add3A_1040 = arith.constant 7 : i32
        %add3A_1041 = arith.addi %mul3A_37, %add3A_1040 : i32
        %get3A_1042 = arith.index_cast %add3A_1041 : i32 to index
        %get3A_1043 = arith.constant 49 : index
        %get3A_1044 = tpu.vector_load %arg7[%get3A_1042, %get3A_1043] {strides = array<i32>} : memref<256x65xf32, #tpu.memory_space<vmem>>, vector<1x16xf32>,
        %get3A_1045 = vector.shape_cast %get3A_1044 : vector<1x16xf32> to vector<16xf32>
        %get3A_1046 = arith.index_cast %squeeze3A_979 : i32 to index
        %get3A_1047 = arith.constant 49 : index
        %get3A_1048 = tpu.vector_load %arg9[%get3A_1046, %get3A_1047] {strides = array<i32>} : memref<65x65xf32, #tpu.memory_space<vmem>>, vector<1x16xf32>,
        %get3A_1049 = vector.shape_cast %get3A_1048 : vector<1x16xf32> to vector<16xf32>
        %jit3A_1050 = arith.constant -3.000000e+01 : f32
        %broadcast_in_dim3A_1051 = vector.broadcast %jit3A_1050 : f32 to vector<16xf32>
        %select_n3A_1052 = arith.select %eq3A_6, %get3A_1045, %broadcast_in_dim3A_1051 : vector<16xi1>, vector<16xf32>
        %exp3A_1053 = math.exp %select_n3A_1052 : vector<16xf32>
        %add3A_1054 = arith.addf %add3A_1037, %exp3A_1053 : vector<16xf32>
        %mul3A_1055 = arith.mulf %get3A_1049, %get3A_1045 : vector<16xf32>
        %jit3A_1056 = arith.constant 0.000000e+00 : f32
        %broadcast_in_dim3A_1057 = vector.broadcast %jit3A_1056 : f32 to vector<16xf32>
        %select_n3A_1058 = arith.select %eq3A_6, %mul3A_1055, %broadcast_in_dim3A_1057 : vector<16xi1>, vector<16xf32>
        %add3A_1059 = arith.addf %add3A_1039, %select_n3A_1058 : vector<16xf32>
        %add3A_1060 = arith.addf %add3A_925, %add3A_1059 : vector<16xf32>
        %mul3A_1061 = arith.constant 256 : i32
        %mul3A_1062 = arith.muli %scan3A_21, %mul3A_1061 : i32
        %add3A_1063 = arith.addi %mul3A_1062, %mul3A_37 : i32
        %add3A_1064 = arith.constant 7 : i32
        %add3A_1065 = arith.addi %add3A_1063, %add3A_1064 : i32
        %jit3A_1066 = arith.constant 8 : i32
        %div3A_1067 = arith.divsi %add3A_1065, %jit3A_1066 : i32
        %sign3A_1068 = arith.constant 0 : i32
        %sign3A_1069 = arith.cmpi sgt, %add3A_1065, %sign3A_1068 : i32
        %sign3A_1070 = arith.extui %sign3A_1069 : i1 to i32
        %sign3A_1071 = arith.constant 0 : i32
        %sign3A_1072 = arith.cmpi slt, %add3A_1065, %sign3A_1071 : i32
        %sign3A_1073 = arith.extui %sign3A_1072 : i1 to i32
        %sign3A_1074 = arith.subi %sign3A_1070, %sign3A_1073 : i32
        %sign3A_1075 = arith.constant 0 : i32
        %sign3A_1076 = arith.cmpi sgt, %jit3A_1066, %sign3A_1075 : i32
        %sign3A_1077 = arith.extui %sign3A_1076 : i1 to i32
        %sign3A_1078 = arith.constant 0 : i32
        %sign3A_1079 = arith.cmpi slt, %jit3A_1066, %sign3A_1078 : i32
        %sign3A_1080 = arith.extui %sign3A_1079 : i1 to i32
        %sign3A_1081 = arith.subi %sign3A_1077, %sign3A_1080 : i32
        %ne3A_1082 = arith.cmpi ne, %sign3A_1074, %sign3A_1081 : i32
        %rem3A_1083 = arith.remsi %add3A_1065, %jit3A_1066 : i32
        %ne3A_1084 = arith.constant 0 : i32
        %ne3A_1085 = arith.cmpi ne, %rem3A_1083, %ne3A_1084 : i32
        %and3A_1086 = arith.andi %ne3A_1082, %ne3A_1085 : i1
        %sub3A_1087 = arith.constant 1 : i32
        %sub3A_1088 = arith.subi %div3A_1067, %sub3A_1087 : i32
        %select_n3A_1089 = arith.select %and3A_1086, %sub3A_1088, %div3A_1067 : i32
        %jit3A_1090 = arith.constant 8 : i32
        %eq3A_1091 = arith.constant 0 : i32
        %eq3A_1092 = arith.cmpi eq, %jit3A_1090, %eq3A_1091 : i32
        %jit3A_1093 = arith.constant 1 : i32
        %select_n3A_1094 = arith.select %eq3A_1092, %jit3A_1093, %jit3A_1090 : i32
        %rem3A_1095 = arith.remsi %add3A_1065, %select_n3A_1094 : i32
        %ne3A_1096 = arith.constant 0 : i32
        %ne3A_1097 = arith.cmpi ne, %rem3A_1095, %ne3A_1096 : i32
        %lt3A_1098 = arith.constant 0 : i32
        %lt3A_1099 = arith.cmpi slt, %rem3A_1095, %lt3A_1098 : i32
        %lt3A_1100 = arith.constant 0 : i32
        %lt3A_1101 = arith.cmpi slt, %select_n3A_1094, %lt3A_1100 : i32
        %ne3A_1102 = arith.xori %lt3A_1099, %lt3A_1101 : i1
        %and3A_1103 = arith.andi %ne3A_1102, %ne3A_1097 : i1
        %add3A_1104 = arith.addi %rem3A_1095, %select_n3A_1094 : i32
        %select_n3A_1105 = arith.select %and3A_1103, %add3A_1104, %rem3A_1095 : i32
        %mul3A_1106 = arith.constant 16 : i32
        %mul3A_1107 = arith.muli %select_n3A_1105, %mul3A_1106 : i32
        %swap3A_1108 = arith.index_cast %select_n3A_1089 : i32 to index
        %swap3A_1109 = arith.index_cast %mul3A_1107 : i32 to index
        %swap3A_1110 = tpu.vector_load %arg10[%swap3A_1108, %swap3A_1109] {strides = array<i32>} : memref<128x128xf32, #tpu.memory_space<vmem>>, vector<1x16xf32>,
        %swap3A_1111 = vector.shape_cast %swap3A_1110 : vector<1x16xf32> to vector<16xf32>
        %swap3A_1112 = vector.shape_cast %add3A_1054 : vector<16xf32> to vector<1x16xf32>
        tpu.vector_store %arg10[%swap3A_1108, %swap3A_1109], %swap3A_1112 {strides = array<i32>} : memref<128x128xf32, #tpu.memory_space<vmem>>, vector<1x16xf32>,
        %slice3A_1113 = vector.extract_strided_slice %get3A_42 {offsets = [8], sizes = [1], strides = [1]} : vector<16xi32> to vector<1xi32>
        %squeeze3A_1114 = vector.extract %slice3A_1113[0] : i32 from vector<1xi32>
        %broadcast_in_dim3A_1115 = arith.constant 0.000000e+00 : f32
        %broadcast_in_dim3A_1116 = vector.broadcast %broadcast_in_dim3A_1115 : f32 to vector<16xf32>
        %broadcast_in_dim3A_1117 = arith.constant 0.000000e+00 : f32
        %broadcast_in_dim3A_1118 = vector.broadcast %broadcast_in_dim3A_1117 : f32 to vector<16xf32>
        %add3A_1119 = arith.constant 8 : i32
        %add3A_1120 = arith.addi %mul3A_37, %add3A_1119 : i32
        %get3A_1121 = arith.index_cast %add3A_1120 : i32 to index
        %get3A_1122 = arith.constant 0 : index
        %get3A_1123 = tpu.vector_load %arg7[%get3A_1121, %get3A_1122] {strides = array<i32>} : memref<256x65xf32, #tpu.memory_space<vmem>>, vector<1x16xf32>,
        %get3A_1124 = vector.shape_cast %get3A_1123 : vector<1x16xf32> to vector<16xf32>
        %get3A_1125 = arith.index_cast %squeeze3A_1114 : i32 to index
        %get3A_1126 = arith.constant 0 : index
        %get3A_1127 = tpu.vector_load %arg9[%get3A_1125, %get3A_1126] {strides = array<i32>} : memref<65x65xf32, #tpu.memory_space<vmem>>, vector<1x16xf32>,
        %get3A_1128 = vector.shape_cast %get3A_1127 : vector<1x16xf32> to vector<16xf32>
        %exp3A_1129 = math.exp %get3A_1124 : vector<16xf32>
        %add3A_1130 = arith.addf %broadcast_in_dim3A_1116, %exp3A_1129 : vector<16xf32>
        %mul3A_1131 = arith.mulf %get3A_1128, %get3A_1124 : vector<16xf32>
        %add3A_1132 = arith.addf %broadcast_in_dim3A_1118, %mul3A_1131 : vector<16xf32>
        %add3A_1133 = arith.constant 8 : i32
        %add3A_1134 = arith.addi %mul3A_37, %add3A_1133 : i32
        %get3A_1135 = arith.index_cast %add3A_1134 : i32 to index
        %get3A_1136 = arith.constant 16 : index
        %get3A_1137 = tpu.vector_load %arg7[%get3A_1135, %get3A_1136] {strides = array<i32>} : memref<256x65xf32, #tpu.memory_space<vmem>>, vector<1x16xf32>,
        %get3A_1138 = vector.shape_cast %get3A_1137 : vector<1x16xf32> to vector<16xf32>
        %get3A_1139 = arith.index_cast %squeeze3A_1114 : i32 to index
        %get3A_1140 = arith.constant 16 : index
        %get3A_1141 = tpu.vector_load %arg9[%get3A_1139, %get3A_1140] {strides = array<i32>} : memref<65x65xf32, #tpu.memory_space<vmem>>, vector<1x16xf32>,
        %get3A_1142 = vector.shape_cast %get3A_1141 : vector<1x16xf32> to vector<16xf32>
        %exp3A_1143 = math.exp %get3A_1138 : vector<16xf32>
        %add3A_1144 = arith.addf %add3A_1130, %exp3A_1143 : vector<16xf32>
        %mul3A_1145 = arith.mulf %get3A_1142, %get3A_1138 : vector<16xf32>
        %add3A_1146 = arith.addf %add3A_1132, %mul3A_1145 : vector<16xf32>
        %add3A_1147 = arith.constant 8 : i32
        %add3A_1148 = arith.addi %mul3A_37, %add3A_1147 : i32
        %get3A_1149 = arith.index_cast %add3A_1148 : i32 to index
        %get3A_1150 = arith.constant 32 : index
        %get3A_1151 = tpu.vector_load %arg7[%get3A_1149, %get3A_1150] {strides = array<i32>} : memref<256x65xf32, #tpu.memory_space<vmem>>, vector<1x16xf32>,
        %get3A_1152 = vector.shape_cast %get3A_1151 : vector<1x16xf32> to vector<16xf32>
        %get3A_1153 = arith.index_cast %squeeze3A_1114 : i32 to index
        %get3A_1154 = arith.constant 32 : index
        %get3A_1155 = tpu.vector_load %arg9[%get3A_1153, %get3A_1154] {strides = array<i32>} : memref<65x65xf32, #tpu.memory_space<vmem>>, vector<1x16xf32>,
        %get3A_1156 = vector.shape_cast %get3A_1155 : vector<1x16xf32> to vector<16xf32>
        %exp3A_1157 = math.exp %get3A_1152 : vector<16xf32>
        %add3A_1158 = arith.addf %add3A_1144, %exp3A_1157 : vector<16xf32>
        %mul3A_1159 = arith.mulf %get3A_1156, %get3A_1152 : vector<16xf32>
        %add3A_1160 = arith.addf %add3A_1146, %mul3A_1159 : vector<16xf32>
        %add3A_1161 = arith.constant 8 : i32
        %add3A_1162 = arith.addi %mul3A_37, %add3A_1161 : i32
        %get3A_1163 = arith.index_cast %add3A_1162 : i32 to index
        %get3A_1164 = arith.constant 48 : index
        %get3A_1165 = tpu.vector_load %arg7[%get3A_1163, %get3A_1164] {strides = array<i32>} : memref<256x65xf32, #tpu.memory_space<vmem>>, vector<1x16xf32>,
        %get3A_1166 = vector.shape_cast %get3A_1165 : vector<1x16xf32> to vector<16xf32>
        %get3A_1167 = arith.index_cast %squeeze3A_1114 : i32 to index
        %get3A_1168 = arith.constant 48 : index
        %get3A_1169 = tpu.vector_load %arg9[%get3A_1167, %get3A_1168] {strides = array<i32>} : memref<65x65xf32, #tpu.memory_space<vmem>>, vector<1x16xf32>,
        %get3A_1170 = vector.shape_cast %get3A_1169 : vector<1x16xf32> to vector<16xf32>
        %exp3A_1171 = math.exp %get3A_1166 : vector<16xf32>
        %add3A_1172 = arith.addf %add3A_1158, %exp3A_1171 : vector<16xf32>
        %mul3A_1173 = arith.mulf %get3A_1170, %get3A_1166 : vector<16xf32>
        %add3A_1174 = arith.addf %add3A_1160, %mul3A_1173 : vector<16xf32>
        %add3A_1175 = arith.constant 8 : i32
        %add3A_1176 = arith.addi %mul3A_37, %add3A_1175 : i32
        %get3A_1177 = arith.index_cast %add3A_1176 : i32 to index
        %get3A_1178 = arith.constant 49 : index
        %get3A_1179 = tpu.vector_load %arg7[%get3A_1177, %get3A_1178] {strides = array<i32>} : memref<256x65xf32, #tpu.memory_space<vmem>>, vector<1x16xf32>,
        %get3A_1180 = vector.shape_cast %get3A_1179 : vector<1x16xf32> to vector<16xf32>
        %get3A_1181 = arith.index_cast %squeeze3A_1114 : i32 to index
        %get3A_1182 = arith.constant 49 : index
        %get3A_1183 = tpu.vector_load %arg9[%get3A_1181, %get3A_1182] {strides = array<i32>} : memref<65x65xf32, #tpu.memory_space<vmem>>, vector<1x16xf32>,
        %get3A_1184 = vector.shape_cast %get3A_1183 : vector<1x16xf32> to vector<16xf32>
        %jit3A_1185 = arith.constant -3.000000e+01 : f32
        %broadcast_in_dim3A_1186 = vector.broadcast %jit3A_1185 : f32 to vector<16xf32>
        %select_n3A_1187 = arith.select %eq3A_6, %get3A_1180, %broadcast_in_dim3A_1186 : vector<16xi1>, vector<16xf32>
        %exp3A_1188 = math.exp %select_n3A_1187 : vector<16xf32>
        %add3A_1189 = arith.addf %add3A_1172, %exp3A_1188 : vector<16xf32>
        %mul3A_1190 = arith.mulf %get3A_1184, %get3A_1180 : vector<16xf32>
        %jit3A_1191 = arith.constant 0.000000e+00 : f32
        %broadcast_in_dim3A_1192 = vector.broadcast %jit3A_1191 : f32 to vector<16xf32>
        %select_n3A_1193 = arith.select %eq3A_6, %mul3A_1190, %broadcast_in_dim3A_1192 : vector<16xi1>, vector<16xf32>
        %add3A_1194 = arith.addf %add3A_1174, %select_n3A_1193 : vector<16xf32>
        %add3A_1195 = arith.addf %add3A_1060, %add3A_1194 : vector<16xf32>
        %mul3A_1196 = arith.constant 256 : i32
        %mul3A_1197 = arith.muli %scan3A_21, %mul3A_1196 : i32
        %add3A_1198 = arith.addi %mul3A_1197, %mul3A_37 : i32
        %add3A_1199 = arith.constant 8 : i32
        %add3A_1200 = arith.addi %add3A_1198, %add3A_1199 : i32
        %jit3A_1201 = arith.constant 8 : i32
        %div3A_1202 = arith.divsi %add3A_1200, %jit3A_1201 : i32
        %sign3A_1203 = arith.constant 0 : i32
        %sign3A_1204 = arith.cmpi sgt, %add3A_1200, %sign3A_1203 : i32
        %sign3A_1205 = arith.extui %sign3A_1204 : i1 to i32
        %sign3A_1206 = arith.constant 0 : i32
        %sign3A_1207 = arith.cmpi slt, %add3A_1200, %sign3A_1206 : i32
        %sign3A_1208 = arith.extui %sign3A_1207 : i1 to i32
        %sign3A_1209 = arith.subi %sign3A_1205, %sign3A_1208 : i32
        %sign3A_1210 = arith.constant 0 : i32
        %sign3A_1211 = arith.cmpi sgt, %jit3A_1201, %sign3A_1210 : i32
        %sign3A_1212 = arith.extui %sign3A_1211 : i1 to i32
        %sign3A_1213 = arith.constant 0 : i32
        %sign3A_1214 = arith.cmpi slt, %jit3A_1201, %sign3A_1213 : i32
        %sign3A_1215 = arith.extui %sign3A_1214 : i1 to i32
        %sign3A_1216 = arith.subi %sign3A_1212, %sign3A_1215 : i32
        %ne3A_1217 = arith.cmpi ne, %sign3A_1209, %sign3A_1216 : i32
        %rem3A_1218 = arith.remsi %add3A_1200, %jit3A_1201 : i32
        %ne3A_1219 = arith.constant 0 : i32
        %ne3A_1220 = arith.cmpi ne, %rem3A_1218, %ne3A_1219 : i32
        %and3A_1221 = arith.andi %ne3A_1217, %ne3A_1220 : i1
        %sub3A_1222 = arith.constant 1 : i32
        %sub3A_1223 = arith.subi %div3A_1202, %sub3A_1222 : i32
        %select_n3A_1224 = arith.select %and3A_1221, %sub3A_1223, %div3A_1202 : i32
        %jit3A_1225 = arith.constant 8 : i32
        %eq3A_1226 = arith.constant 0 : i32
        %eq3A_1227 = arith.cmpi eq, %jit3A_1225, %eq3A_1226 : i32
        %jit3A_1228 = arith.constant 1 : i32
        %select_n3A_1229 = arith.select %eq3A_1227, %jit3A_1228, %jit3A_1225 : i32
        %rem3A_1230 = arith.remsi %add3A_1200, %select_n3A_1229 : i32
        %ne3A_1231 = arith.constant 0 : i32
        %ne3A_1232 = arith.cmpi ne, %rem3A_1230, %ne3A_1231 : i32
        %lt3A_1233 = arith.constant 0 : i32
        %lt3A_1234 = arith.cmpi slt, %rem3A_1230, %lt3A_1233 : i32
        %lt3A_1235 = arith.constant 0 : i32
        %lt3A_1236 = arith.cmpi slt, %select_n3A_1229, %lt3A_1235 : i32
        %ne3A_1237 = arith.xori %lt3A_1234, %lt3A_1236 : i1
        %and3A_1238 = arith.andi %ne3A_1237, %ne3A_1232 : i1
        %add3A_1239 = arith.addi %rem3A_1230, %select_n3A_1229 : i32
        %select_n3A_1240 = arith.select %and3A_1238, %add3A_1239, %rem3A_1230 : i32
        %mul3A_1241 = arith.constant 16 : i32
        %mul3A_1242 = arith.muli %select_n3A_1240, %mul3A_1241 : i32
        %swap3A_1243 = arith.index_cast %select_n3A_1224 : i32 to index
        %swap3A_1244 = arith.index_cast %mul3A_1242 : i32 to index
        %swap3A_1245 = tpu.vector_load %arg10[%swap3A_1243, %swap3A_1244] {strides = array<i32>} : memref<128x128xf32, #tpu.memory_space<vmem>>, vector<1x16xf32>,
        %swap3A_1246 = vector.shape_cast %swap3A_1245 : vector<1x16xf32> to vector<16xf32>
        %swap3A_1247 = vector.shape_cast %add3A_1189 : vector<16xf32> to vector<1x16xf32>
        tpu.vector_store %arg10[%swap3A_1243, %swap3A_1244], %swap3A_1247 {strides = array<i32>} : memref<128x128xf32, #tpu.memory_space<vmem>>, vector<1x16xf32>,
        %slice3A_1248 = vector.extract_strided_slice %get3A_42 {offsets = [9], sizes = [1], strides = [1]} : vector<16xi32> to vector<1xi32>
        %squeeze3A_1249 = vector.extract %slice3A_1248[0] : i32 from vector<1xi32>
        %broadcast_in_dim3A_1250 = arith.constant 0.000000e+00 : f32
        %broadcast_in_dim3A_1251 = vector.broadcast %broadcast_in_dim3A_1250 : f32 to vector<16xf32>
        %broadcast_in_dim3A_1252 = arith.constant 0.000000e+00 : f32
        %broadcast_in_dim3A_1253 = vector.broadcast %broadcast_in_dim3A_1252 : f32 to vector<16xf32>
        %add3A_1254 = arith.constant 9 : i32
        %add3A_1255 = arith.addi %mul3A_37, %add3A_1254 : i32
        %get3A_1256 = arith.index_cast %add3A_1255 : i32 to index
        %get3A_1257 = arith.constant 0 : index
        %get3A_1258 = tpu.vector_load %arg7[%get3A_1256, %get3A_1257] {strides = array<i32>} : memref<256x65xf32, #tpu.memory_space<vmem>>, vector<1x16xf32>,
        %get3A_1259 = vector.shape_cast %get3A_1258 : vector<1x16xf32> to vector<16xf32>
        %get3A_1260 = arith.index_cast %squeeze3A_1249 : i32 to index
        %get3A_1261 = arith.constant 0 : index
        %get3A_1262 = tpu.vector_load %arg9[%get3A_1260, %get3A_1261] {strides = array<i32>} : memref<65x65xf32, #tpu.memory_space<vmem>>, vector<1x16xf32>,
        %get3A_1263 = vector.shape_cast %get3A_1262 : vector<1x16xf32> to vector<16xf32>
        %exp3A_1264 = math.exp %get3A_1259 : vector<16xf32>
        %add3A_1265 = arith.addf %broadcast_in_dim3A_1251, %exp3A_1264 : vector<16xf32>
        %mul3A_1266 = arith.mulf %get3A_1263, %get3A_1259 : vector<16xf32>
        %add3A_1267 = arith.addf %broadcast_in_dim3A_1253, %mul3A_1266 : vector<16xf32>
        %add3A_1268 = arith.constant 9 : i32
        %add3A_1269 = arith.addi %mul3A_37, %add3A_1268 : i32
        %get3A_1270 = arith.index_cast %add3A_1269 : i32 to index
        %get3A_1271 = arith.constant 16 : index
        %get3A_1272 = tpu.vector_load %arg7[%get3A_1270, %get3A_1271] {strides = array<i32>} : memref<256x65xf32, #tpu.memory_space<vmem>>, vector<1x16xf32>,
        %get3A_1273 = vector.shape_cast %get3A_1272 : vector<1x16xf32> to vector<16xf32>
        %get3A_1274 = arith.index_cast %squeeze3A_1249 : i32 to index
        %get3A_1275 = arith.constant 16 : index
        %get3A_1276 = tpu.vector_load %arg9[%get3A_1274, %get3A_1275] {strides = array<i32>} : memref<65x65xf32, #tpu.memory_space<vmem>>, vector<1x16xf32>,
        %get3A_1277 = vector.shape_cast %get3A_1276 : vector<1x16xf32> to vector<16xf32>
        %exp3A_1278 = math.exp %get3A_1273 : vector<16xf32>
        %add3A_1279 = arith.addf %add3A_1265, %exp3A_1278 : vector<16xf32>
        %mul3A_1280 = arith.mulf %get3A_1277, %get3A_1273 : vector<16xf32>
        %add3A_1281 = arith.addf %add3A_1267, %mul3A_1280 : vector<16xf32>
        %add3A_1282 = arith.constant 9 : i32
        %add3A_1283 = arith.addi %mul3A_37, %add3A_1282 : i32
        %get3A_1284 = arith.index_cast %add3A_1283 : i32 to index
        %get3A_1285 = arith.constant 32 : index
        %get3A_1286 = tpu.vector_load %arg7[%get3A_1284, %get3A_1285] {strides = array<i32>} : memref<256x65xf32, #tpu.memory_space<vmem>>, vector<1x16xf32>,
        %get3A_1287 = vector.shape_cast %get3A_1286 : vector<1x16xf32> to vector<16xf32>
        %get3A_1288 = arith.index_cast %squeeze3A_1249 : i32 to index
        %get3A_1289 = arith.constant 32 : index
        %get3A_1290 = tpu.vector_load %arg9[%get3A_1288, %get3A_1289] {strides = array<i32>} : memref<65x65xf32, #tpu.memory_space<vmem>>, vector<1x16xf32>,
        %get3A_1291 = vector.shape_cast %get3A_1290 : vector<1x16xf32> to vector<16xf32>
        %exp3A_1292 = math.exp %get3A_1287 : vector<16xf32>
        %add3A_1293 = arith.addf %add3A_1279, %exp3A_1292 : vector<16xf32>
        %mul3A_1294 = arith.mulf %get3A_1291, %get3A_1287 : vector<16xf32>
        %add3A_1295 = arith.addf %add3A_1281, %mul3A_1294 : vector<16xf32>
        %add3A_1296 = arith.constant 9 : i32
        %add3A_1297 = arith.addi %mul3A_37, %add3A_1296 : i32
        %get3A_1298 = arith.index_cast %add3A_1297 : i32 to index
        %get3A_1299 = arith.constant 48 : index
        %get3A_1300 = tpu.vector_load %arg7[%get3A_1298, %get3A_1299] {strides = array<i32>} : memref<256x65xf32, #tpu.memory_space<vmem>>, vector<1x16xf32>,
        %get3A_1301 = vector.shape_cast %get3A_1300 : vector<1x16xf32> to vector<16xf32>
        %get3A_1302 = arith.index_cast %squeeze3A_1249 : i32 to index
        %get3A_1303 = arith.constant 48 : index
        %get3A_1304 = tpu.vector_load %arg9[%get3A_1302, %get3A_1303] {strides = array<i32>} : memref<65x65xf32, #tpu.memory_space<vmem>>, vector<1x16xf32>,
        %get3A_1305 = vector.shape_cast %get3A_1304 : vector<1x16xf32> to vector<16xf32>
        %exp3A_1306 = math.exp %get3A_1301 : vector<16xf32>
        %add3A_1307 = arith.addf %add3A_1293, %exp3A_1306 : vector<16xf32>
        %mul3A_1308 = arith.mulf %get3A_1305, %get3A_1301 : vector<16xf32>
        %add3A_1309 = arith.addf %add3A_1295, %mul3A_1308 : vector<16xf32>
        %add3A_1310 = arith.constant 9 : i32
        %add3A_1311 = arith.addi %mul3A_37, %add3A_1310 : i32
        %get3A_1312 = arith.index_cast %add3A_1311 : i32 to index
        %get3A_1313 = arith.constant 49 : index
        %get3A_1314 = tpu.vector_load %arg7[%get3A_1312, %get3A_1313] {strides = array<i32>} : memref<256x65xf32, #tpu.memory_space<vmem>>, vector<1x16xf32>,
        %get3A_1315 = vector.shape_cast %get3A_1314 : vector<1x16xf32> to vector<16xf32>
        %get3A_1316 = arith.index_cast %squeeze3A_1249 : i32 to index
        %get3A_1317 = arith.constant 49 : index
        %get3A_1318 = tpu.vector_load %arg9[%get3A_1316, %get3A_1317] {strides = array<i32>} : memref<65x65xf32, #tpu.memory_space<vmem>>, vector<1x16xf32>,
        %get3A_1319 = vector.shape_cast %get3A_1318 : vector<1x16xf32> to vector<16xf32>
        %jit3A_1320 = arith.constant -3.000000e+01 : f32
        %broadcast_in_dim3A_1321 = vector.broadcast %jit3A_1320 : f32 to vector<16xf32>
        %select_n3A_1322 = arith.select %eq3A_6, %get3A_1315, %broadcast_in_dim3A_1321 : vector<16xi1>, vector<16xf32>
        %exp3A_1323 = math.exp %select_n3A_1322 : vector<16xf32>
        %add3A_1324 = arith.addf %add3A_1307, %exp3A_1323 : vector<16xf32>
        %mul3A_1325 = arith.mulf %get3A_1319, %get3A_1315 : vector<16xf32>
        %jit3A_1326 = arith.constant 0.000000e+00 : f32
        %broadcast_in_dim3A_1327 = vector.broadcast %jit3A_1326 : f32 to vector<16xf32>
        %select_n3A_1328 = arith.select %eq3A_6, %mul3A_1325, %broadcast_in_dim3A_1327 : vector<16xi1>, vector<16xf32>
        %add3A_1329 = arith.addf %add3A_1309, %select_n3A_1328 : vector<16xf32>
        %add3A_1330 = arith.addf %add3A_1195, %add3A_1329 : vector<16xf32>
        %mul3A_1331 = arith.constant 256 : i32
        %mul3A_1332 = arith.muli %scan3A_21, %mul3A_1331 : i32
        %add3A_1333 = arith.addi %mul3A_1332, %mul3A_37 : i32
        %add3A_1334 = arith.constant 9 : i32
        %add3A_1335 = arith.addi %add3A_1333, %add3A_1334 : i32
        %jit3A_1336 = arith.constant 8 : i32
        %div3A_1337 = arith.divsi %add3A_1335, %jit3A_1336 : i32
        %sign3A_1338 = arith.constant 0 : i32
        %sign3A_1339 = arith.cmpi sgt, %add3A_1335, %sign3A_1338 : i32
        %sign3A_1340 = arith.extui %sign3A_1339 : i1 to i32
        %sign3A_1341 = arith.constant 0 : i32
        %sign3A_1342 = arith.cmpi slt, %add3A_1335, %sign3A_1341 : i32
        %sign3A_1343 = arith.extui %sign3A_1342 : i1 to i32
        %sign3A_1344 = arith.subi %sign3A_1340, %sign3A_1343 : i32
        %sign3A_1345 = arith.constant 0 : i32
        %sign3A_1346 = arith.cmpi sgt, %jit3A_1336, %sign3A_1345 : i32
        %sign3A_1347 = arith.extui %sign3A_1346 : i1 to i32
        %sign3A_1348 = arith.constant 0 : i32
        %sign3A_1349 = arith.cmpi slt, %jit3A_1336, %sign3A_1348 : i32
        %sign3A_1350 = arith.extui %sign3A_1349 : i1 to i32
        %sign3A_1351 = arith.subi %sign3A_1347, %sign3A_1350 : i32
        %ne3A_1352 = arith.cmpi ne, %sign3A_1344, %sign3A_1351 : i32
        %rem3A_1353 = arith.remsi %add3A_1335, %jit3A_1336 : i32
        %ne3A_1354 = arith.constant 0 : i32
        %ne3A_1355 = arith.cmpi ne, %rem3A_1353, %ne3A_1354 : i32
        %and3A_1356 = arith.andi %ne3A_1352, %ne3A_1355 : i1
        %sub3A_1357 = arith.constant 1 : i32
        %sub3A_1358 = arith.subi %div3A_1337, %sub3A_1357 : i32
        %select_n3A_1359 = arith.select %and3A_1356, %sub3A_1358, %div3A_1337 : i32
        %jit3A_1360 = arith.constant 8 : i32
        %eq3A_1361 = arith.constant 0 : i32
        %eq3A_1362 = arith.cmpi eq, %jit3A_1360, %eq3A_1361 : i32
        %jit3A_1363 = arith.constant 1 : i32
        %select_n3A_1364 = arith.select %eq3A_1362, %jit3A_1363, %jit3A_1360 : i32
        %rem3A_1365 = arith.remsi %add3A_1335, %select_n3A_1364 : i32
        %ne3A_1366 = arith.constant 0 : i32
        %ne3A_1367 = arith.cmpi ne, %rem3A_1365, %ne3A_1366 : i32
        %lt3A_1368 = arith.constant 0 : i32
        %lt3A_1369 = arith.cmpi slt, %rem3A_1365, %lt3A_1368 : i32
        %lt3A_1370 = arith.constant 0 : i32
        %lt3A_1371 = arith.cmpi slt, %select_n3A_1364, %lt3A_1370 : i32
        %ne3A_1372 = arith.xori %lt3A_1369, %lt3A_1371 : i1
        %and3A_1373 = arith.andi %ne3A_1372, %ne3A_1367 : i1
        %add3A_1374 = arith.addi %rem3A_1365, %select_n3A_1364 : i32
        %select_n3A_1375 = arith.select %and3A_1373, %add3A_1374, %rem3A_1365 : i32
        %mul3A_1376 = arith.constant 16 : i32
        %mul3A_1377 = arith.muli %select_n3A_1375, %mul3A_1376 : i32
        %swap3A_1378 = arith.index_cast %select_n3A_1359 : i32 to index
        %swap3A_1379 = arith.index_cast %mul3A_1377 : i32 to index
        %swap3A_1380 = tpu.vector_load %arg10[%swap3A_1378, %swap3A_1379] {strides = array<i32>} : memref<128x128xf32, #tpu.memory_space<vmem>>, vector<1x16xf32>,
        %swap3A_1381 = vector.shape_cast %swap3A_1380 : vector<1x16xf32> to vector<16xf32>
        %swap3A_1382 = vector.shape_cast %add3A_1324 : vector<16xf32> to vector<1x16xf32>
        tpu.vector_store %arg10[%swap3A_1378, %swap3A_1379], %swap3A_1382 {strides = array<i32>} : memref<128x128xf32, #tpu.memory_space<vmem>>, vector<1x16xf32>,
        %slice3A_1383 = vector.extract_strided_slice %get3A_42 {offsets = [10], sizes = [1], strides = [1]} : vector<16xi32> to vector<1xi32>
        %squeeze3A_1384 = vector.extract %slice3A_1383[0] : i32 from vector<1xi32>
        %broadcast_in_dim3A_1385 = arith.constant 0.000000e+00 : f32
        %broadcast_in_dim3A_1386 = vector.broadcast %broadcast_in_dim3A_1385 : f32 to vector<16xf32>
        %broadcast_in_dim3A_1387 = arith.constant 0.000000e+00 : f32
        %broadcast_in_dim3A_1388 = vector.broadcast %broadcast_in_dim3A_1387 : f32 to vector<16xf32>
        %add3A_1389 = arith.constant 10 : i32
        %add3A_1390 = arith.addi %mul3A_37, %add3A_1389 : i32
        %get3A_1391 = arith.index_cast %add3A_1390 : i32 to index
        %get3A_1392 = arith.constant 0 : index
        %get3A_1393 = tpu.vector_load %arg7[%get3A_1391, %get3A_1392] {strides = array<i32>} : memref<256x65xf32, #tpu.memory_space<vmem>>, vector<1x16xf32>,
        %get3A_1394 = vector.shape_cast %get3A_1393 : vector<1x16xf32> to vector<16xf32>
        %get3A_1395 = arith.index_cast %squeeze3A_1384 : i32 to index
        %get3A_1396 = arith.constant 0 : index
        %get3A_1397 = tpu.vector_load %arg9[%get3A_1395, %get3A_1396] {strides = array<i32>} : memref<65x65xf32, #tpu.memory_space<vmem>>, vector<1x16xf32>,
        %get3A_1398 = vector.shape_cast %get3A_1397 : vector<1x16xf32> to vector<16xf32>
        %exp3A_1399 = math.exp %get3A_1394 : vector<16xf32>
        %add3A_1400 = arith.addf %broadcast_in_dim3A_1386, %exp3A_1399 : vector<16xf32>
        %mul3A_1401 = arith.mulf %get3A_1398, %get3A_1394 : vector<16xf32>
        %add3A_1402 = arith.addf %broadcast_in_dim3A_1388, %mul3A_1401 : vector<16xf32>
        %add3A_1403 = arith.constant 10 : i32
        %add3A_1404 = arith.addi %mul3A_37, %add3A_1403 : i32
        %get3A_1405 = arith.index_cast %add3A_1404 : i32 to index
        %get3A_1406 = arith.constant 16 : index
        %get3A_1407 = tpu.vector_load %arg7[%get3A_1405, %get3A_1406] {strides = array<i32>} : memref<256x65xf32, #tpu.memory_space<vmem>>, vector<1x16xf32>,
        %get3A_1408 = vector.shape_cast %get3A_1407 : vector<1x16xf32> to vector<16xf32>
        %get3A_1409 = arith.index_cast %squeeze3A_1384 : i32 to index
        %get3A_1410 = arith.constant 16 : index
        %get3A_1411 = tpu.vector_load %arg9[%get3A_1409, %get3A_1410] {strides = array<i32>} : memref<65x65xf32, #tpu.memory_space<vmem>>, vector<1x16xf32>,
        %get3A_1412 = vector.shape_cast %get3A_1411 : vector<1x16xf32> to vector<16xf32>
        %exp3A_1413 = math.exp %get3A_1408 : vector<16xf32>
        %add3A_1414 = arith.addf %add3A_1400, %exp3A_1413 : vector<16xf32>
        %mul3A_1415 = arith.mulf %get3A_1412, %get3A_1408 : vector<16xf32>
        %add3A_1416 = arith.addf %add3A_1402, %mul3A_1415 : vector<16xf32>
        %add3A_1417 = arith.constant 10 : i32
        %add3A_1418 = arith.addi %mul3A_37, %add3A_1417 : i32
        %get3A_1419 = arith.index_cast %add3A_1418 : i32 to index
        %get3A_1420 = arith.constant 32 : index
        %get3A_1421 = tpu.vector_load %arg7[%get3A_1419, %get3A_1420] {strides = array<i32>} : memref<256x65xf32, #tpu.memory_space<vmem>>, vector<1x16xf32>,
        %get3A_1422 = vector.shape_cast %get3A_1421 : vector<1x16xf32> to vector<16xf32>
        %get3A_1423 = arith.index_cast %squeeze3A_1384 : i32 to index
        %get3A_1424 = arith.constant 32 : index
        %get3A_1425 = tpu.vector_load %arg9[%get3A_1423, %get3A_1424] {strides = array<i32>} : memref<65x65xf32, #tpu.memory_space<vmem>>, vector<1x16xf32>,
        %get3A_1426 = vector.shape_cast %get3A_1425 : vector<1x16xf32> to vector<16xf32>
        %exp3A_1427 = math.exp %get3A_1422 : vector<16xf32>
        %add3A_1428 = arith.addf %add3A_1414, %exp3A_1427 : vector<16xf32>
        %mul3A_1429 = arith.mulf %get3A_1426, %get3A_1422 : vector<16xf32>
        %add3A_1430 = arith.addf %add3A_1416, %mul3A_1429 : vector<16xf32>
        %add3A_1431 = arith.constant 10 : i32
        %add3A_1432 = arith.addi %mul3A_37, %add3A_1431 : i32
        %get3A_1433 = arith.index_cast %add3A_1432 : i32 to index
        %get3A_1434 = arith.constant 48 : index
        %get3A_1435 = tpu.vector_load %arg7[%get3A_1433, %get3A_1434] {strides = array<i32>} : memref<256x65xf32, #tpu.memory_space<vmem>>, vector<1x16xf32>,
        %get3A_1436 = vector.shape_cast %get3A_1435 : vector<1x16xf32> to vector<16xf32>
        %get3A_1437 = arith.index_cast %squeeze3A_1384 : i32 to index
        %get3A_1438 = arith.constant 48 : index
        %get3A_1439 = tpu.vector_load %arg9[%get3A_1437, %get3A_1438] {strides = array<i32>} : memref<65x65xf32, #tpu.memory_space<vmem>>, vector<1x16xf32>,
        %get3A_1440 = vector.shape_cast %get3A_1439 : vector<1x16xf32> to vector<16xf32>
        %exp3A_1441 = math.exp %get3A_1436 : vector<16xf32>
        %add3A_1442 = arith.addf %add3A_1428, %exp3A_1441 : vector<16xf32>
        %mul3A_1443 = arith.mulf %get3A_1440, %get3A_1436 : vector<16xf32>
        %add3A_1444 = arith.addf %add3A_1430, %mul3A_1443 : vector<16xf32>
        %add3A_1445 = arith.constant 10 : i32
        %add3A_1446 = arith.addi %mul3A_37, %add3A_1445 : i32
        %get3A_1447 = arith.index_cast %add3A_1446 : i32 to index
        %get3A_1448 = arith.constant 49 : index
        %get3A_1449 = tpu.vector_load %arg7[%get3A_1447, %get3A_1448] {strides = array<i32>} : memref<256x65xf32, #tpu.memory_space<vmem>>, vector<1x16xf32>,
        %get3A_1450 = vector.shape_cast %get3A_1449 : vector<1x16xf32> to vector<16xf32>
        %get3A_1451 = arith.index_cast %squeeze3A_1384 : i32 to index
        %get3A_1452 = arith.constant 49 : index
        %get3A_1453 = tpu.vector_load %arg9[%get3A_1451, %get3A_1452] {strides = array<i32>} : memref<65x65xf32, #tpu.memory_space<vmem>>, vector<1x16xf32>,
        %get3A_1454 = vector.shape_cast %get3A_1453 : vector<1x16xf32> to vector<16xf32>
        %jit3A_1455 = arith.constant -3.000000e+01 : f32
        %broadcast_in_dim3A_1456 = vector.broadcast %jit3A_1455 : f32 to vector<16xf32>
        %select_n3A_1457 = arith.select %eq3A_6, %get3A_1450, %broadcast_in_dim3A_1456 : vector<16xi1>, vector<16xf32>
        %exp3A_1458 = math.exp %select_n3A_1457 : vector<16xf32>
        %add3A_1459 = arith.addf %add3A_1442, %exp3A_1458 : vector<16xf32>
        %mul3A_1460 = arith.mulf %get3A_1454, %get3A_1450 : vector<16xf32>
        %jit3A_1461 = arith.constant 0.000000e+00 : f32
        %broadcast_in_dim3A_1462 = vector.broadcast %jit3A_1461 : f32 to vector<16xf32>
        %select_n3A_1463 = arith.select %eq3A_6, %mul3A_1460, %broadcast_in_dim3A_1462 : vector<16xi1>, vector<16xf32>
        %add3A_1464 = arith.addf %add3A_1444, %select_n3A_1463 : vector<16xf32>
        %add3A_1465 = arith.addf %add3A_1330, %add3A_1464 : vector<16xf32>
        %mul3A_1466 = arith.constant 256 : i32
        %mul3A_1467 = arith.muli %scan3A_21, %mul3A_1466 : i32
        %add3A_1468 = arith.addi %mul3A_1467, %mul3A_37 : i32
        %add3A_1469 = arith.constant 10 : i32
        %add3A_1470 = arith.addi %add3A_1468, %add3A_1469 : i32
        %jit3A_1471 = arith.constant 8 : i32
        %div3A_1472 = arith.divsi %add3A_1470, %jit3A_1471 : i32
        %sign3A_1473 = arith.constant 0 : i32
        %sign3A_1474 = arith.cmpi sgt, %add3A_1470, %sign3A_1473 : i32
        %sign3A_1475 = arith.extui %sign3A_1474 : i1 to i32
        %sign3A_1476 = arith.constant 0 : i32
        %sign3A_1477 = arith.cmpi slt, %add3A_1470, %sign3A_1476 : i32
        %sign3A_1478 = arith.extui %sign3A_1477 : i1 to i32
        %sign3A_1479 = arith.subi %sign3A_1475, %sign3A_1478 : i32
        %sign3A_1480 = arith.constant 0 : i32
        %sign3A_1481 = arith.cmpi sgt, %jit3A_1471, %sign3A_1480 : i32
        %sign3A_1482 = arith.extui %sign3A_1481 : i1 to i32
        %sign3A_1483 = arith.constant 0 : i32
        %sign3A_1484 = arith.cmpi slt, %jit3A_1471, %sign3A_1483 : i32
        %sign3A_1485 = arith.extui %sign3A_1484 : i1 to i32
        %sign3A_1486 = arith.subi %sign3A_1482, %sign3A_1485 : i32
        %ne3A_1487 = arith.cmpi ne, %sign3A_1479, %sign3A_1486 : i32
        %rem3A_1488 = arith.remsi %add3A_1470, %jit3A_1471 : i32
        %ne3A_1489 = arith.constant 0 : i32
        %ne3A_1490 = arith.cmpi ne, %rem3A_1488, %ne3A_1489 : i32
        %and3A_1491 = arith.andi %ne3A_1487, %ne3A_1490 : i1
        %sub3A_1492 = arith.constant 1 : i32
        %sub3A_1493 = arith.subi %div3A_1472, %sub3A_1492 : i32
        %select_n3A_1494 = arith.select %and3A_1491, %sub3A_1493, %div3A_1472 : i32
        %jit3A_1495 = arith.constant 8 : i32
        %eq3A_1496 = arith.constant 0 : i32
        %eq3A_1497 = arith.cmpi eq, %jit3A_1495, %eq3A_1496 : i32
        %jit3A_1498 = arith.constant 1 : i32
        %select_n3A_1499 = arith.select %eq3A_1497, %jit3A_1498, %jit3A_1495 : i32
        %rem3A_1500 = arith.remsi %add3A_1470, %select_n3A_1499 : i32
        %ne3A_1501 = arith.constant 0 : i32
        %ne3A_1502 = arith.cmpi ne, %rem3A_1500, %ne3A_1501 : i32
        %lt3A_1503 = arith.constant 0 : i32
        %lt3A_1504 = arith.cmpi slt, %rem3A_1500, %lt3A_1503 : i32
        %lt3A_1505 = arith.constant 0 : i32
        %lt3A_1506 = arith.cmpi slt, %select_n3A_1499, %lt3A_1505 : i32
        %ne3A_1507 = arith.xori %lt3A_1504, %lt3A_1506 : i1
        %and3A_1508 = arith.andi %ne3A_1507, %ne3A_1502 : i1
        %add3A_1509 = arith.addi %rem3A_1500, %select_n3A_1499 : i32
        %select_n3A_1510 = arith.select %and3A_1508, %add3A_1509, %rem3A_1500 : i32
        %mul3A_1511 = arith.constant 16 : i32
        %mul3A_1512 = arith.muli %select_n3A_1510, %mul3A_1511 : i32
        %swap3A_1513 = arith.index_cast %select_n3A_1494 : i32 to index
        %swap3A_1514 = arith.index_cast %mul3A_1512 : i32 to index
        %swap3A_1515 = tpu.vector_load %arg10[%swap3A_1513, %swap3A_1514] {strides = array<i32>} : memref<128x128xf32, #tpu.memory_space<vmem>>, vector<1x16xf32>,
        %swap3A_1516 = vector.shape_cast %swap3A_1515 : vector<1x16xf32> to vector<16xf32>
        %swap3A_1517 = vector.shape_cast %add3A_1459 : vector<16xf32> to vector<1x16xf32>
        tpu.vector_store %arg10[%swap3A_1513, %swap3A_1514], %swap3A_1517 {strides = array<i32>} : memref<128x128xf32, #tpu.memory_space<vmem>>, vector<1x16xf32>,
        %slice3A_1518 = vector.extract_strided_slice %get3A_42 {offsets = [11], sizes = [1], strides = [1]} : vector<16xi32> to vector<1xi32>
        %squeeze3A_1519 = vector.extract %slice3A_1518[0] : i32 from vector<1xi32>
        %broadcast_in_dim3A_1520 = arith.constant 0.000000e+00 : f32
        %broadcast_in_dim3A_1521 = vector.broadcast %broadcast_in_dim3A_1520 : f32 to vector<16xf32>
        %broadcast_in_dim3A_1522 = arith.constant 0.000000e+00 : f32
        %broadcast_in_dim3A_1523 = vector.broadcast %broadcast_in_dim3A_1522 : f32 to vector<16xf32>
        %add3A_1524 = arith.constant 11 : i32
        %add3A_1525 = arith.addi %mul3A_37, %add3A_1524 : i32
        %get3A_1526 = arith.index_cast %add3A_1525 : i32 to index
        %get3A_1527 = arith.constant 0 : index
        %get3A_1528 = tpu.vector_load %arg7[%get3A_1526, %get3A_1527] {strides = array<i32>} : memref<256x65xf32, #tpu.memory_space<vmem>>, vector<1x16xf32>,
        %get3A_1529 = vector.shape_cast %get3A_1528 : vector<1x16xf32> to vector<16xf32>
        %get3A_1530 = arith.index_cast %squeeze3A_1519 : i32 to index
        %get3A_1531 = arith.constant 0 : index
        %get3A_1532 = tpu.vector_load %arg9[%get3A_1530, %get3A_1531] {strides = array<i32>} : memref<65x65xf32, #tpu.memory_space<vmem>>, vector<1x16xf32>,
        %get3A_1533 = vector.shape_cast %get3A_1532 : vector<1x16xf32> to vector<16xf32>
        %exp3A_1534 = math.exp %get3A_1529 : vector<16xf32>
        %add3A_1535 = arith.addf %broadcast_in_dim3A_1521, %exp3A_1534 : vector<16xf32>
        %mul3A_1536 = arith.mulf %get3A_1533, %get3A_1529 : vector<16xf32>
        %add3A_1537 = arith.addf %broadcast_in_dim3A_1523, %mul3A_1536 : vector<16xf32>
        %add3A_1538 = arith.constant 11 : i32
        %add3A_1539 = arith.addi %mul3A_37, %add3A_1538 : i32
        %get3A_1540 = arith.index_cast %add3A_1539 : i32 to index
        %get3A_1541 = arith.constant 16 : index
        %get3A_1542 = tpu.vector_load %arg7[%get3A_1540, %get3A_1541] {strides = array<i32>} : memref<256x65xf32, #tpu.memory_space<vmem>>, vector<1x16xf32>,
        %get3A_1543 = vector.shape_cast %get3A_1542 : vector<1x16xf32> to vector<16xf32>
        %get3A_1544 = arith.index_cast %squeeze3A_1519 : i32 to index
        %get3A_1545 = arith.constant 16 : index
        %get3A_1546 = tpu.vector_load %arg9[%get3A_1544, %get3A_1545] {strides = array<i32>} : memref<65x65xf32, #tpu.memory_space<vmem>>, vector<1x16xf32>,
        %get3A_1547 = vector.shape_cast %get3A_1546 : vector<1x16xf32> to vector<16xf32>
        %exp3A_1548 = math.exp %get3A_1543 : vector<16xf32>
        %add3A_1549 = arith.addf %add3A_1535, %exp3A_1548 : vector<16xf32>
        %mul3A_1550 = arith.mulf %get3A_1547, %get3A_1543 : vector<16xf32>
        %add3A_1551 = arith.addf %add3A_1537, %mul3A_1550 : vector<16xf32>
        %add3A_1552 = arith.constant 11 : i32
        %add3A_1553 = arith.addi %mul3A_37, %add3A_1552 : i32
        %get3A_1554 = arith.index_cast %add3A_1553 : i32 to index
        %get3A_1555 = arith.constant 32 : index
        %get3A_1556 = tpu.vector_load %arg7[%get3A_1554, %get3A_1555] {strides = array<i32>} : memref<256x65xf32, #tpu.memory_space<vmem>>, vector<1x16xf32>,
        %get3A_1557 = vector.shape_cast %get3A_1556 : vector<1x16xf32> to vector<16xf32>
        %get3A_1558 = arith.index_cast %squeeze3A_1519 : i32 to index
        %get3A_1559 = arith.constant 32 : index
        %get3A_1560 = tpu.vector_load %arg9[%get3A_1558, %get3A_1559] {strides = array<i32>} : memref<65x65xf32, #tpu.memory_space<vmem>>, vector<1x16xf32>,
        %get3A_1561 = vector.shape_cast %get3A_1560 : vector<1x16xf32> to vector<16xf32>
        %exp3A_1562 = math.exp %get3A_1557 : vector<16xf32>
        %add3A_1563 = arith.addf %add3A_1549, %exp3A_1562 : vector<16xf32>
        %mul3A_1564 = arith.mulf %get3A_1561, %get3A_1557 : vector<16xf32>
        %add3A_1565 = arith.addf %add3A_1551, %mul3A_1564 : vector<16xf32>
        %add3A_1566 = arith.constant 11 : i32
        %add3A_1567 = arith.addi %mul3A_37, %add3A_1566 : i32
        %get3A_1568 = arith.index_cast %add3A_1567 : i32 to index
        %get3A_1569 = arith.constant 48 : index
        %get3A_1570 = tpu.vector_load %arg7[%get3A_1568, %get3A_1569] {strides = array<i32>} : memref<256x65xf32, #tpu.memory_space<vmem>>, vector<1x16xf32>,
        %get3A_1571 = vector.shape_cast %get3A_1570 : vector<1x16xf32> to vector<16xf32>
        %get3A_1572 = arith.index_cast %squeeze3A_1519 : i32 to index
        %get3A_1573 = arith.constant 48 : index
        %get3A_1574 = tpu.vector_load %arg9[%get3A_1572, %get3A_1573] {strides = array<i32>} : memref<65x65xf32, #tpu.memory_space<vmem>>, vector<1x16xf32>,
        %get3A_1575 = vector.shape_cast %get3A_1574 : vector<1x16xf32> to vector<16xf32>
        %exp3A_1576 = math.exp %get3A_1571 : vector<16xf32>
        %add3A_1577 = arith.addf %add3A_1563, %exp3A_1576 : vector<16xf32>
        %mul3A_1578 = arith.mulf %get3A_1575, %get3A_1571 : vector<16xf32>
        %add3A_1579 = arith.addf %add3A_1565, %mul3A_1578 : vector<16xf32>
        %add3A_1580 = arith.constant 11 : i32
        %add3A_1581 = arith.addi %mul3A_37, %add3A_1580 : i32
        %get3A_1582 = arith.index_cast %add3A_1581 : i32 to index
        %get3A_1583 = arith.constant 49 : index
        %get3A_1584 = tpu.vector_load %arg7[%get3A_1582, %get3A_1583] {strides = array<i32>} : memref<256x65xf32, #tpu.memory_space<vmem>>, vector<1x16xf32>,
        %get3A_1585 = vector.shape_cast %get3A_1584 : vector<1x16xf32> to vector<16xf32>
        %get3A_1586 = arith.index_cast %squeeze3A_1519 : i32 to index
        %get3A_1587 = arith.constant 49 : index
        %get3A_1588 = tpu.vector_load %arg9[%get3A_1586, %get3A_1587] {strides = array<i32>} : memref<65x65xf32, #tpu.memory_space<vmem>>, vector<1x16xf32>,
        %get3A_1589 = vector.shape_cast %get3A_1588 : vector<1x16xf32> to vector<16xf32>
        %jit3A_1590 = arith.constant -3.000000e+01 : f32
        %broadcast_in_dim3A_1591 = vector.broadcast %jit3A_1590 : f32 to vector<16xf32>
        %select_n3A_1592 = arith.select %eq3A_6, %get3A_1585, %broadcast_in_dim3A_1591 : vector<16xi1>, vector<16xf32>
        %exp3A_1593 = math.exp %select_n3A_1592 : vector<16xf32>
        %add3A_1594 = arith.addf %add3A_1577, %exp3A_1593 : vector<16xf32>
        %mul3A_1595 = arith.mulf %get3A_1589, %get3A_1585 : vector<16xf32>
        %jit3A_1596 = arith.constant 0.000000e+00 : f32
        %broadcast_in_dim3A_1597 = vector.broadcast %jit3A_1596 : f32 to vector<16xf32>
        %select_n3A_1598 = arith.select %eq3A_6, %mul3A_1595, %broadcast_in_dim3A_1597 : vector<16xi1>, vector<16xf32>
        %add3A_1599 = arith.addf %add3A_1579, %select_n3A_1598 : vector<16xf32>
        %add3A_1600 = arith.addf %add3A_1465, %add3A_1599 : vector<16xf32>
        %mul3A_1601 = arith.constant 256 : i32
        %mul3A_1602 = arith.muli %scan3A_21, %mul3A_1601 : i32
        %add3A_1603 = arith.addi %mul3A_1602, %mul3A_37 : i32
        %add3A_1604 = arith.constant 11 : i32
        %add3A_1605 = arith.addi %add3A_1603, %add3A_1604 : i32
        %jit3A_1606 = arith.constant 8 : i32
        %div3A_1607 = arith.divsi %add3A_1605, %jit3A_1606 : i32
        %sign3A_1608 = arith.constant 0 : i32
        %sign3A_1609 = arith.cmpi sgt, %add3A_1605, %sign3A_1608 : i32
        %sign3A_1610 = arith.extui %sign3A_1609 : i1 to i32
        %sign3A_1611 = arith.constant 0 : i32
        %sign3A_1612 = arith.cmpi slt, %add3A_1605, %sign3A_1611 : i32
        %sign3A_1613 = arith.extui %sign3A_1612 : i1 to i32
        %sign3A_1614 = arith.subi %sign3A_1610, %sign3A_1613 : i32
        %sign3A_1615 = arith.constant 0 : i32
        %sign3A_1616 = arith.cmpi sgt, %jit3A_1606, %sign3A_1615 : i32
        %sign3A_1617 = arith.extui %sign3A_1616 : i1 to i32
        %sign3A_1618 = arith.constant 0 : i32
        %sign3A_1619 = arith.cmpi slt, %jit3A_1606, %sign3A_1618 : i32
        %sign3A_1620 = arith.extui %sign3A_1619 : i1 to i32
        %sign3A_1621 = arith.subi %sign3A_1617, %sign3A_1620 : i32
        %ne3A_1622 = arith.cmpi ne, %sign3A_1614, %sign3A_1621 : i32
        %rem3A_1623 = arith.remsi %add3A_1605, %jit3A_1606 : i32
        %ne3A_1624 = arith.constant 0 : i32
        %ne3A_1625 = arith.cmpi ne, %rem3A_1623, %ne3A_1624 : i32
        %and3A_1626 = arith.andi %ne3A_1622, %ne3A_1625 : i1
        %sub3A_1627 = arith.constant 1 : i32
        %sub3A_1628 = arith.subi %div3A_1607, %sub3A_1627 : i32
        %select_n3A_1629 = arith.select %and3A_1626, %sub3A_1628, %div3A_1607 : i32
        %jit3A_1630 = arith.constant 8 : i32
        %eq3A_1631 = arith.constant 0 : i32
        %eq3A_1632 = arith.cmpi eq, %jit3A_1630, %eq3A_1631 : i32
        %jit3A_1633 = arith.constant 1 : i32
        %select_n3A_1634 = arith.select %eq3A_1632, %jit3A_1633, %jit3A_1630 : i32
        %rem3A_1635 = arith.remsi %add3A_1605, %select_n3A_1634 : i32
        %ne3A_1636 = arith.constant 0 : i32
        %ne3A_1637 = arith.cmpi ne, %rem3A_1635, %ne3A_1636 : i32
        %lt3A_1638 = arith.constant 0 : i32
        %lt3A_1639 = arith.cmpi slt, %rem3A_1635, %lt3A_1638 : i32
        %lt3A_1640 = arith.constant 0 : i32
        %lt3A_1641 = arith.cmpi slt, %select_n3A_1634, %lt3A_1640 : i32
        %ne3A_1642 = arith.xori %lt3A_1639, %lt3A_1641 : i1
        %and3A_1643 = arith.andi %ne3A_1642, %ne3A_1637 : i1
        %add3A_1644 = arith.addi %rem3A_1635, %select_n3A_1634 : i32
        %select_n3A_1645 = arith.select %and3A_1643, %add3A_1644, %rem3A_1635 : i32
        %mul3A_1646 = arith.constant 16 : i32
        %mul3A_1647 = arith.muli %select_n3A_1645, %mul3A_1646 : i32
        %swap3A_1648 = arith.index_cast %select_n3A_1629 : i32 to index
        %swap3A_1649 = arith.index_cast %mul3A_1647 : i32 to index
        %swap3A_1650 = tpu.vector_load %arg10[%swap3A_1648, %swap3A_1649] {strides = array<i32>} : memref<128x128xf32, #tpu.memory_space<vmem>>, vector<1x16xf32>,
        %swap3A_1651 = vector.shape_cast %swap3A_1650 : vector<1x16xf32> to vector<16xf32>
        %swap3A_1652 = vector.shape_cast %add3A_1594 : vector<16xf32> to vector<1x16xf32>
        tpu.vector_store %arg10[%swap3A_1648, %swap3A_1649], %swap3A_1652 {strides = array<i32>} : memref<128x128xf32, #tpu.memory_space<vmem>>, vector<1x16xf32>,
        %slice3A_1653 = vector.extract_strided_slice %get3A_42 {offsets = [12], sizes = [1], strides = [1]} : vector<16xi32> to vector<1xi32>
        %squeeze3A_1654 = vector.extract %slice3A_1653[0] : i32 from vector<1xi32>
        %broadcast_in_dim3A_1655 = arith.constant 0.000000e+00 : f32
        %broadcast_in_dim3A_1656 = vector.broadcast %broadcast_in_dim3A_1655 : f32 to vector<16xf32>
        %broadcast_in_dim3A_1657 = arith.constant 0.000000e+00 : f32
        %broadcast_in_dim3A_1658 = vector.broadcast %broadcast_in_dim3A_1657 : f32 to vector<16xf32>
        %add3A_1659 = arith.constant 12 : i32
        %add3A_1660 = arith.addi %mul3A_37, %add3A_1659 : i32
        %get3A_1661 = arith.index_cast %add3A_1660 : i32 to index
        %get3A_1662 = arith.constant 0 : index
        %get3A_1663 = tpu.vector_load %arg7[%get3A_1661, %get3A_1662] {strides = array<i32>} : memref<256x65xf32, #tpu.memory_space<vmem>>, vector<1x16xf32>,
        %get3A_1664 = vector.shape_cast %get3A_1663 : vector<1x16xf32> to vector<16xf32>
        %get3A_1665 = arith.index_cast %squeeze3A_1654 : i32 to index
        %get3A_1666 = arith.constant 0 : index
        %get3A_1667 = tpu.vector_load %arg9[%get3A_1665, %get3A_1666] {strides = array<i32>} : memref<65x65xf32, #tpu.memory_space<vmem>>, vector<1x16xf32>,
        %get3A_1668 = vector.shape_cast %get3A_1667 : vector<1x16xf32> to vector<16xf32>
        %exp3A_1669 = math.exp %get3A_1664 : vector<16xf32>
        %add3A_1670 = arith.addf %broadcast_in_dim3A_1656, %exp3A_1669 : vector<16xf32>
        %mul3A_1671 = arith.mulf %get3A_1668, %get3A_1664 : vector<16xf32>
        %add3A_1672 = arith.addf %broadcast_in_dim3A_1658, %mul3A_1671 : vector<16xf32>
        %add3A_1673 = arith.constant 12 : i32
        %add3A_1674 = arith.addi %mul3A_37, %add3A_1673 : i32
        %get3A_1675 = arith.index_cast %add3A_1674 : i32 to index
        %get3A_1676 = arith.constant 16 : index
        %get3A_1677 = tpu.vector_load %arg7[%get3A_1675, %get3A_1676] {strides = array<i32>} : memref<256x65xf32, #tpu.memory_space<vmem>>, vector<1x16xf32>,
        %get3A_1678 = vector.shape_cast %get3A_1677 : vector<1x16xf32> to vector<16xf32>
        %get3A_1679 = arith.index_cast %squeeze3A_1654 : i32 to index
        %get3A_1680 = arith.constant 16 : index
        %get3A_1681 = tpu.vector_load %arg9[%get3A_1679, %get3A_1680] {strides = array<i32>} : memref<65x65xf32, #tpu.memory_space<vmem>>, vector<1x16xf32>,
        %get3A_1682 = vector.shape_cast %get3A_1681 : vector<1x16xf32> to vector<16xf32>
        %exp3A_1683 = math.exp %get3A_1678 : vector<16xf32>
        %add3A_1684 = arith.addf %add3A_1670, %exp3A_1683 : vector<16xf32>
        %mul3A_1685 = arith.mulf %get3A_1682, %get3A_1678 : vector<16xf32>
        %add3A_1686 = arith.addf %add3A_1672, %mul3A_1685 : vector<16xf32>
        %add3A_1687 = arith.constant 12 : i32
        %add3A_1688 = arith.addi %mul3A_37, %add3A_1687 : i32
        %get3A_1689 = arith.index_cast %add3A_1688 : i32 to index
        %get3A_1690 = arith.constant 32 : index
        %get3A_1691 = tpu.vector_load %arg7[%get3A_1689, %get3A_1690] {strides = array<i32>} : memref<256x65xf32, #tpu.memory_space<vmem>>, vector<1x16xf32>,
        %get3A_1692 = vector.shape_cast %get3A_1691 : vector<1x16xf32> to vector<16xf32>
        %get3A_1693 = arith.index_cast %squeeze3A_1654 : i32 to index
        %get3A_1694 = arith.constant 32 : index
        %get3A_1695 = tpu.vector_load %arg9[%get3A_1693, %get3A_1694] {strides = array<i32>} : memref<65x65xf32, #tpu.memory_space<vmem>>, vector<1x16xf32>,
        %get3A_1696 = vector.shape_cast %get3A_1695 : vector<1x16xf32> to vector<16xf32>
        %exp3A_1697 = math.exp %get3A_1692 : vector<16xf32>
        %add3A_1698 = arith.addf %add3A_1684, %exp3A_1697 : vector<16xf32>
        %mul3A_1699 = arith.mulf %get3A_1696, %get3A_1692 : vector<16xf32>
        %add3A_1700 = arith.addf %add3A_1686, %mul3A_1699 : vector<16xf32>
        %add3A_1701 = arith.constant 12 : i32
        %add3A_1702 = arith.addi %mul3A_37, %add3A_1701 : i32
        %get3A_1703 = arith.index_cast %add3A_1702 : i32 to index
        %get3A_1704 = arith.constant 48 : index
        %get3A_1705 = tpu.vector_load %arg7[%get3A_1703, %get3A_1704] {strides = array<i32>} : memref<256x65xf32, #tpu.memory_space<vmem>>, vector<1x16xf32>,
        %get3A_1706 = vector.shape_cast %get3A_1705 : vector<1x16xf32> to vector<16xf32>
        %get3A_1707 = arith.index_cast %squeeze3A_1654 : i32 to index
        %get3A_1708 = arith.constant 48 : index
        %get3A_1709 = tpu.vector_load %arg9[%get3A_1707, %get3A_1708] {strides = array<i32>} : memref<65x65xf32, #tpu.memory_space<vmem>>, vector<1x16xf32>,
        %get3A_1710 = vector.shape_cast %get3A_1709 : vector<1x16xf32> to vector<16xf32>
        %exp3A_1711 = math.exp %get3A_1706 : vector<16xf32>
        %add3A_1712 = arith.addf %add3A_1698, %exp3A_1711 : vector<16xf32>
        %mul3A_1713 = arith.mulf %get3A_1710, %get3A_1706 : vector<16xf32>
        %add3A_1714 = arith.addf %add3A_1700, %mul3A_1713 : vector<16xf32>
        %add3A_1715 = arith.constant 12 : i32
        %add3A_1716 = arith.addi %mul3A_37, %add3A_1715 : i32
        %get3A_1717 = arith.index_cast %add3A_1716 : i32 to index
        %get3A_1718 = arith.constant 49 : index
        %get3A_1719 = tpu.vector_load %arg7[%get3A_1717, %get3A_1718] {strides = array<i32>} : memref<256x65xf32, #tpu.memory_space<vmem>>, vector<1x16xf32>,
        %get3A_1720 = vector.shape_cast %get3A_1719 : vector<1x16xf32> to vector<16xf32>
        %get3A_1721 = arith.index_cast %squeeze3A_1654 : i32 to index
        %get3A_1722 = arith.constant 49 : index
        %get3A_1723 = tpu.vector_load %arg9[%get3A_1721, %get3A_1722] {strides = array<i32>} : memref<65x65xf32, #tpu.memory_space<vmem>>, vector<1x16xf32>,
        %get3A_1724 = vector.shape_cast %get3A_1723 : vector<1x16xf32> to vector<16xf32>
        %jit3A_1725 = arith.constant -3.000000e+01 : f32
        %broadcast_in_dim3A_1726 = vector.broadcast %jit3A_1725 : f32 to vector<16xf32>
        %select_n3A_1727 = arith.select %eq3A_6, %get3A_1720, %broadcast_in_dim3A_1726 : vector<16xi1>, vector<16xf32>
        %exp3A_1728 = math.exp %select_n3A_1727 : vector<16xf32>
        %add3A_1729 = arith.addf %add3A_1712, %exp3A_1728 : vector<16xf32>
        %mul3A_1730 = arith.mulf %get3A_1724, %get3A_1720 : vector<16xf32>
        %jit3A_1731 = arith.constant 0.000000e+00 : f32
        %broadcast_in_dim3A_1732 = vector.broadcast %jit3A_1731 : f32 to vector<16xf32>
        %select_n3A_1733 = arith.select %eq3A_6, %mul3A_1730, %broadcast_in_dim3A_1732 : vector<16xi1>, vector<16xf32>
        %add3A_1734 = arith.addf %add3A_1714, %select_n3A_1733 : vector<16xf32>
        %add3A_1735 = arith.addf %add3A_1600, %add3A_1734 : vector<16xf32>
        %mul3A_1736 = arith.constant 256 : i32
        %mul3A_1737 = arith.muli %scan3A_21, %mul3A_1736 : i32
        %add3A_1738 = arith.addi %mul3A_1737, %mul3A_37 : i32
        %add3A_1739 = arith.constant 12 : i32
        %add3A_1740 = arith.addi %add3A_1738, %add3A_1739 : i32
        %jit3A_1741 = arith.constant 8 : i32
        %div3A_1742 = arith.divsi %add3A_1740, %jit3A_1741 : i32
        %sign3A_1743 = arith.constant 0 : i32
        %sign3A_1744 = arith.cmpi sgt, %add3A_1740, %sign3A_1743 : i32
        %sign3A_1745 = arith.extui %sign3A_1744 : i1 to i32
        %sign3A_1746 = arith.constant 0 : i32
        %sign3A_1747 = arith.cmpi slt, %add3A_1740, %sign3A_1746 : i32
        %sign3A_1748 = arith.extui %sign3A_1747 : i1 to i32
        %sign3A_1749 = arith.subi %sign3A_1745, %sign3A_1748 : i32
        %sign3A_1750 = arith.constant 0 : i32
        %sign3A_1751 = arith.cmpi sgt, %jit3A_1741, %sign3A_1750 : i32
        %sign3A_1752 = arith.extui %sign3A_1751 : i1 to i32
        %sign3A_1753 = arith.constant 0 : i32
        %sign3A_1754 = arith.cmpi slt, %jit3A_1741, %sign3A_1753 : i32
        %sign3A_1755 = arith.extui %sign3A_1754 : i1 to i32
        %sign3A_1756 = arith.subi %sign3A_1752, %sign3A_1755 : i32
        %ne3A_1757 = arith.cmpi ne, %sign3A_1749, %sign3A_1756 : i32
        %rem3A_1758 = arith.remsi %add3A_1740, %jit3A_1741 : i32
        %ne3A_1759 = arith.constant 0 : i32
        %ne3A_1760 = arith.cmpi ne, %rem3A_1758, %ne3A_1759 : i32
        %and3A_1761 = arith.andi %ne3A_1757, %ne3A_1760 : i1
        %sub3A_1762 = arith.constant 1 : i32
        %sub3A_1763 = arith.subi %div3A_1742, %sub3A_1762 : i32
        %select_n3A_1764 = arith.select %and3A_1761, %sub3A_1763, %div3A_1742 : i32
        %jit3A_1765 = arith.constant 8 : i32
        %eq3A_1766 = arith.constant 0 : i32
        %eq3A_1767 = arith.cmpi eq, %jit3A_1765, %eq3A_1766 : i32
        %jit3A_1768 = arith.constant 1 : i32
        %select_n3A_1769 = arith.select %eq3A_1767, %jit3A_1768, %jit3A_1765 : i32
        %rem3A_1770 = arith.remsi %add3A_1740, %select_n3A_1769 : i32
        %ne3A_1771 = arith.constant 0 : i32
        %ne3A_1772 = arith.cmpi ne, %rem3A_1770, %ne3A_1771 : i32
        %lt3A_1773 = arith.constant 0 : i32
        %lt3A_1774 = arith.cmpi slt, %rem3A_1770, %lt3A_1773 : i32
        %lt3A_1775 = arith.constant 0 : i32
        %lt3A_1776 = arith.cmpi slt, %select_n3A_1769, %lt3A_1775 : i32
        %ne3A_1777 = arith.xori %lt3A_1774, %lt3A_1776 : i1
        %and3A_1778 = arith.andi %ne3A_1777, %ne3A_1772 : i1
        %add3A_1779 = arith.addi %rem3A_1770, %select_n3A_1769 : i32
        %select_n3A_1780 = arith.select %and3A_1778, %add3A_1779, %rem3A_1770 : i32
        %mul3A_1781 = arith.constant 16 : i32
        %mul3A_1782 = arith.muli %select_n3A_1780, %mul3A_1781 : i32
        %swap3A_1783 = arith.index_cast %select_n3A_1764 : i32 to index
        %swap3A_1784 = arith.index_cast %mul3A_1782 : i32 to index
        %swap3A_1785 = tpu.vector_load %arg10[%swap3A_1783, %swap3A_1784] {strides = array<i32>} : memref<128x128xf32, #tpu.memory_space<vmem>>, vector<1x16xf32>,
        %swap3A_1786 = vector.shape_cast %swap3A_1785 : vector<1x16xf32> to vector<16xf32>
        %swap3A_1787 = vector.shape_cast %add3A_1729 : vector<16xf32> to vector<1x16xf32>
        tpu.vector_store %arg10[%swap3A_1783, %swap3A_1784], %swap3A_1787 {strides = array<i32>} : memref<128x128xf32, #tpu.memory_space<vmem>>, vector<1x16xf32>,
        %slice3A_1788 = vector.extract_strided_slice %get3A_42 {offsets = [13], sizes = [1], strides = [1]} : vector<16xi32> to vector<1xi32>
        %squeeze3A_1789 = vector.extract %slice3A_1788[0] : i32 from vector<1xi32>
        %broadcast_in_dim3A_1790 = arith.constant 0.000000e+00 : f32
        %broadcast_in_dim3A_1791 = vector.broadcast %broadcast_in_dim3A_1790 : f32 to vector<16xf32>
        %broadcast_in_dim3A_1792 = arith.constant 0.000000e+00 : f32
        %broadcast_in_dim3A_1793 = vector.broadcast %broadcast_in_dim3A_1792 : f32 to vector<16xf32>
        %add3A_1794 = arith.constant 13 : i32
        %add3A_1795 = arith.addi %mul3A_37, %add3A_1794 : i32
        %get3A_1796 = arith.index_cast %add3A_1795 : i32 to index
        %get3A_1797 = arith.constant 0 : index
        %get3A_1798 = tpu.vector_load %arg7[%get3A_1796, %get3A_1797] {strides = array<i32>} : memref<256x65xf32, #tpu.memory_space<vmem>>, vector<1x16xf32>,
        %get3A_1799 = vector.shape_cast %get3A_1798 : vector<1x16xf32> to vector<16xf32>
        %get3A_1800 = arith.index_cast %squeeze3A_1789 : i32 to index
        %get3A_1801 = arith.constant 0 : index
        %get3A_1802 = tpu.vector_load %arg9[%get3A_1800, %get3A_1801] {strides = array<i32>} : memref<65x65xf32, #tpu.memory_space<vmem>>, vector<1x16xf32>,
        %get3A_1803 = vector.shape_cast %get3A_1802 : vector<1x16xf32> to vector<16xf32>
        %exp3A_1804 = math.exp %get3A_1799 : vector<16xf32>
        %add3A_1805 = arith.addf %broadcast_in_dim3A_1791, %exp3A_1804 : vector<16xf32>
        %mul3A_1806 = arith.mulf %get3A_1803, %get3A_1799 : vector<16xf32>
        %add3A_1807 = arith.addf %broadcast_in_dim3A_1793, %mul3A_1806 : vector<16xf32>
        %add3A_1808 = arith.constant 13 : i32
        %add3A_1809 = arith.addi %mul3A_37, %add3A_1808 : i32
        %get3A_1810 = arith.index_cast %add3A_1809 : i32 to index
        %get3A_1811 = arith.constant 16 : index
        %get3A_1812 = tpu.vector_load %arg7[%get3A_1810, %get3A_1811] {strides = array<i32>} : memref<256x65xf32, #tpu.memory_space<vmem>>, vector<1x16xf32>,
        %get3A_1813 = vector.shape_cast %get3A_1812 : vector<1x16xf32> to vector<16xf32>
        %get3A_1814 = arith.index_cast %squeeze3A_1789 : i32 to index
        %get3A_1815 = arith.constant 16 : index
        %get3A_1816 = tpu.vector_load %arg9[%get3A_1814, %get3A_1815] {strides = array<i32>} : memref<65x65xf32, #tpu.memory_space<vmem>>, vector<1x16xf32>,
        %get3A_1817 = vector.shape_cast %get3A_1816 : vector<1x16xf32> to vector<16xf32>
        %exp3A_1818 = math.exp %get3A_1813 : vector<16xf32>
        %add3A_1819 = arith.addf %add3A_1805, %exp3A_1818 : vector<16xf32>
        %mul3A_1820 = arith.mulf %get3A_1817, %get3A_1813 : vector<16xf32>
        %add3A_1821 = arith.addf %add3A_1807, %mul3A_1820 : vector<16xf32>
        %add3A_1822 = arith.constant 13 : i32
        %add3A_1823 = arith.addi %mul3A_37, %add3A_1822 : i32
        %get3A_1824 = arith.index_cast %add3A_1823 : i32 to index
        %get3A_1825 = arith.constant 32 : index
        %get3A_1826 = tpu.vector_load %arg7[%get3A_1824, %get3A_1825] {strides = array<i32>} : memref<256x65xf32, #tpu.memory_space<vmem>>, vector<1x16xf32>,
        %get3A_1827 = vector.shape_cast %get3A_1826 : vector<1x16xf32> to vector<16xf32>
        %get3A_1828 = arith.index_cast %squeeze3A_1789 : i32 to index
        %get3A_1829 = arith.constant 32 : index
        %get3A_1830 = tpu.vector_load %arg9[%get3A_1828, %get3A_1829] {strides = array<i32>} : memref<65x65xf32, #tpu.memory_space<vmem>>, vector<1x16xf32>,
        %get3A_1831 = vector.shape_cast %get3A_1830 : vector<1x16xf32> to vector<16xf32>
        %exp3A_1832 = math.exp %get3A_1827 : vector<16xf32>
        %add3A_1833 = arith.addf %add3A_1819, %exp3A_1832 : vector<16xf32>
        %mul3A_1834 = arith.mulf %get3A_1831, %get3A_1827 : vector<16xf32>
        %add3A_1835 = arith.addf %add3A_1821, %mul3A_1834 : vector<16xf32>
        %add3A_1836 = arith.constant 13 : i32
        %add3A_1837 = arith.addi %mul3A_37, %add3A_1836 : i32
        %get3A_1838 = arith.index_cast %add3A_1837 : i32 to index
        %get3A_1839 = arith.constant 48 : index
        %get3A_1840 = tpu.vector_load %arg7[%get3A_1838, %get3A_1839] {strides = array<i32>} : memref<256x65xf32, #tpu.memory_space<vmem>>, vector<1x16xf32>,
        %get3A_1841 = vector.shape_cast %get3A_1840 : vector<1x16xf32> to vector<16xf32>
        %get3A_1842 = arith.index_cast %squeeze3A_1789 : i32 to index
        %get3A_1843 = arith.constant 48 : index
        %get3A_1844 = tpu.vector_load %arg9[%get3A_1842, %get3A_1843] {strides = array<i32>} : memref<65x65xf32, #tpu.memory_space<vmem>>, vector<1x16xf32>,
        %get3A_1845 = vector.shape_cast %get3A_1844 : vector<1x16xf32> to vector<16xf32>
        %exp3A_1846 = math.exp %get3A_1841 : vector<16xf32>
        %add3A_1847 = arith.addf %add3A_1833, %exp3A_1846 : vector<16xf32>
        %mul3A_1848 = arith.mulf %get3A_1845, %get3A_1841 : vector<16xf32>
        %add3A_1849 = arith.addf %add3A_1835, %mul3A_1848 : vector<16xf32>
        %add3A_1850 = arith.constant 13 : i32
        %add3A_1851 = arith.addi %mul3A_37, %add3A_1850 : i32
        %get3A_1852 = arith.index_cast %add3A_1851 : i32 to index
        %get3A_1853 = arith.constant 49 : index
        %get3A_1854 = tpu.vector_load %arg7[%get3A_1852, %get3A_1853] {strides = array<i32>} : memref<256x65xf32, #tpu.memory_space<vmem>>, vector<1x16xf32>,
        %get3A_1855 = vector.shape_cast %get3A_1854 : vector<1x16xf32> to vector<16xf32>
        %get3A_1856 = arith.index_cast %squeeze3A_1789 : i32 to index
        %get3A_1857 = arith.constant 49 : index
        %get3A_1858 = tpu.vector_load %arg9[%get3A_1856, %get3A_1857] {strides = array<i32>} : memref<65x65xf32, #tpu.memory_space<vmem>>, vector<1x16xf32>,
        %get3A_1859 = vector.shape_cast %get3A_1858 : vector<1x16xf32> to vector<16xf32>
        %jit3A_1860 = arith.constant -3.000000e+01 : f32
        %broadcast_in_dim3A_1861 = vector.broadcast %jit3A_1860 : f32 to vector<16xf32>
        %select_n3A_1862 = arith.select %eq3A_6, %get3A_1855, %broadcast_in_dim3A_1861 : vector<16xi1>, vector<16xf32>
        %exp3A_1863 = math.exp %select_n3A_1862 : vector<16xf32>
        %add3A_1864 = arith.addf %add3A_1847, %exp3A_1863 : vector<16xf32>
        %mul3A_1865 = arith.mulf %get3A_1859, %get3A_1855 : vector<16xf32>
        %jit3A_1866 = arith.constant 0.000000e+00 : f32
        %broadcast_in_dim3A_1867 = vector.broadcast %jit3A_1866 : f32 to vector<16xf32>
        %select_n3A_1868 = arith.select %eq3A_6, %mul3A_1865, %broadcast_in_dim3A_1867 : vector<16xi1>, vector<16xf32>
        %add3A_1869 = arith.addf %add3A_1849, %select_n3A_1868 : vector<16xf32>
        %add3A_1870 = arith.addf %add3A_1735, %add3A_1869 : vector<16xf32>
        %mul3A_1871 = arith.constant 256 : i32
        %mul3A_1872 = arith.muli %scan3A_21, %mul3A_1871 : i32
        %add3A_1873 = arith.addi %mul3A_1872, %mul3A_37 : i32
        %add3A_1874 = arith.constant 13 : i32
        %add3A_1875 = arith.addi %add3A_1873, %add3A_1874 : i32
        %jit3A_1876 = arith.constant 8 : i32
        %div3A_1877 = arith.divsi %add3A_1875, %jit3A_1876 : i32
        %sign3A_1878 = arith.constant 0 : i32
        %sign3A_1879 = arith.cmpi sgt, %add3A_1875, %sign3A_1878 : i32
        %sign3A_1880 = arith.extui %sign3A_1879 : i1 to i32
        %sign3A_1881 = arith.constant 0 : i32
        %sign3A_1882 = arith.cmpi slt, %add3A_1875, %sign3A_1881 : i32
        %sign3A_1883 = arith.extui %sign3A_1882 : i1 to i32
        %sign3A_1884 = arith.subi %sign3A_1880, %sign3A_1883 : i32
        %sign3A_1885 = arith.constant 0 : i32
        %sign3A_1886 = arith.cmpi sgt, %jit3A_1876, %sign3A_1885 : i32
        %sign3A_1887 = arith.extui %sign3A_1886 : i1 to i32
        %sign3A_1888 = arith.constant 0 : i32
        %sign3A_1889 = arith.cmpi slt, %jit3A_1876, %sign3A_1888 : i32
        %sign3A_1890 = arith.extui %sign3A_1889 : i1 to i32
        %sign3A_1891 = arith.subi %sign3A_1887, %sign3A_1890 : i32
        %ne3A_1892 = arith.cmpi ne, %sign3A_1884, %sign3A_1891 : i32
        %rem3A_1893 = arith.remsi %add3A_1875, %jit3A_1876 : i32
        %ne3A_1894 = arith.constant 0 : i32
        %ne3A_1895 = arith.cmpi ne, %rem3A_1893, %ne3A_1894 : i32
        %and3A_1896 = arith.andi %ne3A_1892, %ne3A_1895 : i1
        %sub3A_1897 = arith.constant 1 : i32
        %sub3A_1898 = arith.subi %div3A_1877, %sub3A_1897 : i32
        %select_n3A_1899 = arith.select %and3A_1896, %sub3A_1898, %div3A_1877 : i32
        %jit3A_1900 = arith.constant 8 : i32
        %eq3A_1901 = arith.constant 0 : i32
        %eq3A_1902 = arith.cmpi eq, %jit3A_1900, %eq3A_1901 : i32
        %jit3A_1903 = arith.constant 1 : i32
        %select_n3A_1904 = arith.select %eq3A_1902, %jit3A_1903, %jit3A_1900 : i32
        %rem3A_1905 = arith.remsi %add3A_1875, %select_n3A_1904 : i32
        %ne3A_1906 = arith.constant 0 : i32
        %ne3A_1907 = arith.cmpi ne, %rem3A_1905, %ne3A_1906 : i32
        %lt3A_1908 = arith.constant 0 : i32
        %lt3A_1909 = arith.cmpi slt, %rem3A_1905, %lt3A_1908 : i32
        %lt3A_1910 = arith.constant 0 : i32
        %lt3A_1911 = arith.cmpi slt, %select_n3A_1904, %lt3A_1910 : i32
        %ne3A_1912 = arith.xori %lt3A_1909, %lt3A_1911 : i1
        %and3A_1913 = arith.andi %ne3A_1912, %ne3A_1907 : i1
        %add3A_1914 = arith.addi %rem3A_1905, %select_n3A_1904 : i32
        %select_n3A_1915 = arith.select %and3A_1913, %add3A_1914, %rem3A_1905 : i32
        %mul3A_1916 = arith.constant 16 : i32
        %mul3A_1917 = arith.muli %select_n3A_1915, %mul3A_1916 : i32
        %swap3A_1918 = arith.index_cast %select_n3A_1899 : i32 to index
        %swap3A_1919 = arith.index_cast %mul3A_1917 : i32 to index
        %swap3A_1920 = tpu.vector_load %arg10[%swap3A_1918, %swap3A_1919] {strides = array<i32>} : memref<128x128xf32, #tpu.memory_space<vmem>>, vector<1x16xf32>,
        %swap3A_1921 = vector.shape_cast %swap3A_1920 : vector<1x16xf32> to vector<16xf32>
        %swap3A_1922 = vector.shape_cast %add3A_1864 : vector<16xf32> to vector<1x16xf32>
        tpu.vector_store %arg10[%swap3A_1918, %swap3A_1919], %swap3A_1922 {strides = array<i32>} : memref<128x128xf32, #tpu.memory_space<vmem>>, vector<1x16xf32>,
        %slice3A_1923 = vector.extract_strided_slice %get3A_42 {offsets = [14], sizes = [1], strides = [1]} : vector<16xi32> to vector<1xi32>
        %squeeze3A_1924 = vector.extract %slice3A_1923[0] : i32 from vector<1xi32>
        %broadcast_in_dim3A_1925 = arith.constant 0.000000e+00 : f32
        %broadcast_in_dim3A_1926 = vector.broadcast %broadcast_in_dim3A_1925 : f32 to vector<16xf32>
        %broadcast_in_dim3A_1927 = arith.constant 0.000000e+00 : f32
        %broadcast_in_dim3A_1928 = vector.broadcast %broadcast_in_dim3A_1927 : f32 to vector<16xf32>
        %add3A_1929 = arith.constant 14 : i32
        %add3A_1930 = arith.addi %mul3A_37, %add3A_1929 : i32
        %get3A_1931 = arith.index_cast %add3A_1930 : i32 to index
        %get3A_1932 = arith.constant 0 : index
        %get3A_1933 = tpu.vector_load %arg7[%get3A_1931, %get3A_1932] {strides = array<i32>} : memref<256x65xf32, #tpu.memory_space<vmem>>, vector<1x16xf32>,
        %get3A_1934 = vector.shape_cast %get3A_1933 : vector<1x16xf32> to vector<16xf32>
        %get3A_1935 = arith.index_cast %squeeze3A_1924 : i32 to index
        %get3A_1936 = arith.constant 0 : index
        %get3A_1937 = tpu.vector_load %arg9[%get3A_1935, %get3A_1936] {strides = array<i32>} : memref<65x65xf32, #tpu.memory_space<vmem>>, vector<1x16xf32>,
        %get3A_1938 = vector.shape_cast %get3A_1937 : vector<1x16xf32> to vector<16xf32>
        %exp3A_1939 = math.exp %get3A_1934 : vector<16xf32>
        %add3A_1940 = arith.addf %broadcast_in_dim3A_1926, %exp3A_1939 : vector<16xf32>
        %mul3A_1941 = arith.mulf %get3A_1938, %get3A_1934 : vector<16xf32>
        %add3A_1942 = arith.addf %broadcast_in_dim3A_1928, %mul3A_1941 : vector<16xf32>
        %add3A_1943 = arith.constant 14 : i32
        %add3A_1944 = arith.addi %mul3A_37, %add3A_1943 : i32
        %get3A_1945 = arith.index_cast %add3A_1944 : i32 to index
        %get3A_1946 = arith.constant 16 : index
        %get3A_1947 = tpu.vector_load %arg7[%get3A_1945, %get3A_1946] {strides = array<i32>} : memref<256x65xf32, #tpu.memory_space<vmem>>, vector<1x16xf32>,
        %get3A_1948 = vector.shape_cast %get3A_1947 : vector<1x16xf32> to vector<16xf32>
        %get3A_1949 = arith.index_cast %squeeze3A_1924 : i32 to index
        %get3A_1950 = arith.constant 16 : index
        %get3A_1951 = tpu.vector_load %arg9[%get3A_1949, %get3A_1950] {strides = array<i32>} : memref<65x65xf32, #tpu.memory_space<vmem>>, vector<1x16xf32>,
        %get3A_1952 = vector.shape_cast %get3A_1951 : vector<1x16xf32> to vector<16xf32>
        %exp3A_1953 = math.exp %get3A_1948 : vector<16xf32>
        %add3A_1954 = arith.addf %add3A_1940, %exp3A_1953 : vector<16xf32>
        %mul3A_1955 = arith.mulf %get3A_1952, %get3A_1948 : vector<16xf32>
        %add3A_1956 = arith.addf %add3A_1942, %mul3A_1955 : vector<16xf32>
        %add3A_1957 = arith.constant 14 : i32
        %add3A_1958 = arith.addi %mul3A_37, %add3A_1957 : i32
        %get3A_1959 = arith.index_cast %add3A_1958 : i32 to index
        %get3A_1960 = arith.constant 32 : index
        %get3A_1961 = tpu.vector_load %arg7[%get3A_1959, %get3A_1960] {strides = array<i32>} : memref<256x65xf32, #tpu.memory_space<vmem>>, vector<1x16xf32>,
        %get3A_1962 = vector.shape_cast %get3A_1961 : vector<1x16xf32> to vector<16xf32>
        %get3A_1963 = arith.index_cast %squeeze3A_1924 : i32 to index
        %get3A_1964 = arith.constant 32 : index
        %get3A_1965 = tpu.vector_load %arg9[%get3A_1963, %get3A_1964] {strides = array<i32>} : memref<65x65xf32, #tpu.memory_space<vmem>>, vector<1x16xf32>,
        %get3A_1966 = vector.shape_cast %get3A_1965 : vector<1x16xf32> to vector<16xf32>
        %exp3A_1967 = math.exp %get3A_1962 : vector<16xf32>
        %add3A_1968 = arith.addf %add3A_1954, %exp3A_1967 : vector<16xf32>
        %mul3A_1969 = arith.mulf %get3A_1966, %get3A_1962 : vector<16xf32>
        %add3A_1970 = arith.addf %add3A_1956, %mul3A_1969 : vector<16xf32>
        %add3A_1971 = arith.constant 14 : i32
        %add3A_1972 = arith.addi %mul3A_37, %add3A_1971 : i32
        %get3A_1973 = arith.index_cast %add3A_1972 : i32 to index
        %get3A_1974 = arith.constant 48 : index
        %get3A_1975 = tpu.vector_load %arg7[%get3A_1973, %get3A_1974] {strides = array<i32>} : memref<256x65xf32, #tpu.memory_space<vmem>>, vector<1x16xf32>,
        %get3A_1976 = vector.shape_cast %get3A_1975 : vector<1x16xf32> to vector<16xf32>
        %get3A_1977 = arith.index_cast %squeeze3A_1924 : i32 to index
        %get3A_1978 = arith.constant 48 : index
        %get3A_1979 = tpu.vector_load %arg9[%get3A_1977, %get3A_1978] {strides = array<i32>} : memref<65x65xf32, #tpu.memory_space<vmem>>, vector<1x16xf32>,
        %get3A_1980 = vector.shape_cast %get3A_1979 : vector<1x16xf32> to vector<16xf32>
        %exp3A_1981 = math.exp %get3A_1976 : vector<16xf32>
        %add3A_1982 = arith.addf %add3A_1968, %exp3A_1981 : vector<16xf32>
        %mul3A_1983 = arith.mulf %get3A_1980, %get3A_1976 : vector<16xf32>
        %add3A_1984 = arith.addf %add3A_1970, %mul3A_1983 : vector<16xf32>
        %add3A_1985 = arith.constant 14 : i32
        %add3A_1986 = arith.addi %mul3A_37, %add3A_1985 : i32
        %get3A_1987 = arith.index_cast %add3A_1986 : i32 to index
        %get3A_1988 = arith.constant 49 : index
        %get3A_1989 = tpu.vector_load %arg7[%get3A_1987, %get3A_1988] {strides = array<i32>} : memref<256x65xf32, #tpu.memory_space<vmem>>, vector<1x16xf32>,
        %get3A_1990 = vector.shape_cast %get3A_1989 : vector<1x16xf32> to vector<16xf32>
        %get3A_1991 = arith.index_cast %squeeze3A_1924 : i32 to index
        %get3A_1992 = arith.constant 49 : index
        %get3A_1993 = tpu.vector_load %arg9[%get3A_1991, %get3A_1992] {strides = array<i32>} : memref<65x65xf32, #tpu.memory_space<vmem>>, vector<1x16xf32>,
        %get3A_1994 = vector.shape_cast %get3A_1993 : vector<1x16xf32> to vector<16xf32>
        %jit3A_1995 = arith.constant -3.000000e+01 : f32
        %broadcast_in_dim3A_1996 = vector.broadcast %jit3A_1995 : f32 to vector<16xf32>
        %select_n3A_1997 = arith.select %eq3A_6, %get3A_1990, %broadcast_in_dim3A_1996 : vector<16xi1>, vector<16xf32>
        %exp3A_1998 = math.exp %select_n3A_1997 : vector<16xf32>
        %add3A_1999 = arith.addf %add3A_1982, %exp3A_1998 : vector<16xf32>
        %mul3A_2000 = arith.mulf %get3A_1994, %get3A_1990 : vector<16xf32>
        %jit3A_2001 = arith.constant 0.000000e+00 : f32
        %broadcast_in_dim3A_2002 = vector.broadcast %jit3A_2001 : f32 to vector<16xf32>
        %select_n3A_2003 = arith.select %eq3A_6, %mul3A_2000, %broadcast_in_dim3A_2002 : vector<16xi1>, vector<16xf32>
        %add3A_2004 = arith.addf %add3A_1984, %select_n3A_2003 : vector<16xf32>
        %add3A_2005 = arith.addf %add3A_1870, %add3A_2004 : vector<16xf32>
        %mul3A_2006 = arith.constant 256 : i32
        %mul3A_2007 = arith.muli %scan3A_21, %mul3A_2006 : i32
        %add3A_2008 = arith.addi %mul3A_2007, %mul3A_37 : i32
        %add3A_2009 = arith.constant 14 : i32
        %add3A_2010 = arith.addi %add3A_2008, %add3A_2009 : i32
        %jit3A_2011 = arith.constant 8 : i32
        %div3A_2012 = arith.divsi %add3A_2010, %jit3A_2011 : i32
        %sign3A_2013 = arith.constant 0 : i32
        %sign3A_2014 = arith.cmpi sgt, %add3A_2010, %sign3A_2013 : i32
        %sign3A_2015 = arith.extui %sign3A_2014 : i1 to i32
        %sign3A_2016 = arith.constant 0 : i32
        %sign3A_2017 = arith.cmpi slt, %add3A_2010, %sign3A_2016 : i32
        %sign3A_2018 = arith.extui %sign3A_2017 : i1 to i32
        %sign3A_2019 = arith.subi %sign3A_2015, %sign3A_2018 : i32
        %sign3A_2020 = arith.constant 0 : i32
        %sign3A_2021 = arith.cmpi sgt, %jit3A_2011, %sign3A_2020 : i32
        %sign3A_2022 = arith.extui %sign3A_2021 : i1 to i32
        %sign3A_2023 = arith.constant 0 : i32
        %sign3A_2024 = arith.cmpi slt, %jit3A_2011, %sign3A_2023 : i32
        %sign3A_2025 = arith.extui %sign3A_2024 : i1 to i32
        %sign3A_2026 = arith.subi %sign3A_2022, %sign3A_2025 : i32
        %ne3A_2027 = arith.cmpi ne, %sign3A_2019, %sign3A_2026 : i32
        %rem3A_2028 = arith.remsi %add3A_2010, %jit3A_2011 : i32
        %ne3A_2029 = arith.constant 0 : i32
        %ne3A_2030 = arith.cmpi ne, %rem3A_2028, %ne3A_2029 : i32
        %and3A_2031 = arith.andi %ne3A_2027, %ne3A_2030 : i1
        %sub3A_2032 = arith.constant 1 : i32
        %sub3A_2033 = arith.subi %div3A_2012, %sub3A_2032 : i32
        %select_n3A_2034 = arith.select %and3A_2031, %sub3A_2033, %div3A_2012 : i32
        %jit3A_2035 = arith.constant 8 : i32
        %eq3A_2036 = arith.constant 0 : i32
        %eq3A_2037 = arith.cmpi eq, %jit3A_2035, %eq3A_2036 : i32
        %jit3A_2038 = arith.constant 1 : i32
        %select_n3A_2039 = arith.select %eq3A_2037, %jit3A_2038, %jit3A_2035 : i32
        %rem3A_2040 = arith.remsi %add3A_2010, %select_n3A_2039 : i32
        %ne3A_2041 = arith.constant 0 : i32
        %ne3A_2042 = arith.cmpi ne, %rem3A_2040, %ne3A_2041 : i32
        %lt3A_2043 = arith.constant 0 : i32
        %lt3A_2044 = arith.cmpi slt, %rem3A_2040, %lt3A_2043 : i32
        %lt3A_2045 = arith.constant 0 : i32
        %lt3A_2046 = arith.cmpi slt, %select_n3A_2039, %lt3A_2045 : i32
        %ne3A_2047 = arith.xori %lt3A_2044, %lt3A_2046 : i1
        %and3A_2048 = arith.andi %ne3A_2047, %ne3A_2042 : i1
        %add3A_2049 = arith.addi %rem3A_2040, %select_n3A_2039 : i32
        %select_n3A_2050 = arith.select %and3A_2048, %add3A_2049, %rem3A_2040 : i32
        %mul3A_2051 = arith.constant 16 : i32
        %mul3A_2052 = arith.muli %select_n3A_2050, %mul3A_2051 : i32
        %swap3A_2053 = arith.index_cast %select_n3A_2034 : i32 to index
        %swap3A_2054 = arith.index_cast %mul3A_2052 : i32 to index
        %swap3A_2055 = tpu.vector_load %arg10[%swap3A_2053, %swap3A_2054] {strides = array<i32>} : memref<128x128xf32, #tpu.memory_space<vmem>>, vector<1x16xf32>,
        %swap3A_2056 = vector.shape_cast %swap3A_2055 : vector<1x16xf32> to vector<16xf32>
        %swap3A_2057 = vector.shape_cast %add3A_1999 : vector<16xf32> to vector<1x16xf32>
        tpu.vector_store %arg10[%swap3A_2053, %swap3A_2054], %swap3A_2057 {strides = array<i32>} : memref<128x128xf32, #tpu.memory_space<vmem>>, vector<1x16xf32>,
        %slice3A_2058 = vector.extract_strided_slice %get3A_42 {offsets = [15], sizes = [1], strides = [1]} : vector<16xi32> to vector<1xi32>
        %squeeze3A_2059 = vector.extract %slice3A_2058[0] : i32 from vector<1xi32>
        %broadcast_in_dim3A_2060 = arith.constant 0.000000e+00 : f32
        %broadcast_in_dim3A_2061 = vector.broadcast %broadcast_in_dim3A_2060 : f32 to vector<16xf32>
        %broadcast_in_dim3A_2062 = arith.constant 0.000000e+00 : f32
        %broadcast_in_dim3A_2063 = vector.broadcast %broadcast_in_dim3A_2062 : f32 to vector<16xf32>
        %add3A_2064 = arith.constant 15 : i32
        %add3A_2065 = arith.addi %mul3A_37, %add3A_2064 : i32
        %get3A_2066 = arith.index_cast %add3A_2065 : i32 to index
        %get3A_2067 = arith.constant 0 : index
        %get3A_2068 = tpu.vector_load %arg7[%get3A_2066, %get3A_2067] {strides = array<i32>} : memref<256x65xf32, #tpu.memory_space<vmem>>, vector<1x16xf32>,
        %get3A_2069 = vector.shape_cast %get3A_2068 : vector<1x16xf32> to vector<16xf32>
        %get3A_2070 = arith.index_cast %squeeze3A_2059 : i32 to index
        %get3A_2071 = arith.constant 0 : index
        %get3A_2072 = tpu.vector_load %arg9[%get3A_2070, %get3A_2071] {strides = array<i32>} : memref<65x65xf32, #tpu.memory_space<vmem>>, vector<1x16xf32>,
        %get3A_2073 = vector.shape_cast %get3A_2072 : vector<1x16xf32> to vector<16xf32>
        %exp3A_2074 = math.exp %get3A_2069 : vector<16xf32>
        %add3A_2075 = arith.addf %broadcast_in_dim3A_2061, %exp3A_2074 : vector<16xf32>
        %mul3A_2076 = arith.mulf %get3A_2073, %get3A_2069 : vector<16xf32>
        %add3A_2077 = arith.addf %broadcast_in_dim3A_2063, %mul3A_2076 : vector<16xf32>
        %add3A_2078 = arith.constant 15 : i32
        %add3A_2079 = arith.addi %mul3A_37, %add3A_2078 : i32
        %get3A_2080 = arith.index_cast %add3A_2079 : i32 to index
        %get3A_2081 = arith.constant 16 : index
        %get3A_2082 = tpu.vector_load %arg7[%get3A_2080, %get3A_2081] {strides = array<i32>} : memref<256x65xf32, #tpu.memory_space<vmem>>, vector<1x16xf32>,
        %get3A_2083 = vector.shape_cast %get3A_2082 : vector<1x16xf32> to vector<16xf32>
        %get3A_2084 = arith.index_cast %squeeze3A_2059 : i32 to index
        %get3A_2085 = arith.constant 16 : index
        %get3A_2086 = tpu.vector_load %arg9[%get3A_2084, %get3A_2085] {strides = array<i32>} : memref<65x65xf32, #tpu.memory_space<vmem>>, vector<1x16xf32>,
        %get3A_2087 = vector.shape_cast %get3A_2086 : vector<1x16xf32> to vector<16xf32>
        %exp3A_2088 = math.exp %get3A_2083 : vector<16xf32>
        %add3A_2089 = arith.addf %add3A_2075, %exp3A_2088 : vector<16xf32>
        %mul3A_2090 = arith.mulf %get3A_2087, %get3A_2083 : vector<16xf32>
        %add3A_2091 = arith.addf %add3A_2077, %mul3A_2090 : vector<16xf32>
        %add3A_2092 = arith.constant 15 : i32
        %add3A_2093 = arith.addi %mul3A_37, %add3A_2092 : i32
        %get3A_2094 = arith.index_cast %add3A_2093 : i32 to index
        %get3A_2095 = arith.constant 32 : index
        %get3A_2096 = tpu.vector_load %arg7[%get3A_2094, %get3A_2095] {strides = array<i32>} : memref<256x65xf32, #tpu.memory_space<vmem>>, vector<1x16xf32>,
        %get3A_2097 = vector.shape_cast %get3A_2096 : vector<1x16xf32> to vector<16xf32>
        %get3A_2098 = arith.index_cast %squeeze3A_2059 : i32 to index
        %get3A_2099 = arith.constant 32 : index
        %get3A_2100 = tpu.vector_load %arg9[%get3A_2098, %get3A_2099] {strides = array<i32>} : memref<65x65xf32, #tpu.memory_space<vmem>>, vector<1x16xf32>,
        %get3A_2101 = vector.shape_cast %get3A_2100 : vector<1x16xf32> to vector<16xf32>
        %exp3A_2102 = math.exp %get3A_2097 : vector<16xf32>
        %add3A_2103 = arith.addf %add3A_2089, %exp3A_2102 : vector<16xf32>
        %mul3A_2104 = arith.mulf %get3A_2101, %get3A_2097 : vector<16xf32>
        %add3A_2105 = arith.addf %add3A_2091, %mul3A_2104 : vector<16xf32>
        %add3A_2106 = arith.constant 15 : i32
        %add3A_2107 = arith.addi %mul3A_37, %add3A_2106 : i32
        %get3A_2108 = arith.index_cast %add3A_2107 : i32 to index
        %get3A_2109 = arith.constant 48 : index
        %get3A_2110 = tpu.vector_load %arg7[%get3A_2108, %get3A_2109] {strides = array<i32>} : memref<256x65xf32, #tpu.memory_space<vmem>>, vector<1x16xf32>,
        %get3A_2111 = vector.shape_cast %get3A_2110 : vector<1x16xf32> to vector<16xf32>
        %get3A_2112 = arith.index_cast %squeeze3A_2059 : i32 to index
        %get3A_2113 = arith.constant 48 : index
        %get3A_2114 = tpu.vector_load %arg9[%get3A_2112, %get3A_2113] {strides = array<i32>} : memref<65x65xf32, #tpu.memory_space<vmem>>, vector<1x16xf32>,
        %get3A_2115 = vector.shape_cast %get3A_2114 : vector<1x16xf32> to vector<16xf32>
        %exp3A_2116 = math.exp %get3A_2111 : vector<16xf32>
        %add3A_2117 = arith.addf %add3A_2103, %exp3A_2116 : vector<16xf32>
        %mul3A_2118 = arith.mulf %get3A_2115, %get3A_2111 : vector<16xf32>
        %add3A_2119 = arith.addf %add3A_2105, %mul3A_2118 : vector<16xf32>
        %add3A_2120 = arith.constant 15 : i32
        %add3A_2121 = arith.addi %mul3A_37, %add3A_2120 : i32
        %get3A_2122 = arith.index_cast %add3A_2121 : i32 to index
        %get3A_2123 = arith.constant 49 : index
        %get3A_2124 = tpu.vector_load %arg7[%get3A_2122, %get3A_2123] {strides = array<i32>} : memref<256x65xf32, #tpu.memory_space<vmem>>, vector<1x16xf32>,
        %get3A_2125 = vector.shape_cast %get3A_2124 : vector<1x16xf32> to vector<16xf32>
        %get3A_2126 = arith.index_cast %squeeze3A_2059 : i32 to index
        %get3A_2127 = arith.constant 49 : index
        %get3A_2128 = tpu.vector_load %arg9[%get3A_2126, %get3A_2127] {strides = array<i32>} : memref<65x65xf32, #tpu.memory_space<vmem>>, vector<1x16xf32>,
        %get3A_2129 = vector.shape_cast %get3A_2128 : vector<1x16xf32> to vector<16xf32>
        %jit3A_2130 = arith.constant -3.000000e+01 : f32
        %broadcast_in_dim3A_2131 = vector.broadcast %jit3A_2130 : f32 to vector<16xf32>
        %select_n3A_2132 = arith.select %eq3A_6, %get3A_2125, %broadcast_in_dim3A_2131 : vector<16xi1>, vector<16xf32>
        %exp3A_2133 = math.exp %select_n3A_2132 : vector<16xf32>
        %add3A_2134 = arith.addf %add3A_2117, %exp3A_2133 : vector<16xf32>
        %mul3A_2135 = arith.mulf %get3A_2129, %get3A_2125 : vector<16xf32>
        %jit3A_2136 = arith.constant 0.000000e+00 : f32
        %broadcast_in_dim3A_2137 = vector.broadcast %jit3A_2136 : f32 to vector<16xf32>
        %select_n3A_2138 = arith.select %eq3A_6, %mul3A_2135, %broadcast_in_dim3A_2137 : vector<16xi1>, vector<16xf32>
        %add3A_2139 = arith.addf %add3A_2119, %select_n3A_2138 : vector<16xf32>
        %add3A_2140 = arith.addf %add3A_2005, %add3A_2139 : vector<16xf32>
        %mul3A_2141 = arith.constant 256 : i32
        %mul3A_2142 = arith.muli %scan3A_21, %mul3A_2141 : i32
        %add3A_2143 = arith.addi %mul3A_2142, %mul3A_37 : i32
        %add3A_2144 = arith.constant 15 : i32
        %add3A_2145 = arith.addi %add3A_2143, %add3A_2144 : i32
        %jit3A_2146 = arith.constant 8 : i32
        %div3A_2147 = arith.divsi %add3A_2145, %jit3A_2146 : i32
        %sign3A_2148 = arith.constant 0 : i32
        %sign3A_2149 = arith.cmpi sgt, %add3A_2145, %sign3A_2148 : i32
        %sign3A_2150 = arith.extui %sign3A_2149 : i1 to i32
        %sign3A_2151 = arith.constant 0 : i32
        %sign3A_2152 = arith.cmpi slt, %add3A_2145, %sign3A_2151 : i32
        %sign3A_2153 = arith.extui %sign3A_2152 : i1 to i32
        %sign3A_2154 = arith.subi %sign3A_2150, %sign3A_2153 : i32
        %sign3A_2155 = arith.constant 0 : i32
        %sign3A_2156 = arith.cmpi sgt, %jit3A_2146, %sign3A_2155 : i32
        %sign3A_2157 = arith.extui %sign3A_2156 : i1 to i32
        %sign3A_2158 = arith.constant 0 : i32
        %sign3A_2159 = arith.cmpi slt, %jit3A_2146, %sign3A_2158 : i32
        %sign3A_2160 = arith.extui %sign3A_2159 : i1 to i32
        %sign3A_2161 = arith.subi %sign3A_2157, %sign3A_2160 : i32
        %ne3A_2162 = arith.cmpi ne, %sign3A_2154, %sign3A_2161 : i32
        %rem3A_2163 = arith.remsi %add3A_2145, %jit3A_2146 : i32
        %ne3A_2164 = arith.constant 0 : i32
        %ne3A_2165 = arith.cmpi ne, %rem3A_2163, %ne3A_2164 : i32
        %and3A_2166 = arith.andi %ne3A_2162, %ne3A_2165 : i1
        %sub3A_2167 = arith.constant 1 : i32
        %sub3A_2168 = arith.subi %div3A_2147, %sub3A_2167 : i32
        %select_n3A_2169 = arith.select %and3A_2166, %sub3A_2168, %div3A_2147 : i32
        %jit3A_2170 = arith.constant 8 : i32
        %eq3A_2171 = arith.constant 0 : i32
        %eq3A_2172 = arith.cmpi eq, %jit3A_2170, %eq3A_2171 : i32
        %jit3A_2173 = arith.constant 1 : i32
        %select_n3A_2174 = arith.select %eq3A_2172, %jit3A_2173, %jit3A_2170 : i32
        %rem3A_2175 = arith.remsi %add3A_2145, %select_n3A_2174 : i32
        %ne3A_2176 = arith.constant 0 : i32
        %ne3A_2177 = arith.cmpi ne, %rem3A_2175, %ne3A_2176 : i32
        %lt3A_2178 = arith.constant 0 : i32
        %lt3A_2179 = arith.cmpi slt, %rem3A_2175, %lt3A_2178 : i32
        %lt3A_2180 = arith.constant 0 : i32
        %lt3A_2181 = arith.cmpi slt, %select_n3A_2174, %lt3A_2180 : i32
        %ne3A_2182 = arith.xori %lt3A_2179, %lt3A_2181 : i1
        %and3A_2183 = arith.andi %ne3A_2182, %ne3A_2177 : i1
        %add3A_2184 = arith.addi %rem3A_2175, %select_n3A_2174 : i32
        %select_n3A_2185 = arith.select %and3A_2183, %add3A_2184, %rem3A_2175 : i32
        %mul3A_2186 = arith.constant 16 : i32
        %mul3A_2187 = arith.muli %select_n3A_2185, %mul3A_2186 : i32
        %swap3A_2188 = arith.index_cast %select_n3A_2169 : i32 to index
        %swap3A_2189 = arith.index_cast %mul3A_2187 : i32 to index
        %swap3A_2190 = tpu.vector_load %arg10[%swap3A_2188, %swap3A_2189] {strides = array<i32>} : memref<128x128xf32, #tpu.memory_space<vmem>>, vector<1x16xf32>,
        %swap3A_2191 = vector.shape_cast %swap3A_2190 : vector<1x16xf32> to vector<16xf32>
        %swap3A_2192 = vector.shape_cast %add3A_2134 : vector<16xf32> to vector<1x16xf32>
        tpu.vector_store %arg10[%swap3A_2188, %swap3A_2189], %swap3A_2192 {strides = array<i32>} : memref<128x128xf32, #tpu.memory_space<vmem>>, vector<1x16xf32>,
        %get3A_2193 = arith.constant 0 : index
        %get3A_2194 = tpu.vector_load %arg11[%get3A_2193] {strides = array<i32>} : memref<16xf32, #tpu.memory_space<vmem>>, vector<16xf32>,
        %get3A_2195 = vector.shape_cast %get3A_2194 : vector<16xf32> to vector<16xf32>
        %add3A_2196 = arith.addf %get3A_2195, %add3A_2140 : vector<16xf32>
        %swap3A_2197 = arith.constant 0 : index
        %swap3A_2198 = tpu.vector_load %arg11[%swap3A_2197] {strides = array<i32>} : memref<16xf32, #tpu.memory_space<vmem>>, vector<16xf32>,
        %swap3A_2199 = vector.shape_cast %swap3A_2198 : vector<16xf32> to vector<16xf32>
        %swap3A_2200 = vector.shape_cast %add3A_2196 : vector<16xf32> to vector<16xf32>
        tpu.vector_store %arg11[%swap3A_2197], %swap3A_2200 {strides = array<i32>} : memref<16xf32, #tpu.memory_space<vmem>>, vector<16xf32>,
        %scan3A_2201 = arith.constant 0 : i32
        scf.yield %scan3A_2201 : i32
      }
      %scan3A_32 = arith.constant 16 : i32
      %scan3A_33 = arith.constant 0 : i32
      scf.yield %scan3A_33 : i32
    }
    %scan3A_16 = arith.constant 4 : i32
    %mul3A_17 = arith.constant 128 : i32
    %mul3A_18 = arith.muli %add3A, %mul3A_17 : i32
    "tpu.region"() ({
      %run_scoped3A = tpu.sem_alloc : memref<!tpu.dma_semaphore, #tpu.memory_space<semaphore_mem>>
      %dma_start3A = arith.constant 0 : i32
      %dma_start3A_21 = tpu.memref_slice %arg5[%mul3A_18, %dma_start3A] : memref<4096x128xf32, #tpu.memory_space<hbm>> -> memref<128x128xf32, #tpu.memory_space<hbm>>
      %dma_start3A_22 = arith.constant 0 : i32
      %dma_start3A_23 = tpu.memref_slice %arg5[%mul3A_18, %dma_start3A_22] : memref<4096x128xf32, #tpu.memory_space<hbm>> -> memref<128x128xf32, #tpu.memory_space<hbm>>
      tpu.enqueue_dma source(%arg10 : memref<128x128xf32, #tpu.memory_space<vmem>>) target(%dma_start3A_23 : memref<128x128xf32, #tpu.memory_space<hbm>>) target_semaphore(%run_scoped3A : memref<!tpu.dma_semaphore, #tpu.memory_space<semaphore_mem>>)
      %dma_wait3A = arith.constant 0 : i32
      %dma_wait3A_24 = tpu.memref_slice %arg5[%mul3A_18, %dma_wait3A] : memref<4096x128xf32, #tpu.memory_space<hbm>> -> memref<128x128xf32, #tpu.memory_space<hbm>>
      %dma_wait3A_25 = arith.constant 0 : i32
      %dma_wait3A_26 = tpu.memref_slice %arg5[%mul3A_18, %dma_wait3A_25] : memref<4096x128xf32, #tpu.memory_space<hbm>> -> memref<128x128xf32, #tpu.memory_space<hbm>>
      tpu.wait_dma2 semaphore(%run_scoped3A : memref<!tpu.dma_semaphore, #tpu.memory_space<semaphore_mem>>) src(%arg10 : memref<128x128xf32, #tpu.memory_space<vmem>>) dst(%dma_wait3A_26 : memref<128x128xf32, #tpu.memory_space<hbm>>)
      tpu.yield
    }) : () -> ()
    %mul3A_19 = arith.constant 16 : i32
    %mul3A_20 = arith.muli %add3A, %mul3A_19 : i32
    "tpu.region"() ({
      %run_scoped3A = tpu.sem_alloc : memref<!tpu.dma_semaphore, #tpu.memory_space<semaphore_mem>>
      %dma_start3A = tpu.memref_slice %arg6[%mul3A_20] : memref<512xf32, #tpu.memory_space<hbm>> -> memref<16xf32, #tpu.memory_space<hbm>>
      %dma_start3A_21 = tpu.memref_slice %arg6[%mul3A_20] : memref<512xf32, #tpu.memory_space<hbm>> -> memref<16xf32, #tpu.memory_space<hbm>>
      tpu.enqueue_dma source(%arg11 : memref<16xf32, #tpu.memory_space<vmem>>) target(%dma_start3A_21 : memref<16xf32, #tpu.memory_space<hbm>>) target_semaphore(%run_scoped3A : memref<!tpu.dma_semaphore, #tpu.memory_space<semaphore_mem>>)
      %dma_wait3A = tpu.memref_slice %arg6[%mul3A_20] : memref<512xf32, #tpu.memory_space<hbm>> -> memref<16xf32, #tpu.memory_space<hbm>>
      %dma_wait3A_22 = tpu.memref_slice %arg6[%mul3A_20] : memref<512xf32, #tpu.memory_space<hbm>> -> memref<16xf32, #tpu.memory_space<hbm>>
      tpu.wait_dma2 semaphore(%run_scoped3A : memref<!tpu.dma_semaphore, #tpu.memory_space<semaphore_mem>>) src(%arg11 : memref<16xf32, #tpu.memory_space<vmem>>) dst(%dma_wait3A_22 : memref<16xf32, #tpu.memory_space<hbm>>)
      tpu.yield
    }) : () -> ()
    return
  }
}

module attributes {stable_mosaic.version = 14 : i64} {
  func.func @_fin_block(%arg0: memref<4096x128xf32, #tpu.memory_space<vmem>>, %arg1: memref<4096x8xi32, #tpu.memory_space<vmem>>, %arg2: memref<4x128xf32, #tpu.memory_space<vmem>>, %arg3: memref<128x8xf32, #tpu.memory_space<vmem>>, %arg4: memref<1x1xf32, #tpu.memory_space<vmem>>) attributes {dimension_semantics = [], scalar_prefetch = 0 : i64, scratch_operands = 0 : i64, tpu.core_type = #tpu.core_type<tc>} {
    %get3A = arith.constant 0 : index
    %get3A_0 = arith.constant 0 : index
    %get3A_1 = vector.load %arg0[%get3A, %get3A_0] : memref<4096x128xf32, #tpu.memory_space<vmem>>, vector<4096x128xf32>
    %get3A_2 = arith.constant 0 : index
    %get3A_3 = arith.constant 0 : index
    %get3A_4 = vector.load %arg3[%get3A_2, %get3A_3] : memref<128x8xf32, #tpu.memory_space<vmem>>, vector<128x8xf32>
    %dot_general3A = arith.constant dense<0.000000e+00> : vector<4096x8xf32>
    %dot_general3A_5 = tpu.matmul %get3A_1, %get3A_4, %dot_general3A {dimension_numbers = #tpu.dot_dimension_numbers<[1], [0], [0], [1], [0, 0, 1, 1], [], []>, transpose_lhs_hint = false} : vector<4096x128xf32>, vector<128x8xf32>, vector<4096x8xf32> -> vector<4096x8xf32>
    %log3A = math.log %dot_general3A_5 : vector<4096x8xf32>
    %get3A_6 = arith.constant 0 : index
    %get3A_7 = arith.constant 0 : index
    %get3A_8 = vector.load %arg1[%get3A_6, %get3A_7] : memref<4096x8xi32, #tpu.memory_space<vmem>>, vector<4096x8xi32>
    %eq3A = arith.constant 1 : i32
    %eq3A_9 = vector.broadcast %eq3A : i32 to vector<4096x8xi32>
    %eq3A_10 = arith.cmpi eq, %get3A_8, %eq3A_9 : vector<4096x8xi32>
    %eq3A_11 = arith.constant 4 : i32
    %eq3A_12 = vector.broadcast %eq3A_11 : i32 to vector<4096x8xi32>
    %eq3A_13 = arith.cmpi eq, %get3A_8, %eq3A_12 : vector<4096x8xi32>
    %or3A = arith.ori %eq3A_10, %eq3A_13 : vector<4096x8xi1>
    %eq3A_14 = arith.constant 10 : i32
    %eq3A_15 = vector.broadcast %eq3A_14 : i32 to vector<4096x8xi32>
    %eq3A_16 = arith.cmpi eq, %get3A_8, %eq3A_15 : vector<4096x8xi32>
    %or3A_17 = arith.ori %or3A, %eq3A_16 : vector<4096x8xi1>
    %eq3A_18 = arith.constant 20 : i32
    %eq3A_19 = vector.broadcast %eq3A_18 : i32 to vector<4096x8xi32>
    %eq3A_20 = arith.cmpi eq, %get3A_8, %eq3A_19 : vector<4096x8xi32>
    %or3A_21 = arith.ori %or3A_17, %eq3A_20 : vector<4096x8xi1>
    %eq3A_22 = arith.constant 30 : i32
    %eq3A_23 = vector.broadcast %eq3A_22 : i32 to vector<4096x8xi32>
    %eq3A_24 = arith.cmpi eq, %get3A_8, %eq3A_23 : vector<4096x8xi32>
    %or3A_25 = arith.ori %or3A_21, %eq3A_24 : vector<4096x8xi1>
    %eq3A_26 = arith.constant 40 : i32
    %eq3A_27 = vector.broadcast %eq3A_26 : i32 to vector<4096x8xi32>
    %eq3A_28 = arith.cmpi eq, %get3A_8, %eq3A_27 : vector<4096x8xi32>
    %or3A_29 = arith.ori %or3A_25, %eq3A_28 : vector<4096x8xi1>
    %eq3A_30 = arith.constant 50 : i32
    %eq3A_31 = vector.broadcast %eq3A_30 : i32 to vector<4096x8xi32>
    %eq3A_32 = arith.cmpi eq, %get3A_8, %eq3A_31 : vector<4096x8xi32>
    %or3A_33 = arith.ori %or3A_29, %eq3A_32 : vector<4096x8xi1>
    %eq3A_34 = arith.constant 60 : i32
    %eq3A_35 = vector.broadcast %eq3A_34 : i32 to vector<4096x8xi32>
    %eq3A_36 = arith.cmpi eq, %get3A_8, %eq3A_35 : vector<4096x8xi32>
    %or3A_37 = arith.ori %or3A_33, %eq3A_36 : vector<4096x8xi1>
    %convert_element_type3A = arith.extui %or3A_37 : vector<4096x8xi1> to vector<4096x8xi32>
    %convert_element_type3A_38 = arith.sitofp %convert_element_type3A : vector<4096x8xi32> to vector<4096x8xf32>
    %mul3A = arith.constant 1.000000e-01 : f32
    %mul3A_39 = vector.broadcast %mul3A : f32 to vector<4096x8xf32>
    %mul3A_40 = arith.mulf %mul3A_39, %convert_element_type3A_38 : vector<4096x8xf32>
    %add3A = arith.constant 0.899999976 : f32
    %add3A_41 = vector.broadcast %add3A : f32 to vector<4096x8xf32>
    %add3A_42 = arith.addf %add3A_41, %mul3A_40 : vector<4096x8xf32>
    %mul3A_43 = arith.mulf %add3A_42, %log3A : vector<4096x8xf32>
    %broadcast_in_dim3A = arith.constant 1.000000e+00 : f32
    %broadcast_in_dim3A_44 = vector.broadcast %broadcast_in_dim3A : f32 to vector<1x4096xf32>
    %dot_general3A_45 = arith.constant dense<0.000000e+00> : vector<1x8xf32>
    %dot_general3A_46 = tpu.matmul %broadcast_in_dim3A_44, %mul3A_43, %dot_general3A_45 {dimension_numbers = #tpu.dot_dimension_numbers<[1], [0], [0], [1], [0, 0, 1, 1], [], []>, transpose_lhs_hint = false} : vector<1x4096xf32>, vector<4096x8xf32>, vector<1x8xf32> -> vector<1x8xf32>
    %reduce_sum3A = vector.shape_cast %dot_general3A_46 : vector<1x8xf32> to vector<1x1x8xf32>
    %reduce_sum3A_47 = arith.constant dense<0.000000e+00> : vector<1xf32>
    %reduce_sum3A_48 = vector.multi_reduction <add>, %reduce_sum3A, %reduce_sum3A_47 [1, 2] : vector<1x1x8xf32> to vector<1xf32>
    %reduce_sum3A_49 = vector.shape_cast %reduce_sum3A_48 : vector<1xf32> to vector<1x1x1xf32>
    %reduce_sum3A_50 = vector.extract %reduce_sum3A_49[0, 0, 0] : f32 from vector<1x1x1xf32>
    %get3A_51 = arith.constant 0 : index
    %get3A_52 = arith.constant 0 : index
    %get3A_53 = vector.load %arg2[%get3A_51, %get3A_52] : memref<4x128xf32, #tpu.memory_space<vmem>>, vector<4x128xf32>
    %reduce_sum3A_54 = vector.shape_cast %get3A_53 : vector<4x128xf32> to vector<1x4x128xf32>
    %reduce_sum3A_55 = arith.constant dense<0.000000e+00> : vector<1xf32>
    %reduce_sum3A_56 = vector.multi_reduction <add>, %reduce_sum3A_54, %reduce_sum3A_55 [1, 2] : vector<1x4x128xf32> to vector<1xf32>
    %reduce_sum3A_57 = vector.shape_cast %reduce_sum3A_56 : vector<1xf32> to vector<1x1x1xf32>
    %reduce_sum3A_58 = vector.extract %reduce_sum3A_57[0, 0, 0] : f32 from vector<1x1x1xf32>
    %sub3A = arith.subf %reduce_sum3A_50, %reduce_sum3A_58 : f32
    %reshape3A = vector.broadcast %sub3A : f32 to vector<1x1xf32>
    %swap3A = arith.constant 0 : index
    %swap3A_59 = arith.constant 0 : index
    %swap3A_60 = vector.load %arg4[%swap3A, %swap3A_59] : memref<1x1xf32, #tpu.memory_space<vmem>>, vector<1x1xf32>
    tpu.vector_store %arg4[%swap3A, %swap3A_59], %reshape3A {strides = array<i32>} : memref<1x1xf32, #tpu.memory_space<vmem>>, vector<1x1xf32>,
    return
  }
}

module attributes {stable_mosaic.version = 14 : i64} {
  func.func @_loss_block(%arg0: i32, %arg1: memref<16384x65xf32, #tpu.memory_space<vmem>>, %arg2: memref<1x1x16384xi32, #tpu.memory_space<vmem>>, %arg3: memref<66x65xf32, #tpu.memory_space<vmem>>, %arg4: memref<1x16384xf32, #tpu.memory_space<vmem>>) attributes {dimension_semantics = [#tpu.dimension_semantics<arbitrary>], iteration_bounds = array<i64: 6>, scalar_prefetch = 0 : i64, scratch_operands = 0 : i64, tpu.core_type = #tpu.core_type<tc>, window_params = [{transform_indices = @transform_0, window_bounds = array<i64: 16384, 65>}, {transform_indices = @transform_1, window_bounds = array<i64: 1, 1, 16384>}, {pipeline_mode = #tpu.pipeline_mode<synchronous>, transform_indices = @transform_2, window_bounds = array<i64: 66, 65>}, {pipeline_mode = #tpu.pipeline_mode<synchronous>, transform_indices = @transform_3, window_bounds = array<i64: 1, 16384>}]} {
    %get3A = arith.constant 0 : index
    %get3A_0 = arith.constant 0 : index
    %get3A_1 = vector.load %arg1[%get3A, %get3A_0] : memref<16384x65xf32, #tpu.memory_space<vmem>>, vector<16384x65xf32>
    %transpose3A = tpu.transpose %get3A_1, [1, 0] : vector<16384x65xf32> -> vector<65x16384xf32>
    %get3A_2 = arith.constant 0 : index
    %get3A_3 = arith.constant 0 : index
    %get3A_4 = arith.constant 0 : index
    %get3A_5 = vector.load %arg2[%get3A_2, %get3A_3, %get3A_4] : memref<1x1x16384xi32, #tpu.memory_space<vmem>>, vector<1x1x16384xi32>
    %reshape3A = vector.shape_cast %get3A_5 : vector<1x1x16384xi32> to vector<1x16384xi32>
    %exp3A = math.exp %transpose3A : vector<65x16384xf32>
    %broadcast_in_dim3A = arith.constant 1.000000e+00 : f32
    %broadcast_in_dim3A_6 = vector.broadcast %broadcast_in_dim3A : f32 to vector<1x65xf32>
    %dot_general3A = arith.constant dense<0.000000e+00> : vector<1x16384xf32>
    %dot_general3A_7 = tpu.matmul %broadcast_in_dim3A_6, %exp3A, %dot_general3A {dimension_numbers = #tpu.dot_dimension_numbers<[1], [0], [0], [1], [0, 0, 1, 1], [], []>, transpose_lhs_hint = false} : vector<1x65xf32>, vector<65x16384xf32>, vector<1x16384xf32> -> vector<1x16384xf32>
    %log3A = math.log %dot_general3A_7 : vector<1x16384xf32>
    %iota3A = tpu.iota {dimensions = array<i32: 0>} : vector<65x16384xi32>
    %eq3A = vector.broadcast %reshape3A : vector<1x16384xi32> to vector<65x16384xi32>
    %eq3A_8 = arith.cmpi eq, %iota3A, %eq3A : vector<65x16384xi32>
    %convert_element_type3A = arith.extui %eq3A_8 : vector<65x16384xi1> to vector<65x16384xi32>
    %convert_element_type3A_9 = arith.sitofp %convert_element_type3A : vector<65x16384xi32> to vector<65x16384xf32>
    %get3A_10 = arith.constant 0 : index
    %get3A_11 = arith.constant 0 : index
    %get3A_12 = vector.load %arg3[%get3A_10, %get3A_11] : memref<66x65xf32, #tpu.memory_space<vmem>>, vector<66x65xf32>
    %dot_general3A_13 = arith.constant dense<0.000000e+00> : vector<66x16384xf32>
    %dot_general3A_14 = tpu.matmul %get3A_12, %convert_element_type3A_9, %dot_general3A_13 {dimension_numbers = #tpu.dot_dimension_numbers<[1], [0], [0], [1], [0, 0, 1, 1], [], []>, transpose_lhs_hint = false} : vector<66x65xf32>, vector<65x16384xf32>, vector<66x16384xf32> -> vector<66x16384xf32>
    %slice3A = vector.extract_strided_slice %dot_general3A_14 {offsets = [0, 0], sizes = [65, 16384], strides = [1, 1]} : vector<66x16384xf32> to vector<65x16384xf32>
    %slice3A_15 = vector.extract_strided_slice %dot_general3A_14 {offsets = [65, 0], sizes = [1, 16384], strides = [1, 1]} : vector<66x16384xf32> to vector<1x16384xf32>
    %mul3A = arith.mulf %transpose3A, %slice3A : vector<65x16384xf32>
    %dot_general3A_16 = arith.constant dense<0.000000e+00> : vector<1x16384xf32>
    %dot_general3A_17 = tpu.matmul %broadcast_in_dim3A_6, %mul3A, %dot_general3A_16 {dimension_numbers = #tpu.dot_dimension_numbers<[1], [0], [0], [1], [0, 0, 1, 1], [], []>, transpose_lhs_hint = false} : vector<1x65xf32>, vector<65x16384xf32>, vector<1x16384xf32> -> vector<1x16384xf32>
    %mul3A_18 = arith.mulf %log3A, %slice3A_15 : vector<1x16384xf32>
    %sub3A = arith.subf %mul3A_18, %dot_general3A_17 : vector<1x16384xf32>
    %eq3A_19 = arith.constant 0 : i32
    %eq3A_20 = arith.cmpi eq, %arg0, %eq3A_19 : i32
    %convert_element_type3A_21 = arith.extui %eq3A_20 : i1 to i32
    %cond3A = arith.constant 0 : i32
    %cond3A_22 = arith.cmpi ne, %convert_element_type3A_21, %cond3A : i32
    scf.if %cond3A_22 {
      %broadcast_in_dim3A_28 = arith.constant 0.000000e+00 : f32
      %broadcast_in_dim3A_29 = vector.broadcast %broadcast_in_dim3A_28 : f32 to vector<1x16384xf32>
      %swap3A_30 = arith.constant 0 : index
      %swap3A_31 = arith.constant 0 : index
      %swap3A_32 = vector.load %arg4[%swap3A_30, %swap3A_31] : memref<1x16384xf32, #tpu.memory_space<vmem>>, vector<1x16384xf32>
      tpu.vector_store %arg4[%swap3A_30, %swap3A_31], %broadcast_in_dim3A_29 {strides = array<i32>} : memref<1x16384xf32, #tpu.memory_space<vmem>>, vector<1x16384xf32>,
    } else {
    }
    %get3A_23 = arith.constant 0 : index
    %get3A_24 = arith.constant 0 : index
    %get3A_25 = vector.load %arg4[%get3A_23, %get3A_24] : memref<1x16384xf32, #tpu.memory_space<vmem>>, vector<1x16384xf32>
    %add3A = arith.addf %get3A_25, %sub3A : vector<1x16384xf32>
    %swap3A = arith.constant 0 : index
    %swap3A_26 = arith.constant 0 : index
    %swap3A_27 = vector.load %arg4[%swap3A, %swap3A_26] : memref<1x16384xf32, #tpu.memory_space<vmem>>, vector<1x16384xf32>
    tpu.vector_store %arg4[%swap3A, %swap3A_26], %add3A {strides = array<i32>} : memref<1x16384xf32, #tpu.memory_space<vmem>>, vector<1x16384xf32>,
    return
  }
  func.func @transform_0(%arg0: i32) -> (i32, i32) {
    %c0_i32 = arith.constant 0 : i32
    %c0_i32_0 = arith.constant 0 : i32
    return %arg0, %c0_i32 : i32, i32
  }
  func.func @transform_1(%arg0: i32) -> (i32, i32, i32) {
    %c0_i32 = arith.constant 0 : i32
    %c0_i32_0 = arith.constant 0 : i32
    %c0_i32_1 = arith.constant 0 : i32
    return %arg0, %c0_i32, %c0_i32_0 : i32, i32, i32
  }
  func.func @transform_2(%arg0: i32) -> (i32, i32) {
    %c0_i32 = arith.constant 0 : i32
    %c0_i32_0 = arith.constant 0 : i32
    %c0_i32_1 = arith.constant 0 : i32
    return %c0_i32, %c0_i32_0 : i32, i32
  }
  func.func @transform_3(%arg0: i32) -> (i32, i32) {
    %c0_i32 = arith.constant 0 : i32
    %c0_i32_0 = arith.constant 0 : i32
    %c0_i32_1 = arith.constant 0 : i32
    return %c0_i32, %c0_i32_0 : i32, i32
  }
}

</mosaic_0001>

<sc_bundles>
// kernel: kernel.5.cloned.1.call-start
scs
__scs_entry_jumppad:
0x0: {  	(pc) =	sbr.rel $0x88, $3  }
0x1: {  	(tag) =	ssettag $0x0;
	lr =	simm.s32 $0x1  }
0x2: {  	[smem:$0x3F9F] =	sst lr;
	_ =	strace $0xD0000000  }
0x3: {  	_ = 	snop  }
0x4: {  	_ = 	snop  }
0x5: {  	_ = 	snop  }
0x6: {  	_ = 	snop  }
0x7: {  	_ = 	snop  }
__scs_overlays_trampoline_lowered:
0x8: {  	[smem:$0x3FAE] =	sst s0  }
0x9: {  	[smem:$0x3FAF] =	sst s1  }
0xa: {  	[smem:$0x3FB0] =	sst s2  }
0xb: {  	[smem:$0x3FB1] =	sst s3  }
0xc: {  	[smem:$0x3FB2] =	sst s4  }
0xd: {  	[smem:$0x3FB3] =	sst s5  }
0xe: {  	[smem:$0x3FB4] =	sst s6  }
0xf: {  	[smem:$0x3FB5] =	sst s7  }
0x10: {  	[smem:$0x3FB6] =	sst s8  }
0x11: {  	[smem:$0x3FB7] =	sst s9;
	s0 =	simm.s32 @!p0 $0x0  }
0x12: {  	s1 =	sld [smem:$0x3F9D];
	s0 =	simm.s32 @p0 $0x1  }
0x13: {  	[smem:$0x3FB8] =	sst s0;
	s0 =	simm.s32 @!p1 $0x0  }
0x14: {  	s2 =	sld [smem:$0x3F9C];
	s0 =	simm.s32 @p1 $0x1  }
0x15: {  	[smem:$0x3FB9] =	sst s0;
	s0 =	simm.s32 @!p2 $0x0  }
0x16: {  	s3 =	sld [smem:$0x3FDB];
	s0 =	simm.s32 @p2 $0x1  }
0x17: {  	s4 =	simm.s32 $0x1BF5;
	[smem:$0x3FBB] =	sst s0  }
0x18: {  	s0 =	sld [smem:$0x3F9E];
	_ =	swait.ge [sflag:s4], $0x0  }
0x19: {  	s7 =	sld [smem:$0x3F9F]  }
0x1a: {  	s8 =	sadd.s32 $0xFFFFE003, lr  }
0x1b: {  	s9 =	sadd.s32 $0xFFFFFEF7, lr;
	s5 =	simm.s32 $0xFFFFFFFF;
	p2 =	slt.u32 s8, $0xFFFFF086  }
0x1c: {  	p1 =	slt.u32 s9, $0xF7A;
	s5 =	simm.s32 @!p2 $0x0  }
0x1d: {  	s5 =	simm.s32 @p1 $0x1;
	p0 =	seq.s32 s7, s2  }
0x1e: {  	s7 =	smul.u32 @!p0 $0xF7A, s2;
	p2 =	seq.s32 @!p0 s5, $0x0  }
0x1f: {  	s9 =	smul.u32 $0xF7A, s1;
	s8 =	simm.s32 @!p0 $0x1BF5;
	p2 =	por !p2, p0  }
0x20: {  	[sflag:s8] =	ssyncset.s32 @!p0 $0xFFFFF086;
	s6 =	sadd.s32 @!p0 s3, s7;
	s7 =	simm.s32 @!p0 $0x108  }
0x21: {  	s3 =	sadd.s32 s3, s9;
	s6 =	sadd.s32 @!p0 $0x88, s6;
	s7 =	simm.s32 @p2 $0x1082  }
0x22: {  	[simem:s7], [sflag:s8] =	dma.local @!p0 [hbm:s6], $0xF7A  }
0x23: {  	s9 =	sor.u32 $0xD0000000, s2;
	s6 =	simm.s32 $0x108;
	_ =	swait.ge @!p0 [sflag:s8], $0x0  }
0x24: {  	s3 =	sadd.s32 $0x88, s3;
	s6 =	simm.s32 @!p1 $0x1082;
	[sflag:s4] =	ssyncset.s32 $0xFFFFF086  }
0x25: {  	[simem:s6], [sflag:s4] =	dma.local [hbm:s3], $0xF7A  }
0x26: {  	[smem:$0x3F9F] =	sst s1;
	(tag) =	ssettag s2;
	_ =	strace s9  }
0x27: {  	s1 =	sld [smem:$0x3FAF]  }
0x28: {  	s2 =	sld [smem:$0x3FB0]  }
0x29: {  	s4 =	sld [smem:$0x3FB2]  }
0x2a: {  	p0 =	seq.s32 s5, $0x0;
	s5 =	sld [smem:$0x3FB3]  }
0x2b: {  	s6 =	sld [smem:$0x3FB4]  }
0x2c: {  	s7 =	sld [smem:$0x3FB5]  }
0x2d: {  	s3 =	simm.s32 $0x108;
	s8 =	sld [smem:$0x3FB6]  }
0x2e: {  	s3 =	simm.s32 @!p0 $0x1082;
	s9 =	sld [smem:$0x3FB7]  }
0x2f: {  	lr =	sadd.s32 s0, s3;
	s0 =	sld [smem:$0x3FAE]  }
0x30: {  	s3 =	sld [smem:$0x3FB1]  }
0x31: {  	[smem:$0x3FBA] =	sst s10  }
0x32: {  	s10 =	sld [smem:$0x3FB8];
	_ =	sdelay $0x3  }
0x33: {  	p0 =	seq.s32 s10, $0x1;
	s10 =	sld [smem:$0x3FBA];
	_ =	sdelay $0x3  }
0x34: {  	[smem:$0x3FBA] =	sst s10  }
0x35: {  	s10 =	sld [smem:$0x3FB9];
	_ =	sdelay $0x3  }
0x36: {  	p1 =	seq.s32 s10, $0x1;
	s10 =	sld [smem:$0x3FBA];
	_ =	sdelay $0x3  }
0x37: {  	[smem:$0x3FBA] =	sst s10  }
0x38: {  	s10 =	sld [smem:$0x3FBB]  }
0x39: {  	_ = 	snop;
	(pc) =	sbr.ind lr, $3  }
0x3a: {  	_ = 	snop  }
0x3b: {  	_ = 	snop  }
0x3c: {  	p2 =	seq.s32 s10, $0x1;
	s10 =	sld [smem:$0x3FBA]  }
0x3d: {  	_ =	shalt  }
0x3e: {  	_ =	shalt  }
0x3f: {  	_ =	shalt  }
0x40: {  	_ =	shalt  }
0x41: {  	_ =	shalt  }
0x42: {  	_ =	shalt  }
0x43: {  	_ =	shalt  }
0x44: {  	_ =	shalt  }
0x45: {  	_ =	shalt  }
0x46: {  	_ =	shalt  }
0x47: {  	_ =	shalt  }
0x48: {  	_ =	shalt  }
0x49: {  	_ =	shalt  }
0x4a: {  	_ =	shalt  }
0x4b: {  	_ =	shalt  }
0x4c: {  	_ =	shalt  }
0x4d: {  	_ =	shalt  }
0x4e: {  	_ =	shalt  }
0x4f: {  	_ =	shalt  }
0x50: {  	_ =	shalt  }
0x51: {  	_ =	shalt  }
0x52: {  	_ =	shalt  }
0x53: {  	_ =	shalt  }
0x54: {  	_ =	shalt  }
0x55: {  	_ =	shalt  }
0x56: {  	_ =	shalt  }
0x57: {  	_ =	shalt  }
0x58: {  	_ =	shalt  }
0x59: {  	_ =	shalt  }
0x5a: {  	_ =	shalt  }
0x5b: {  	_ =	shalt  }
0x5c: {  	_ =	shalt  }
0x5d: {  	_ =	shalt  }
0x5e: {  	_ =	shalt  }
0x5f: {  	_ =	shalt  }
0x60: {  	_ =	shalt  }
0x61: {  	_ =	shalt  }
0x62: {  	_ =	shalt  }
0x63: {  	_ =	shalt  }
0x64: {  	_ =	shalt  }
0x65: {  	_ =	shalt  }
0x66: {  	_ =	shalt  }
0x67: {  	_ =	shalt  }
0x68: {  	_ =	shalt  }
0x69: {  	_ =	shalt  }
0x6a: {  	_ =	shalt  }
0x6b: {  	_ =	shalt  }
0x6c: {  	_ =	shalt  }
0x6d: {  	_ =	shalt  }
0x6e: {  	_ =	shalt  }
0x6f: {  	_ =	shalt  }
0x70: {  	_ =	shalt  }
0x71: {  	_ =	shalt  }
0x72: {  	_ =	shalt  }
0x73: {  	_ =	shalt  }
0x74: {  	_ =	shalt  }
0x75: {  	_ =	shalt  }
0x76: {  	_ =	shalt  }
0x77: {  	_ =	shalt  }
0x78: {  	_ =	shalt  }
0x79: {  	_ =	shalt  }
0x7a: {  	_ =	shalt  }
0x7b: {  	_ =	shalt  }
0x7c: {  	_ =	shalt  }
0x7d: {  	_ =	shalt  }
0x7e: {  	_ =	shalt  }
0x7f: {  	_ =	shalt  }
0x80: {  	_ =	shalt  }
0x81: {  	_ =	shalt  }
0x82: {  	_ =	shalt  }
0x83: {  	_ =	shalt  }
0x84: {  	_ =	shalt  }
0x85: {  	_ =	shalt  }
0x86: {  	_ =	shalt  }
0x87: {  	_ =	shalt  }
.Lfunc_end0:
.L_simem_size_0:
called_computation_lowered:
.L_overlay_start_0:
0x88: {  	s2 =	sld [smem:$0x3FD9]  }
0x89: {  	s3 =	sld [smem:$0x3FFE];
	_ =	sdelay $0x1  }
0x8a: {  	s1 =	srdreg.scid  }
0x8b: {  	s0 =	sand.u32 $0x1, s1  }
0x8c: {  	s17 =	sshll.u32 s0, $0xA;
	s2 =	sadd.s32 s3, s2  }
0x8d: {  	s2 =	sadd.s32 s2, s17  }
0x8e: {  	[smem:$0x3FC6] =	sst s2  }
0x8f: {  	_ = 	snop  }
0x90: {  	s2 =	sld [smem:$0x3FC8];
	(tm) =	ssettm $0x1  }
0x91: {  	s18 =	sld [smem:$0x3FFB];
	_ =	sdelay $0x3  }
0x92: {  	_ =	strace s18  }
0x93: {  	s3 =	sld [smem:$0x3FFC];
	_ =	sdelay $0x3  }
0x94: {  	_ =	strace s3  }
0x95: {  	s3 =	sld [smem:$0x3FFD];
	_ =	sdelay $0x3  }
0x96: {  	_ =	strace s3  }
0x97: {  	_ =	strace $0x8FFFFFFF  }
0x98: {  	s19 =	sld [smem:$0x3FDB];
	_ =	sdelay $0x1  }
0x99: {  	s4 =	simm.s32 $_scs_section_size  }
0x9a: {  	s5 =	simm.s32 $_size__tile_overlayer_lowered;
	s6 =	simm.s32 $_tile_overlayer_lowered  }
0x9b: {  	s22 =	simm.s32 $0x1BFF;
	s21 =	sshll.u32 s6, $0x1;
	s3 =	sadd.s32 s4, s19  }
0x9c: {  	s7 =	simm.s32 $0x0;
	s20 =	sshll.u32 s5, $0x1;
	s5 =	sadd.s32 s21, s3  }
0x9d: {  	[timem:s7], [sflag:s22] =	dma.local [hbm:s5], s20  }
0x9e: {  	_ =	swait.ge [sflag:s22], s20  }
0x9f: {  	s4 =	ssub.s32 $0x0, s20;
	[sflag:s22] =	ssyncset.done $0x0  }
0xa0: {  	[sflag:s22] =	ssyncadd.s32 s4;
	_ =	sdelay $0x1  }
0xa1: {  	s23 =	simm.s32 $0x1B8B  }
0xa2: {  	_ =	swait.ge [sflag:s23], $0x1  }
0xa3: {  	[sflag:s23] =	ssyncset.done $0x0  }
0xa4: {  	s25 =	simm.s32 $0x1B8E;
	s24 =	sld [smem:$0x3FFE];
	[sflag:s23] =	ssyncadd.s32 $0xFFFFFFFF  }
0xa5: {  	s26 =	simm.s32 $execute0_lowered;
	[smem:$0x3FD2] =	sst s25  }
0xa6: {  	s5 =	sshll.u32 s26, $0x1;
	_ =	strace $0x80000046;
	[dreg:$0x1] =	wrdreg $0xFFFFFFFF  }
0xa7: {  	s28 =	simm.s32 $_size_execute0_lowered;
	s3 =	sadd.s32 s3, s5;
	[dreg:$0x0] =	wrdreg $0x0  }
0xa8: {  	s5 =	sshll.u32 s28, $0x1;
	[dreg:$0x2] =	wrdreg s3  }
0xa9: {  	[dreg:$0x3] =	wrdreg s5  }
0xaa: {  	[dreg:$0x4] =	wrdreg $0xC0  }
0xab: {  	_ =	task [dreg:s7], $0x5FFFF  }
0xac: {  	[dreg:$0x1] =	wrdreg $0xFFFFFFFF  }
0xad: {  	[dreg:$0x0] =	wrdreg $0x60  }
0xae: {  	[dreg:$0x2] =	wrdreg s24  }
0xaf: {  	[dreg:$0x3] =	wrdreg s2  }
0xb0: {  	[dreg:$0x4] =	wrdreg $0x9  }
0xb1: {  	_ =	task.clear_ibuf [dreg:s7], $0x5FFFF;
	_ =	strace $0x90000046  }
0xb2: {  	s29 =	simm.s32 $0x9;
	_ =	strace $0x80000048  }
0xb3: {  	_ =	swait.ge [sflag:s29], $0x1  }
0xb4: {  	[sflag:s29] =	ssyncadd.s32 $0xFFFFFFFF  }
0xb5: {  	_ =	strace $0x90000048  }
0xb6: {  	_ =	sfence  }
0xb7: {  	s30 =	sld [smem:$0x0];
	_ =	sdelay $0x2  }
0xb8: {  	s31 =	sshll.u32 s1, $0xD;
	s1 =	sshrl.u32 s1, $0x2  }
0xb9: {  	s3 =	sand.u32 $0x4000, s31;
	s1 =	sadd.s32 s1, s30  }
0xba: {  	s0 =	sor.u32 s3, s0;
	s1 =	sshll.u32 s1, $0x11  }
0xbb: {  	s0 =	sor.u32 s1, s0  }
0xbc: {  	s0 =	sadd.s32 $0x8F2B, s0  }
0xbd: {  	[sflag:s0] =	ssyncadd.remote.s32 $0x1  }
0xbe: {  	_ =	sfence.sel $0xFFFF  }
0xbf: {  	[dreg:$0x0] =	wrdreg $0xFFFFFFFF;
	(pc) =	sbr.abs _section_cstart, $3  }
0xc0: {  	[dreg:$0x1] =	wrdreg $0xFFFFFFFF  }
0xc1: {  	_ =	task.clear_ibuf [dreg:s7], $0x2FFFF;
	_ =	strace $0x9FFFFFFF  }
0xc2: {  	(tm) =	ssettm $0x7FFFFFFF  }
0xc3: {  	_ =	shalt  }
tec
execute0_lowered:
.L_overlay_start_1:
0x0: {  	(tag) =	ssettag $0x1  }
0x1: {  	s6 =	rddreg [dreg:$0x0]  }
0x2: {  	s7 =	rddreg [dreg:$0x1]  }
0x3: {  	s0 =	rddreg [dreg:$0x2]  }
0x4: {  	s2 =	simm.s32 $0x0;
	s3 =	srdreg.scid;
	s1 =	stileid.u32  }
0x5: {  	s13 =	simm.s32 $0xA800;
	s14 =	simm.s32 $0xE800;
	s15 =	simm.s32 $0x0  }
0x6: {  	[smem:$0x7FF] =	sst s2;
	s5 =	sand.u32 $0x1, s3;
	s4 =	sshll.u32 s1, $0x1  }
0x7: {  	s3 =	sadd.s32 $0x1000, s6;
	_ =	strace $0x80000047;
	s8 =	sor.u32 s5, s4  }
0x8: {  	s4 =	sadd.s32 $0x201000, s6;
	s11 =	ssub.s32 $0x2, s5;
	s9 =	sshll.u32 s8, $0xB  }
0x9: {  	s10 =	sshll.u32 s8, $0xA;
	s8 =	sshll.u32 s8, $0x1;
	s31 =	sshrl.u32 s11, $0x1  }
0xa: {  	s9 =	sadd.s32 s9, s6;
	s5 =	sor.u32 $0x18000, s10;
	s8 =	sadd.s32 s8, s6  }
0xb: {  	s10 =	ssub.s32 s11, s31;
	s11 =	simm.s32 $0x1;
	s12 =	sshrl.u32 s5, $0x3  }
0xc: {  	s8 =	sadd.s32 $0x211600, s8;
	s6 =	sadd.s32 s7, s12;
	s7 =	sadd.s32 $0x201600, s9  }
0xd: {  	vm0 =	vmmov $0x7fff;
	s9 =	smax.u32 s10, $0x1;
	s10 =	simm.s32 $0x8000;
	s12 =	simm.s32 $0x8400  }
.LBB2_1:
0xe: {  	[tilespmem:s10], [sflag:$0x1] =	stream.linear.gather [hbm4b:s6+s2], $0x400, $0x38;
	[tilespmem:$0xE880] =	vst v63  }
0xf: {  	_ =	swait.ge [sflag:s11], $0x400  }
0x10: {  	[sflag:s11] =	ssyncset.done $0x0  }
0x11: {  	[sflag:s11] =	ssyncadd.s32 $0xFFFFFC00  }
0x12: {  	[tilespmem:s12], [sflag:$0x1] =	stream.linear.gather [hbm4b:s4+s2], $0x2080, $0x38;
	[tilespmem:$0xE880] =	vst v63  }
0x13: {  	_ =	swait.ge [sflag:s11], $0x2080  }
0x14: {  	[sflag:s11] =	ssyncset.done $0x0  }
0x15: {  	v0 =	vimm.f32 $0.0e+00;
	[sflag:s11] =	ssyncadd.s32 $0xFFFFDF80  }
0x16: {  	s16 =	simm.s32 $0xA880;
	s17 =	simm.s32 $0x0;
	s18 =	simm.s32 $0x0;
	[tilespmem:$0xE800] =	vst v0  }
.LBB2_2:
0x17: {  	s19 =	sshll.u32 s18, $0x8  }
0x18: {  	s19 =	sadd.s32 s5, s19  }
0x19: {  	s19 =	sshll.u32 s19, $0x4  }
0x1a: {  	s20 =	sadd.s32 s3, s19;
	s19 =	simm.s32 $0x0  }
0x1b: {  	[tilespmem:s19], [sflag:$0x1] =	stream.linear.gather [hbm4b:s20+s19], $0x8000, $0x38;
	[tilespmem:$0xE880] =	vst v63  }
0x1c: {  	_ =	swait.ge [sflag:s11], $0x8000  }
0x1d: {  	[sflag:s11] =	ssyncset.done $0x0  }
0x1e: {  	s21 =	smov.u32 s16;
	s20 =	simm.s32 $0x400;
	[sflag:s11] =	ssyncadd.s32 $0xFFFF8000  }
.LBB2_3:
0x1f: {  	s22 =	sadd.s32 s19, s17  }
0x20: {  	s23 =	sand.u32 $0x70, s19;
	s22 =	sand.u32 $0x380, s22  }
0x21: {  	v3 =	vld [tilespmem:s20+$0xFFFFFC00];
	s22 =	sor.u32 s23, s22  }
0x22: {  	v0 =	vld [tilespmem:s22+$0x8000];
	_ =	sdelay $0x2  }
0x23: {  	v6 =	vld [tilespmem:s20+$0xFFFFFC10];
	_ =	sdelay $0x1  }
0x24: {  	v1 =	vld [tilespmem:s20+$0xFFFFFC20];
	v25 =	vmul.f32 $1.442695020e+00, v3;
	v0 =	vshll.u32 v0, $0x9  }
0x25: {  	v7 =	vshra.s32 v0, $0x2  }
0x26: {  	v5 =	vld [tilespmem:s20+$0xFFFFFC30];
	(erf) = vpow2.f32 v25;
	(v2sf) =	vpush v7, $0x0  }
0x27: {  	v26 =	vmul.f32 $1.442695020e+00, v6;
	v4 =	vld [tilespmem:s20+$0xFFFFFC31];
	_ =	sdelay $0x1  }
0x28: {  	v27 =	vmul.f32 $1.442695020e+00, v1;
	(erf) = vpow2.f32 v26;
	_ =	sdelay $0x1  }
0x29: {  	v28 =	vmul.f32 $1.442695020e+00, v5;
	(erf) = vpow2.f32 v27  }
0x2a: {  	v2 =	vsel vm0, $0xC1F00000, v4  }
0x2b: {  	(erf) = vpow2.f32 v28;
	v29 =	vmul.f32 $1.442695020e+00, v2;
	_ =	sdelay $0x1  }
0x2c: {  	(erf) = vpow2.f32 v29  }
0x2d: {  	v30 =	vpop (erf)  }
0x2e: {  	v0 =	vadd.f32 $0.0e+00, v30  }
0x2f: {  	v31 =	vpop (erf)  }
0x30: {  	v0 =	vadd.f32 v31, v0  }
0x31: {  	v32 =	vpop (erf)  }
0x32: {  	v0 =	vadd.f32 v32, v0  }
0x33: {  	v33 =	vpop (erf);
	s23 =	spop (v2sf)  }
0x34: {  	v0 =	vadd.f32 v33, v0;
	v50 =	vld [tilespmem:s23+$0x8400]  }
0x35: {  	v55 =	vld [tilespmem:s23+$0x8410];
	v35 =	vpop (erf)  }
0x36: {  	v34 =	vld [tilespmem:s23+$0x8420];
	v0 =	vadd.f32 v35, v0  }
0x37: {  	v9 =	vld [tilespmem:s23+$0x8430]  }
0x38: {  	v36 =	vld [tilespmem:s23+$0x8431];
	[tilespmem:s21+$0xFFFFFF80] =	vst v0  }
0x39: {  	v63 =	vld [tilespmem:s20+$0xFFFFFC80];
	_ =	sdelay $0x1  }
0x3a: {  	v10 =	vld [tilespmem:s20+$0xFFFFFC90];
	_ =	sdelay $0x1  }
0x3b: {  	v12 =	vld [tilespmem:s20+$0xFFFFFCA0]  }
0x3c: {  	v37 =	vmul.f32 $1.442695020e+00, v63  }
0x3d: {  	v38 =	vld [tilespmem:s20+$0xFFFFFCB0]  }
0x3e: {  	(v2sf) =	vpush v7, $0x1;
	v8 =	vld [tilespmem:s20+$0xFFFFFCB1];
	v39 =	vmul.f32 $1.442695020e+00, v10;
	(erf) = vpow2.f32 v37;
	_ =	sdelay $0x1  }
0x3f: {  	v40 =	vmul.f32 $1.442695020e+00, v12;
	(erf) = vpow2.f32 v39;
	_ =	sdelay $0x1  }
0x40: {  	v41 =	vmul.f32 $1.442695020e+00, v38;
	(erf) = vpow2.f32 v40  }
0x41: {  	v42 =	vsel vm0, $0xC1F00000, v8  }
0x42: {  	v43 =	vmul.f32 $1.442695020e+00, v42;
	(erf) = vpow2.f32 v41;
	_ =	sdelay $0x1  }
0x43: {  	(erf) = vpow2.f32 v43  }
0x44: {  	v44 =	vpop (erf)  }
0x45: {  	v0 =	vadd.f32 $0.0e+00, v44  }
0x46: {  	v45 =	vpop (erf)  }
0x47: {  	v0 =	vadd.f32 v45, v0  }
0x48: {  	v46 =	vpop (erf)  }
0x49: {  	v0 =	vadd.f32 v46, v0  }
0x4a: {  	s24 =	spop (v2sf);
	v48 =	vpop (erf)  }
0x4b: {  	v47 =	vld [tilespmem:s24+$0x8400];
	v0 =	vadd.f32 v48, v0  }
0x4c: {  	v49 =	vld [tilespmem:s24+$0x8410];
	v52 =	vpop (erf)  }
0x4d: {  	v51 =	vld [tilespmem:s24+$0x8420];
	v0 =	vadd.f32 v52, v0  }
0x4e: {  	v53 =	vld [tilespmem:s24+$0x8430]  }
0x4f: {  	v54 =	vld [tilespmem:s24+$0x8431];
	[tilespmem:s21+$0xFFFFFF90] =	vst v0  }
0x50: {  	v40 =	vld [tilespmem:s20+$0xFFFFFD00];
	_ =	sdelay $0x1  }
0x51: {  	v56 =	vld [tilespmem:s20+$0xFFFFFD10];
	_ =	sdelay $0x1  }
0x52: {  	v11 =	vld [tilespmem:s20+$0xFFFFFD20]  }
0x53: {  	v57 =	vmul.f32 $1.442695020e+00, v40  }
0x54: {  	v58 =	vld [tilespmem:s20+$0xFFFFFD30]  }
0x55: {  	(v2sf) =	vpush v7, $0x2;
	v60 =	vld [tilespmem:s20+$0xFFFFFD31];
	v59 =	vmul.f32 $1.442695020e+00, v56;
	(erf) = vpow2.f32 v57;
	_ =	sdelay $0x1  }
0x56: {  	v61 =	vmul.f32 $1.442695020e+00, v11;
	(erf) = vpow2.f32 v59;
	_ =	sdelay $0x1  }
0x57: {  	v62 =	vmul.f32 $1.442695020e+00, v58;
	(erf) = vpow2.f32 v61  }
0x58: {  	[tilespmem:$0x1FC30] =	vst v8;
	v8 =	vsel vm0, $0xC1F00000, v60  }
0x59: {  	[tilespmem:$0x1FC70] =	vst v11;
	v11 =	vmul.f32 $1.442695020e+00, v8;
	(erf) = vpow2.f32 v62;
	_ =	sdelay $0x1  }
0x5a: {  	(erf) = vpow2.f32 v11  }
0x5b: {  	v13 =	vpop (erf)  }
0x5c: {  	v0 =	vadd.f32 $0.0e+00, v13  }
0x5d: {  	v14 =	vpop (erf)  }
0x5e: {  	v0 =	vadd.f32 v14, v0  }
0x5f: {  	v15 =	vpop (erf)  }
0x60: {  	v0 =	vadd.f32 v15, v0  }
0x61: {  	s25 =	spop (v2sf);
	v16 =	vpop (erf)  }
0x62: {  	v52 =	vld [tilespmem:s25+$0x8400];
	v0 =	vadd.f32 v16, v0  }
0x63: {  	v17 =	vld [tilespmem:s25+$0x8410];
	v19 =	vpop (erf)  }
0x64: {  	v18 =	vld [tilespmem:s25+$0x8420];
	v0 =	vadd.f32 v19, v0  }
0x65: {  	v20 =	vld [tilespmem:s25+$0x8430]  }
0x66: {  	v21 =	vld [tilespmem:s25+$0x8431];
	[tilespmem:s21+$0xFFFFFFA0] =	vst v0  }
0x67: {  	v0 =	vld [tilespmem:s20+$0xFFFFFD80];
	_ =	sdelay $0x1  }
0x68: {  	v22 =	vld [tilespmem:s20+$0xFFFFFD90];
	_ =	sdelay $0x1  }
0x69: {  	v23 =	vld [tilespmem:s20+$0xFFFFFDA0]  }
0x6a: {  	[tilespmem:$0x1FC90] =	vst v0;
	v0 =	vmul.f32 $1.442695020e+00, v0  }
0x6b: {  	v24 =	vld [tilespmem:s20+$0xFFFFFDB0]  }
0x6c: {  	(v2sf) =	vpush v7, $0x3;
	v26 =	vld [tilespmem:s20+$0xFFFFFDB1];
	v25 =	vmul.f32 $1.442695020e+00, v22;
	(erf) = vpow2.f32 v0;
	_ =	sdelay $0x1  }
0x6d: {  	v27 =	vmul.f32 $1.442695020e+00, v23;
	(erf) = vpow2.f32 v25;
	_ =	sdelay $0x1  }
0x6e: {  	v28 =	vmul.f32 $1.442695020e+00, v24;
	(erf) = vpow2.f32 v27  }
0x6f: {  	v2 =	vsel vm0, $0xC1F00000, v26  }
0x70: {  	v29 =	vmul.f32 $1.442695020e+00, v2;
	(erf) = vpow2.f32 v28;
	_ =	sdelay $0x1  }
0x71: {  	(erf) = vpow2.f32 v29  }
0x72: {  	v30 =	vpop (erf)  }
0x73: {  	v0 =	vadd.f32 $0.0e+00, v30  }
0x74: {  	v31 =	vpop (erf)  }
0x75: {  	v0 =	vadd.f32 v31, v0  }
0x76: {  	v32 =	vpop (erf)  }
0x77: {  	v0 =	vadd.f32 v32, v0  }
0x78: {  	[tilespmem:$0x1FBC0] =	vst v34;
	s26 =	spop (v2sf);
	v34 =	vpop (erf)  }
0x79: {  	v33 =	vld [tilespmem:s26+$0x8400];
	v0 =	vadd.f32 v34, v0  }
0x7a: {  	v35 =	vld [tilespmem:s26+$0x8410];
	v37 =	vpop (erf)  }
0x7b: {  	[tilespmem:$0x1FBF0] =	vst v36;
	v36 =	vld [tilespmem:s26+$0x8420];
	v0 =	vadd.f32 v37, v0  }
0x7c: {  	[tilespmem:$0x1FC10] =	vst v38;
	v38 =	vld [tilespmem:s26+$0x8430]  }
0x7d: {  	v39 =	vld [tilespmem:s26+$0x8431];
	[tilespmem:s21+$0xFFFFFFB0] =	vst v0  }
0x7e: {  	v45 =	vld [tilespmem:s20+$0xFFFFFE00];
	_ =	sdelay $0x1  }
0x7f: {  	v42 =	vld [tilespmem:s20+$0xFFFFFE10];
	_ =	sdelay $0x1  }
0x80: {  	v43 =	vld [tilespmem:s20+$0xFFFFFE20]  }
0x81: {  	v41 =	vmul.f32 $1.442695020e+00, v45  }
0x82: {  	v44 =	vld [tilespmem:s20+$0xFFFFFE30]  }
0x83: {  	[tilespmem:$0x1FBD0] =	vst v47;
	(v2sf) =	vpush v7, $0x4;
	v47 =	vld [tilespmem:s20+$0xFFFFFE31];
	v46 =	vmul.f32 $1.442695020e+00, v42;
	(erf) = vpow2.f32 v41;
	_ =	sdelay $0x1  }
0x84: {  	v48 =	vmul.f32 $1.442695020e+00, v43;
	(erf) = vpow2.f32 v46;
	_ =	sdelay $0x1  }
0x85: {  	[tilespmem:$0x1FBE0] =	vst v49;
	v49 =	vmul.f32 $1.442695020e+00, v44;
	(erf) = vpow2.f32 v48  }
0x86: {  	v2 =	vsel vm0, $0xC1F00000, v47  }
0x87: {  	[tilespmem:$0x1FC00] =	vst v51;
	v51 =	vmul.f32 $1.442695020e+00, v2;
	(erf) = vpow2.f32 v49;
	_ =	sdelay $0x1  }
0x88: {  	(erf) = vpow2.f32 v51  }
0x89: {  	[tilespmem:$0x1FC20] =	vst v53;
	v53 =	vpop (erf)  }
0x8a: {  	v0 =	vadd.f32 $0.0e+00, v53  }
0x8b: {  	[tilespmem:$0x1FC40] =	vst v54;
	v54 =	vpop (erf)  }
0x8c: {  	v0 =	vadd.f32 v54, v0  }
0x8d: {  	[tilespmem:$0x1FC50] =	vst v56;
	v56 =	vpop (erf)  }
0x8e: {  	v0 =	vadd.f32 v56, v0  }
0x8f: {  	[tilespmem:$0x1FCB0] =	vst v58;
	s28 =	spop (v2sf);
	v58 =	vpop (erf)  }
0x90: {  	[tilespmem:$0x1FCF0] =	vst v60;
	v60 =	vld [tilespmem:s28+$0x8420];
	v0 =	vadd.f32 v58, v0  }
0x91: {  	v57 =	vld [tilespmem:s28+$0x8400];
	v61 =	vpop (erf)  }
0x92: {  	v59 =	vld [tilespmem:s28+$0x8410];
	v0 =	vadd.f32 v61, v0  }
0x93: {  	v62 =	vld [tilespmem:s28+$0x8430]  }
0x94: {  	v8 =	vld [tilespmem:s28+$0x8431];
	[tilespmem:s21+$0xFFFFFFC0] =	vst v0  }
0x95: {  	[tilespmem:$0x1FD80] =	vst v60;
	v60 =	vld [tilespmem:s20+$0xFFFFFE80];
	_ =	sdelay $0x1  }
0x96: {  	v56 =	vld [tilespmem:s20+$0xFFFFFE90];
	_ =	sdelay $0x1  }
0x97: {  	v53 =	vld [tilespmem:s20+$0xFFFFFEA0]  }
0x98: {  	v11 =	vmul.f32 $1.442695020e+00, v60  }
0x99: {  	[tilespmem:$0x1FDF0] =	vst v47;
	v47 =	vld [tilespmem:s20+$0xFFFFFEB0]  }
0x9a: {  	(v2sf) =	vpush v7, $0x5;
	v48 =	vld [tilespmem:s20+$0xFFFFFEB1];
	v13 =	vmul.f32 $1.442695020e+00, v56;
	(erf) = vpow2.f32 v11;
	_ =	sdelay $0x1  }
0x9b: {  	v14 =	vmul.f32 $1.442695020e+00, v53;
	(erf) = vpow2.f32 v13;
	_ =	sdelay $0x1  }
0x9c: {  	v15 =	vmul.f32 $1.442695020e+00, v47;
	(erf) = vpow2.f32 v14  }
0x9d: {  	v16 =	vsel vm0, $0xC1F00000, v48  }
0x9e: {  	[tilespmem:$0x1FC60] =	vst v17;
	v17 =	vmul.f32 $1.442695020e+00, v16;
	(erf) = vpow2.f32 v15;
	_ =	sdelay $0x1  }
0x9f: {  	(erf) = vpow2.f32 v17  }
0xa0: {  	[tilespmem:$0x1FC80] =	vst v18;
	v18 =	vpop (erf)  }
0xa1: {  	v0 =	vadd.f32 $0.0e+00, v18  }
0xa2: {  	v19 =	vpop (erf)  }
0xa3: {  	v0 =	vadd.f32 v19, v0  }
0xa4: {  	[tilespmem:$0x1FCC0] =	vst v20;
	v20 =	vpop (erf)  }
0xa5: {  	v0 =	vadd.f32 v20, v0  }
0xa6: {  	[tilespmem:$0x1FCD0] =	vst v22;
	s29 =	spop (v2sf);
	v22 =	vpop (erf)  }
0xa7: {  	[tilespmem:$0x1FD00] =	vst v21;
	v21 =	vld [tilespmem:s29+$0x8400];
	v0 =	vadd.f32 v22, v0  }
0xa8: {  	[tilespmem:$0x1FD10] =	vst v23;
	v23 =	vld [tilespmem:s29+$0x8410];
	v25 =	vpop (erf)  }
0xa9: {  	[tilespmem:$0x1FD40] =	vst v24;
	v24 =	vld [tilespmem:s29+$0x8420];
	v0 =	vadd.f32 v25, v0  }
0xaa: {  	[tilespmem:$0x1FD90] =	vst v26;
	v26 =	vld [tilespmem:s29+$0x8430]  }
0xab: {  	v27 =	vld [tilespmem:s29+$0x8431];
	[tilespmem:s21+$0xFFFFFFD0] =	vst v0  }
0xac: {  	[tilespmem:$0x1FD60] =	vst v59;
	v59 =	vld [tilespmem:s20+$0xFFFFFF00];
	_ =	sdelay $0x1  }
0xad: {  	[tilespmem:$0x1FD30] =	vst v57;
	v57 =	vld [tilespmem:s20+$0xFFFFFF10];
	_ =	sdelay $0x1  }
0xae: {  	v54 =	vld [tilespmem:s20+$0xFFFFFF20]  }
0xaf: {  	v28 =	vmul.f32 $1.442695020e+00, v59  }
0xb0: {  	v58 =	vld [tilespmem:s20+$0xFFFFFF30]  }
0xb1: {  	(v2sf) =	vpush v7, $0x6;
	v61 =	vld [tilespmem:s20+$0xFFFFFF31];
	v29 =	vmul.f32 $1.442695020e+00, v57;
	(erf) = vpow2.f32 v28;
	_ =	sdelay $0x1  }
0xb2: {  	v30 =	vmul.f32 $1.442695020e+00, v54;
	(erf) = vpow2.f32 v29;
	_ =	sdelay $0x1  }
0xb3: {  	v31 =	vmul.f32 $1.442695020e+00, v58;
	(erf) = vpow2.f32 v30  }
0xb4: {  	v32 =	vsel vm0, $0xC1F00000, v61  }
0xb5: {  	[tilespmem:$0x1FCA0] =	vst v33;
	v33 =	vmul.f32 $1.442695020e+00, v32;
	(erf) = vpow2.f32 v31;
	_ =	sdelay $0x1  }
0xb6: {  	(erf) = vpow2.f32 v33  }
0xb7: {  	v34 =	vpop (erf)  }
0xb8: {  	v0 =	vadd.f32 $0.0e+00, v34  }
0xb9: {  	[tilespmem:$0x1FCE0] =	vst v35;
	v35 =	vpop (erf)  }
0xba: {  	v0 =	vadd.f32 v35, v0  }
0xbb: {  	[tilespmem:$0x1FD20] =	vst v36;
	v36 =	vpop (erf)  }
0xbc: {  	v0 =	vadd.f32 v36, v0  }
0xbd: {  	[tilespmem:$0x1FD50] =	vst v38;
	s30 =	spop (v2sf);
	v38 =	vpop (erf)  }
0xbe: {  	[tilespmem:$0x1FDA0] =	vst v39;
	v37 =	vld [tilespmem:s30+$0x8400];
	v0 =	vadd.f32 v38, v0  }
0xbf: {  	[tilespmem:$0x1FDC0] =	vst v44;
	v39 =	vld [tilespmem:s30+$0x8410];
	v44 =	vpop (erf)  }
0xc0: {  	v41 =	vld [tilespmem:s30+$0x8420];
	v0 =	vadd.f32 v44, v0  }
0xc1: {  	v46 =	vld [tilespmem:s30+$0x8430]  }
0xc2: {  	v49 =	vld [tilespmem:s30+$0x8431];
	[tilespmem:s21+$0xFFFFFFE0] =	vst v0  }
0xc3: {  	[tilespmem:$0x1FE10] =	vst v26;
	v26 =	vld [tilespmem:s20+$0xFFFFFF80];
	_ =	sdelay $0x1  }
0xc4: {  	[tilespmem:$0x1FE20] =	vst v27;
	v27 =	vld [tilespmem:s20+$0xFFFFFF90];
	_ =	sdelay $0x1  }
0xc5: {  	[tilespmem:$0x1FE40] =	vst v39;
	v39 =	vld [tilespmem:s20+$0xFFFFFFA0]  }
0xc6: {  	v51 =	vmul.f32 $1.442695020e+00, v26  }
0xc7: {  	[tilespmem:$0x1FE60] =	vst v41;
	v41 =	vld [tilespmem:s20+$0xFFFFFFB0]  }
0xc8: {  	(v2sf) =	vpush v7, $0x7;
	[tilespmem:$0x1FDD0] =	vst v62;
	v44 =	vld [tilespmem:s20+$0xFFFFFFB1];
	v62 =	vmul.f32 $1.442695020e+00, v27;
	(erf) = vpow2.f32 v51;
	_ =	sdelay $0x1  }
0xc9: {  	[tilespmem:$0x1FE00] =	vst v8;
	v8 =	vmul.f32 $1.442695020e+00, v39;
	(erf) = vpow2.f32 v62;
	_ =	sdelay $0x1  }
0xca: {  	v11 =	vmul.f32 $1.442695020e+00, v41;
	(erf) = vpow2.f32 v8  }
0xcb: {  	v13 =	vsel vm0, $0xC1F00000, v44  }
0xcc: {  	v14 =	vmul.f32 $1.442695020e+00, v13;
	(erf) = vpow2.f32 v11;
	_ =	sdelay $0x1  }
0xcd: {  	(erf) = vpow2.f32 v14  }
0xce: {  	v15 =	vpop (erf)  }
0xcf: {  	v0 =	vadd.f32 $0.0e+00, v15  }
0xd0: {  	v16 =	vpop (erf)  }
0xd1: {  	v0 =	vadd.f32 v16, v0  }
0xd2: {  	v17 =	vpop (erf)  }
0xd3: {  	v0 =	vadd.f32 v17, v0  }
0xd4: {  	s31 =	spop (v2sf);
	v19 =	vpop (erf)  }
0xd5: {  	v18 =	vld [tilespmem:s31+$0x8400];
	v0 =	vadd.f32 v19, v0  }
0xd6: {  	[tilespmem:$0x1FD70] =	vst v21;
	v20 =	vld [tilespmem:s31+$0x8410];
	v22 =	vpop (erf)  }
0xd7: {  	[tilespmem:$0x1FDB0] =	vst v23;
	v21 =	vld [tilespmem:s31+$0x8420];
	v0 =	vadd.f32 v22, v0  }
0xd8: {  	[tilespmem:$0x1FDE0] =	vst v24;
	v23 =	vld [tilespmem:s31+$0x8430]  }
0xd9: {  	v24 =	vld [tilespmem:s31+$0x8431];
	[tilespmem:s21+$0xFFFFFFF0] =	vst v0  }
0xda: {  	v33 =	vld [tilespmem:s20+$0x0];
	_ =	sdelay $0x1  }
0xdb: {  	v35 =	vld [tilespmem:s20+$0x10];
	_ =	sdelay $0x1  }
0xdc: {  	v36 =	vld [tilespmem:s20+$0x20]  }
0xdd: {  	v25 =	vmul.f32 $1.442695020e+00, v33  }
0xde: {  	v38 =	vld [tilespmem:s20+$0x30]  }
0xdf: {  	(v2sf) =	vpush v7, $0x8;
	[tilespmem:$0x1FE30] =	vst v37;
	v37 =	vld [tilespmem:s20+$0x31];
	v28 =	vmul.f32 $1.442695020e+00, v35;
	(erf) = vpow2.f32 v25;
	_ =	sdelay $0x1  }
0xe0: {  	v29 =	vmul.f32 $1.442695020e+00, v36;
	(erf) = vpow2.f32 v28;
	_ =	sdelay $0x1  }
0xe1: {  	v30 =	vmul.f32 $1.442695020e+00, v38;
	(erf) = vpow2.f32 v29  }
0xe2: {  	v31 =	vsel vm0, $0xC1F00000, v37  }
0xe3: {  	v32 =	vmul.f32 $1.442695020e+00, v31;
	(erf) = vpow2.f32 v30;
	_ =	sdelay $0x1  }
0xe4: {  	(erf) = vpow2.f32 v32  }
0xe5: {  	v34 =	vpop (erf)  }
0xe6: {  	v0 =	vadd.f32 $0.0e+00, v34  }
0xe7: {  	[tilespmem:$0x1FE80] =	vst v46;
	v46 =	vpop (erf)  }
0xe8: {  	v0 =	vadd.f32 v46, v0  }
0xe9: {  	[tilespmem:$0x1FEA0] =	vst v49;
	v49 =	vpop (erf)  }
0xea: {  	v0 =	vadd.f32 v49, v0  }
0xeb: {  	s23 =	spop (v2sf);
	v62 =	vpop (erf)  }
0xec: {  	v51 =	vld [tilespmem:s23+$0x8400];
	v0 =	vadd.f32 v62, v0  }
0xed: {  	v8 =	vld [tilespmem:s23+$0x8410];
	v13 =	vpop (erf)  }
0xee: {  	v11 =	vld [tilespmem:s23+$0x8420];
	v0 =	vadd.f32 v13, v0  }
0xef: {  	v14 =	vld [tilespmem:s23+$0x8430]  }
0xf0: {  	v15 =	vld [tilespmem:s23+$0x8431];
	[tilespmem:s21+$0x0] =	vst v0  }
0xf1: {  	[tilespmem:$0x1FEC0] =	vst v24;
	v24 =	vld [tilespmem:s20+$0x80];
	_ =	sdelay $0x1  }
0xf2: {  	v29 =	vld [tilespmem:s20+$0x90];
	_ =	sdelay $0x1  }
0xf3: {  	v31 =	vld [tilespmem:s20+$0xA0]  }
0xf4: {  	v16 =	vmul.f32 $1.442695020e+00, v24  }
0xf5: {  	v32 =	vld [tilespmem:s20+$0xB0]  }
0xf6: {  	(v2sf) =	vpush v7, $0x9;
	v34 =	vld [tilespmem:s20+$0xB1];
	v17 =	vmul.f32 $1.442695020e+00, v29;
	(erf) = vpow2.f32 v16;
	_ =	sdelay $0x1  }
0xf7: {  	[tilespmem:$0x1FE50] =	vst v18;
	v18 =	vmul.f32 $1.442695020e+00, v31;
	(erf) = vpow2.f32 v17;
	_ =	sdelay $0x1  }
0xf8: {  	v19 =	vmul.f32 $1.442695020e+00, v32;
	(erf) = vpow2.f32 v18  }
0xf9: {  	[tilespmem:$0x1FE70] =	vst v20;
	v20 =	vsel vm0, $0xC1F00000, v34  }
0xfa: {  	[tilespmem:$0x1FE90] =	vst v21;
	v21 =	vmul.f32 $1.442695020e+00, v20;
	(erf) = vpow2.f32 v19;
	_ =	sdelay $0x1  }
0xfb: {  	(erf) = vpow2.f32 v21  }
0xfc: {  	v22 =	vpop (erf)  }
0xfd: {  	v0 =	vadd.f32 $0.0e+00, v22  }
0xfe: {  	[tilespmem:$0x1FEB0] =	vst v23;
	v23 =	vpop (erf)  }
0xff: {  	v0 =	vadd.f32 v23, v0  }
0x100: {  	v25 =	vpop (erf)  }
0x101: {  	v0 =	vadd.f32 v25, v0  }
0x102: {  	s24 =	spop (v2sf);
	v30 =	vpop (erf)  }
0x103: {  	v28 =	vld [tilespmem:s24+$0x8400];
	v0 =	vadd.f32 v30, v0  }
0x104: {  	[tilespmem:$0x1FED0] =	vst v51;
	v46 =	vld [tilespmem:s24+$0x8410];
	v51 =	vpop (erf)  }
0x105: {  	v49 =	vld [tilespmem:s24+$0x8420];
	v0 =	vadd.f32 v51, v0  }
0x106: {  	[tilespmem:$0x1FEE0] =	vst v8;
	v62 =	vld [tilespmem:s24+$0x8430]  }
0x107: {  	v8 =	vld [tilespmem:s24+$0x8431];
	[tilespmem:s21+$0x10] =	vst v0  }
0x108: {  	v22 =	vld [tilespmem:s20+$0x100];
	_ =	sdelay $0x1  }
0x109: {  	v23 =	vld [tilespmem:s20+$0x110];
	_ =	sdelay $0x1  }
0x10a: {  	v25 =	vld [tilespmem:s20+$0x120]  }
0x10b: {  	[tilespmem:$0x1FEF0] =	vst v11;
	v11 =	vmul.f32 $1.442695020e+00, v22  }
0x10c: {  	v30 =	vld [tilespmem:s20+$0x130]  }
0x10d: {  	(v2sf) =	vpush v7, $0xA;
	[tilespmem:$0x1FF00] =	vst v28;
	v28 =	vld [tilespmem:s20+$0x131];
	v13 =	vmul.f32 $1.442695020e+00, v23;
	(erf) = vpow2.f32 v11;
	_ =	sdelay $0x1  }
0x10e: {  	[tilespmem:$0x1FF10] =	vst v14;
	v14 =	vmul.f32 $1.442695020e+00, v25;
	(erf) = vpow2.f32 v13;
	_ =	sdelay $0x1  }
0x10f: {  	[tilespmem:$0x1FF20] =	vst v15;
	v15 =	vmul.f32 $1.442695020e+00, v30;
	(erf) = vpow2.f32 v14  }
0x110: {  	v16 =	vsel vm0, $0xC1F00000, v28  }
0x111: {  	v17 =	vmul.f32 $1.442695020e+00, v16;
	(erf) = vpow2.f32 v15;
	_ =	sdelay $0x1  }
0x112: {  	(erf) = vpow2.f32 v17  }
0x113: {  	v18 =	vpop (erf)  }
0x114: {  	v0 =	vadd.f32 $0.0e+00, v18  }
0x115: {  	v19 =	vpop (erf)  }
0x116: {  	v0 =	vadd.f32 v19, v0  }
0x117: {  	v20 =	vpop (erf)  }
0x118: {  	v0 =	vadd.f32 v20, v0  }
0x119: {  	s25 =	spop (v2sf);
	[tilespmem:$0x1FF30] =	vst v46;
	v46 =	vpop (erf)  }
0x11a: {  	[tilespmem:$0x1FF40] =	vst v49;
	v21 =	vld [tilespmem:s25+$0x8400];
	v0 =	vadd.f32 v46, v0  }
0x11b: {  	[tilespmem:$0x1FF50] =	vst v62;
	v49 =	vld [tilespmem:s25+$0x8410];
	v62 =	vpop (erf)  }
0x11c: {  	v51 =	vld [tilespmem:s25+$0x8420];
	v0 =	vadd.f32 v62, v0  }
0x11d: {  	[tilespmem:$0x1FF70] =	vst v8;
	v8 =	vld [tilespmem:s25+$0x8430]  }
0x11e: {  	v11 =	vld [tilespmem:s25+$0x8431];
	[tilespmem:s21+$0x20] =	vst v0  }
0x11f: {  	v15 =	vld [tilespmem:s20+$0x180];
	_ =	sdelay $0x1  }
0x120: {  	v18 =	vld [tilespmem:s20+$0x190];
	_ =	sdelay $0x1  }
0x121: {  	[tilespmem:$0x1FF60] =	vst v21;
	v21 =	vld [tilespmem:s20+$0x1A0]  }
0x122: {  	v13 =	vmul.f32 $1.442695020e+00, v15  }
0x123: {  	v19 =	vld [tilespmem:s20+$0x1B0]  }
0x124: {  	(v2sf) =	vpush v7, $0xB;
	v20 =	vld [tilespmem:s20+$0x1B1];
	v14 =	vmul.f32 $1.442695020e+00, v18;
	(erf) = vpow2.f32 v13;
	_ =	sdelay $0x1  }
0x125: {  	v16 =	vmul.f32 $1.442695020e+00, v21;
	(erf) = vpow2.f32 v14;
	_ =	sdelay $0x1  }
0x126: {  	v17 =	vmul.f32 $1.442695020e+00, v19;
	(erf) = vpow2.f32 v16  }
0x127: {  	v46 =	vsel vm0, $0xC1F00000, v20  }
0x128: {  	[tilespmem:$0x1FF80] =	vst v49;
	v49 =	vmul.f32 $1.442695020e+00, v46;
	(erf) = vpow2.f32 v17;
	_ =	sdelay $0x1  }
0x129: {  	(erf) = vpow2.f32 v49  }
0x12a: {  	[tilespmem:$0x1FF90] =	vst v51;
	v51 =	vpop (erf)  }
0x12b: {  	v0 =	vadd.f32 $0.0e+00, v51  }
0x12c: {  	v62 =	vpop (erf)  }
0x12d: {  	v0 =	vadd.f32 v62, v0  }
0x12e: {  	[tilespmem:$0x1FFB0] =	vst v8;
	v8 =	vpop (erf)  }
0x12f: {  	v0 =	vadd.f32 v8, v0  }
0x130: {  	s26 =	spop (v2sf);
	[tilespmem:$0x1FFC0] =	vst v11;
	v11 =	vpop (erf)  }
0x131: {  	v46 =	vld [tilespmem:s26+$0x8431];
	v0 =	vadd.f32 v11, v0  }
0x132: {  	v13 =	vld [tilespmem:s26+$0x8410];
	v16 =	vpop (erf)  }
0x133: {  	v14 =	vld [tilespmem:s26+$0x8420];
	v0 =	vadd.f32 v16, v0  }
0x134: {  	v17 =	vld [tilespmem:s26+$0x8430]  }
0x135: {  	v62 =	vld [tilespmem:s26+$0x8400];
	[tilespmem:s21+$0x30] =	vst v0  }
0x136: {  	v11 =	vld [tilespmem:s20+$0x200];
	_ =	sdelay $0x1  }
0x137: {  	[tilespmem:$0x1FFA0] =	vst v13;
	v13 =	vld [tilespmem:s20+$0x210];
	_ =	sdelay $0x1  }
0x138: {  	(v2sf) =	vpush v7, $0xC;
	[tilespmem:$0x1FFD0] =	vst v14;
	v14 =	vld [tilespmem:s20+$0x220]  }
0x139: {  	v49 =	vmul.f32 $1.442695020e+00, v11  }
0x13a: {  	v16 =	vld [tilespmem:s20+$0x230]  }
0x13b: {  	[tilespmem:$0x1FFE0] =	vst v17;
	v17 =	vld [tilespmem:s20+$0x231];
	v51 =	vmul.f32 $1.442695020e+00, v13;
	(erf) = vpow2.f32 v49;
	_ =	sdelay $0x1  }
0x13c: {  	v8 =	vmul.f32 $1.442695020e+00, v14;
	(erf) = vpow2.f32 v51;
	_ =	sdelay $0x1  }
0x13d: {  	[tilespmem:$0x1FFF0] =	vst v46;
	v46 =	vmul.f32 $1.442695020e+00, v16;
	(erf) = vpow2.f32 v8  }
0x13e: {  	v49 =	vsel vm0, $0xC1F00000, v17  }
0x13f: {  	v51 =	vmul.f32 $1.442695020e+00, v49;
	(erf) = vpow2.f32 v46;
	_ =	sdelay $0x1  }
0x140: {  	(erf) = vpow2.f32 v51  }
0x141: {  	v8 =	vpop (erf)  }
0x142: {  	v0 =	vadd.f32 $0.0e+00, v8;
	v8 =	vmul.f32 v50, v3  }
0x143: {  	v46 =	vpop (erf)  }
0x144: {  	v6 =	vmul.f32 v55, v6;
	s28 =	spop (v2sf);
	v0 =	vadd.f32 v46, v0;
	v2 =	vadd.f32 $0.0e+00, v8  }
0x145: {  	v55 =	vld [tilespmem:s28+$0x8431];
	v49 =	vpop (erf)  }
0x146: {  	v0 =	vadd.f32 v49, v0;
	v2 =	vadd.f32 v6, v2;
	v6 =	vld [tilespmem:$0x1FBD0]  }
0x147: {  	v50 =	vld [tilespmem:s28+$0x8420];
	v51 =	vpop (erf)  }
0x148: {  	v8 =	vld [tilespmem:$0x1FBC0];
	v0 =	vadd.f32 v51, v0  }
0x149: {  	v46 =	vld [tilespmem:s28+$0x8400];
	v51 =	vpop (erf)  }
0x14a: {  	v49 =	vld [tilespmem:s28+$0x8410];
	v0 =	vadd.f32 v51, v0  }
0x14b: {  	v63 =	vmul.f32 v6, v63;
	v6 =	vmul.f32 v9, v5;
	v5 =	vld [tilespmem:$0x1FBE0]  }
0x14c: {  	v51 =	vld [tilespmem:s28+$0x8430];
	[tilespmem:s21+$0x40] =	vst v0  }
0x14d: {  	v3 =	vmul.f32 v8, v1;
	v8 =	vld [tilespmem:s20+$0x280];
	_ =	sdelay $0x2  }
0x14e: {  	v3 =	vadd.f32 v3, v2;
	v1 =	vmul.f32 v5, v10;
	v10 =	vld [tilespmem:$0x1FC00]  }
0x14f: {  	v40 =	vmul.f32 v52, v40;
	v52 =	vld [tilespmem:$0x1FC60];
	v63 =	vadd.f32 $0.0e+00, v63  }
0x150: {  	v5 =	vadd.f32 v6, v3;
	v6 =	vld [tilespmem:$0x1FBF0];
	v0 =	vmul.f32 $1.442695020e+00, v8  }
0x151: {  	v1 =	vadd.f32 v1, v63;
	v63 =	vld [tilespmem:$0x1FC10]  }
0x152: {  	(erf) = vpow2.f32 v0;
	v0 =	vld [tilespmem:$0x1FC50]  }
0x153: {  	v2 =	vmul.f32 v10, v12;
	v12 =	vld [tilespmem:$0x1FC20];
	_ =	sdelay $0x3  }
0x154: {  	v3 =	vmul.f32 v6, v4;
	v6 =	vld [tilespmem:$0x1FC30]  }
0x155: {  	v40 =	vadd.f32 $0.0e+00, v40;
	v0 =	vmul.f32 v52, v0;
	v4 =	vmul.f32 v12, v63;
	v63 =	vld [tilespmem:$0x1FC40]  }
0x156: {  	v52 =	vld [tilespmem:$0x1FC70]  }
0x157: {  	v0 =	vadd.f32 v0, v40;
	v40 =	vld [tilespmem:$0x1FC80];
	_ =	sdelay $0x1  }
0x158: {  	v9 =	vld [tilespmem:s20+$0x290];
	v1 =	vadd.f32 v2, v1  }
0x159: {  	v10 =	vld [tilespmem:s20+$0x2A0];
	v6 =	vmul.f32 v63, v6  }
0x15a: {  	v12 =	vld [tilespmem:s20+$0x2B1];
	v1 =	vadd.f32 v4, v1  }
0x15b: {  	v4 =	vmul.f32 v40, v52;
	v40 =	vld [tilespmem:$0x1FC90];
	v52 =	vsel vm0, $0x0, v6  }
0x15c: {  	v1 =	vadd.f32 v52, v1;
	v52 =	vld [tilespmem:$0x1FCA0]  }
0x15d: {  	v2 =	vmul.f32 $1.442695020e+00, v9;
	_ =	sdelay $0x1  }
0x15e: {  	(erf) = vpow2.f32 v2;
	v2 =	vmul.f32 $1.442695020e+00, v10  }
0x15f: {  	v63 =	vld [tilespmem:s20+$0x2B0]  }
0x160: {  	(erf) = vpow2.f32 v2;
	v2 =	vmul.f32 v52, v40;
	v40 =	vsel vm0, $0xC1F00000, v12;
	v52 =	vld [tilespmem:$0x1FCB0]  }
0x161: {  	v0 =	vadd.f32 v4, v0;
	v4 =	vmul.f32 $1.442695020e+00, v40;
	v40 =	vld [tilespmem:$0x1FCC0];
	_ =	sdelay $0x1  }
0x162: {  	v3 =	vsel vm0, $0x0, v3  }
0x163: {  	v3 =	vadd.f32 v3, v5;
	v5 =	vmul.f32 $1.442695020e+00, v63  }
0x164: {  	v6 =	vld [tilespmem:$0x1FCD0]  }
0x165: {  	(erf) = vpow2.f32 v5;
	v5 =	vmul.f32 v40, v52;
	v52 =	vld [tilespmem:$0x1FCE0];
	_ =	sdelay $0x3  }
0x166: {  	v1 =	vadd.f32 v1, v3;
	v3 =	vld [tilespmem:$0x1FCF0]  }
0x167: {  	v6 =	vmul.f32 v52, v6;
	v52 =	vld [tilespmem:$0x1FD00];
	_ =	sdelay $0x3  }
0x168: {  	v40 =	vld [tilespmem:$0x1FD20]  }
0x169: {  	v3 =	vmul.f32 v52, v3;
	v52 =	vld [tilespmem:$0x1FD10];
	_ =	sdelay $0x4  }
0x16a: {  	(erf) = vpow2.f32 v4;
	v4 =	vmul.f32 v40, v52;
	v40 =	vld [tilespmem:$0x1FD30];
	_ =	sdelay $0x2  }
0x16b: {  	v2 =	vadd.f32 $0.0e+00, v2;
	v52 =	vpop (erf)  }
0x16c: {  	v0 =	vadd.f32 v5, v0;
	v5 =	vadd.f32 $0.0e+00, v52;
	v52 =	vld [tilespmem:$0x1FD40]  }
0x16d: {  	v2 =	vadd.f32 v6, v2;
	v6 =	vmul.f32 v40, v45;
	v40 =	vld [tilespmem:$0x1FD50];
	_ =	sdelay $0x3  }
0x16e: {  	v3 =	vsel vm0, $0x0, v3  }
0x16f: {  	v0 =	vadd.f32 v3, v0;
	v3 =	vmul.f32 v40, v52;
	v52 =	vld [tilespmem:$0x1FD60];
	_ =	sdelay $0x3  }
0x170: {  	(v2sf) =	vpush v7, $0xD  }
0x171: {  	v40 =	vmul.f32 v52, v42;
	v52 =	vld [tilespmem:$0x1FD70]  }
0x172: {  	v2 =	vadd.f32 v4, v2;
	v45 =	vpop (erf)  }
0x173: {  	v4 =	vadd.f32 v45, v5;
	v45 =	vadd.f32 $0.0e+00, v6;
	_ =	sdelay $0x1  }
0x174: {  	v5 =	vadd.f32 v40, v45;
	v45 =	vld [tilespmem:$0x1FD90]  }
0x175: {  	v0 =	vadd.f32 v0, v1;
	v1 =	vadd.f32 v3, v2;
	v2 =	vmul.f32 v52, v60;
	v52 =	vld [tilespmem:$0x1FDA0]  }
0x176: {  	v60 =	vpop (erf)  }
0x177: {  	v3 =	vadd.f32 v60, v4;
	v60 =	vld [tilespmem:$0x1FDB0];
	_ =	sdelay $0x1  }
0x178: {  	v42 =	vld [tilespmem:$0x1FD80]  }
0x179: {  	v4 =	vmul.f32 v52, v45;
	v45 =	vpop (erf);
	v52 =	vld [tilespmem:$0x1FDC0]  }
0x17a: {  	v3 =	vadd.f32 v45, v3;
	v45 =	vld [tilespmem:$0x1FDE0]  }
0x17b: {  	v40 =	vmul.f32 v60, v56;
	v60 =	vld [tilespmem:$0x1FDD0];
	_ =	sdelay $0x1  }
0x17c: {  	s29 =	spop (v2sf);
	v2 =	vadd.f32 $0.0e+00, v2  }
0x17d: {  	v6 =	vmul.f32 v42, v43;
	v43 =	vld [tilespmem:s29+$0x8430]  }
0x17e: {  	v2 =	vadd.f32 v40, v2;
	v40 =	vmul.f32 v45, v53;
	v53 =	vld [tilespmem:$0x1FDF0]  }
0x17f: {  	v5 =	vadd.f32 v6, v5;
	v6 =	vmul.f32 v60, v52;
	v60 =	vld [tilespmem:$0x1FE00]  }
0x180: {  	v56 =	vld [tilespmem:s29+$0x8400];
	v42 =	vpop (erf)  }
0x181: {  	v3 =	vadd.f32 v42, v3;
	v42 =	vld [tilespmem:$0x1FE10]  }
0x182: {  	v52 =	vld [tilespmem:s29+$0x8410]  }
0x183: {  	v4 =	vsel vm0, $0x0, v4;
	v2 =	vadd.f32 v40, v2;
	v40 =	vld [tilespmem:$0x1FE30]  }
0x184: {  	v1 =	vadd.f32 v4, v1;
	v4 =	vmul.f32 v60, v53;
	v53 =	vld [tilespmem:$0x1FE20]  }
0x185: {  	v45 =	vld [tilespmem:s29+$0x8420]  }
0x186: {  	v5 =	vadd.f32 v6, v5;
	v6 =	vmul.f32 v42, v47;
	v42 =	vld [tilespmem:s29+$0x8431]  }
0x187: {  	v47 =	vld [tilespmem:$0x1FE40]  }
0x188: {  	(v2sf) =	vpush v7, $0xE;
	v60 =	vsel vm0, $0x0, v4;
	v4 =	vmul.f32 v40, v59;
	v40 =	vld [tilespmem:$0x1FE60]  }
0x189: {  	v0 =	vadd.f32 v1, v0;
	[tilespmem:s21+$0x50] =	vst v3;
	v59 =	vld [tilespmem:$0x1FE50];
	v1 =	vmul.f32 v53, v48  }
0x18a: {  	v2 =	vadd.f32 v6, v2;
	v3 =	vadd.f32 v60, v5;
	v53 =	vld [tilespmem:s20+$0x300]  }
0x18b: {  	v1 =	vsel vm0, $0x0, v1  }
0x18c: {  	v0 =	vadd.f32 v3, v0;
	v48 =	vld [tilespmem:s20+$0x310];
	v1 =	vadd.f32 v1, v2  }
0x18d: {  	v2 =	vmul.f32 v47, v57;
	v57 =	vadd.f32 $0.0e+00, v4;
	v4 =	vmul.f32 v40, v54;
	v54 =	vld [tilespmem:$0x1FE70]  }
0x18e: {  	v47 =	vld [tilespmem:s20+$0x320];
	v0 =	vadd.f32 v1, v0  }
0x18f: {  	v1 =	vadd.f32 v2, v57;
	v2 =	vmul.f32 v59, v26;
	v60 =	vmul.f32 $1.442695020e+00, v53;
	v26 =	vld [tilespmem:s20+$0x331]  }
0x190: {  	v59 =	vld [tilespmem:$0x1FE80]  }
0x191: {  	(erf) = vpow2.f32 v60;
	v60 =	vld [tilespmem:$0x1FE90]  }
0x192: {  	v57 =	vmul.f32 $1.442695020e+00, v48;
	v5 =	vmul.f32 v54, v27;
	v27 =	vld [tilespmem:s20+$0x330]  }
0x193: {  	v54 =	vld [tilespmem:$0x1FEA0]  }
0x194: {  	(erf) = vpow2.f32 v57;
	v57 =	vld [tilespmem:$0x1FEB0]  }
0x195: {  	v2 =	vadd.f32 $0.0e+00, v2;
	v1 =	vadd.f32 v4, v1;
	v4 =	vmul.f32 v59, v58;
	v59 =	vld [tilespmem:$0x1FEC0]  }
0x196: {  	v40 =	vmul.f32 $1.442695020e+00, v47;
	v6 =	vmul.f32 v60, v39;
	v60 =	vld [tilespmem:$0x1FED0]  }
0x197: {  	s30 =	spop (v2sf);
	(v2sf) =	vpush v7, $0xF;
	v2 =	vadd.f32 v5, v2;
	v39 =	vld [tilespmem:$0x1FF20]  }
0x198: {  	v7 =	vld [tilespmem:s30+$0x8430];
	(erf) = vpow2.f32 v40;
	v1 =	vadd.f32 v4, v1;
	v58 =	vmul.f32 $1.442695020e+00, v27  }
0x199: {  	v40 =	vld [tilespmem:$0x1FF30];
	v4 =	vmul.f32 v54, v61;
	v5 =	vmul.f32 v57, v41;
	v61 =	vsel vm0, $0xC1F00000, v26  }
0x19a: {  	v54 =	vld [tilespmem:$0x1FEE0];
	v2 =	vadd.f32 v6, v2;
	v6 =	vmul.f32 v59, v44;
	(erf) = vpow2.f32 v58  }
0x19b: {  	v44 =	vmul.f32 $1.442695020e+00, v61;
	v61 =	vld [tilespmem:$0x1FEF0];
	v33 =	vmul.f32 v60, v33  }
0x19c: {  	v41 =	vsel vm0, $0x0, v4;
	v2 =	vadd.f32 v5, v2;
	v5 =	vmul.f32 v39, v37;
	v37 =	vld [tilespmem:$0x1FF90]  }
0x19d: {  	v1 =	vadd.f32 v41, v1;
	v58 =	vadd.f32 $0.0e+00, v33;
	v33 =	vld [tilespmem:$0x1FF00]  }
0x19e: {  	(erf) = vpow2.f32 v44;
	v57 =	vsel vm0, $0x0, v6;
	v6 =	vmul.f32 v40, v29;
	v40 =	vld [tilespmem:$0x1FFB0]  }
0x19f: {  	v60 =	vpop (erf);
	v3 =	vmul.f32 v54, v35;
	v0 =	vadd.f32 v1, v0;
	v59 =	vadd.f32 v57, v2;
	v54 =	vld [tilespmem:$0x1FF40]  }
0x1a0: {  	v2 =	vadd.f32 $0.0e+00, v60;
	v4 =	vmul.f32 v61, v36;
	v36 =	vld [tilespmem:$0x1FF10]  }
0x1a1: {  	v35 =	vpop (erf);
	v0 =	vadd.f32 v59, v0;
	v59 =	vld [tilespmem:$0x1FF60]  }
0x1a2: {  	v2 =	vadd.f32 v35, v2;
	v61 =	vld [tilespmem:$0x1FF70];
	v1 =	vmul.f32 v33, v24  }
0x1a3: {  	v11 =	vmul.f32 v46, v11;
	v41 =	vpop (erf);
	v3 =	vadd.f32 v3, v58;
	v58 =	vld [tilespmem:$0x1FF50]  }
0x1a4: {  	v13 =	vmul.f32 v49, v13;
	v2 =	vadd.f32 v41, v2;
	v33 =	vld [tilespmem:$0x1FF80];
	v1 =	vadd.f32 $0.0e+00, v1  }
0x1a5: {  	v44 =	vsel vm0, $0x0, v5;
	v41 =	vld [tilespmem:$0x1FFC0];
	v3 =	vadd.f32 v4, v3;
	v57 =	vpop (erf);
	v4 =	vmul.f32 v36, v38  }
0x1a6: {  	v5 =	vmul.f32 v54, v31;
	v24 =	vld [tilespmem:s30+$0x8420];
	v2 =	vadd.f32 v57, v2;
	v1 =	vadd.f32 v6, v1  }
0x1a7: {  	v49 =	vmul.f32 v43, v63;
	v22 =	vmul.f32 v59, v22;
	v38 =	vld [tilespmem:$0x1FFA0];
	v60 =	vpop (erf);
	v3 =	vadd.f32 v4, v3  }
0x1a8: {  	v8 =	vmul.f32 v56, v8;
	v4 =	vld [tilespmem:s30+$0x8410];
	v2 =	vadd.f32 v60, v2;
	v1 =	vadd.f32 v5, v1  }
0x1a9: {  	v6 =	vld [tilespmem:s30+$0x8400];
	v5 =	vmul.f32 v58, v32;
	v32 =	vadd.f32 $0.0e+00, v22;
	v22 =	vmul.f32 v33, v23  }
0x1aa: {  	v31 =	vmul.f32 v61, v34;
	v34 =	vmul.f32 v62, v15;
	v23 =	vld [tilespmem:s30+$0x8431];
	[tilespmem:s21+$0x60] =	vst v2  }
0x1ab: {  	v15 =	vld [tilespmem:s20+$0x380];
	v1 =	vadd.f32 v5, v1;
	v36 =	vadd.f32 v22, v32;
	v5 =	vmul.f32 v37, v25  }
0x1ac: {  	v7 =	vmul.f32 v7, v27;
	v35 =	vsel vm0, $0x0, v31;
	v3 =	vadd.f32 v44, v3;
	v44 =	vld [tilespmem:$0x1FFD0]  }
0x1ad: {  	v31 =	vmul.f32 v51, v16;
	v18 =	vmul.f32 v38, v18;
	v39 =	vadd.f32 v5, v36;
	v5 =	vld [tilespmem:s20+$0x390]  }
0x1ae: {  	v2 =	vmul.f32 v40, v30;
	v33 =	vmul.f32 v55, v17  }
0x1af: {  	v0 =	vadd.f32 v3, v0;
	v3 =	vadd.f32 $0.0e+00, v34;
	v57 =	vld [tilespmem:s20+$0x3A0];
	v22 =	vmul.f32 v41, v28  }
0x1b0: {  	v11 =	vadd.f32 $0.0e+00, v11;
	v54 =	vld [tilespmem:$0x1FFE0];
	v25 =	vmul.f32 v50, v14;
	v59 =	vmul.f32 $1.442695020e+00, v15  }
0x1b1: {  	v3 =	vadd.f32 v18, v3;
	v18 =	vmul.f32 v44, v21;
	v60 =	vsel vm0, $0x0, v22;
	v22 =	vld [tilespmem:s20+$0x3B0]  }
0x1b2: {  	v8 =	vadd.f32 $0.0e+00, v8;
	v21 =	vld [tilespmem:s20+$0x3B1];
	(erf) = vpow2.f32 v59;
	v61 =	vmul.f32 $1.442695020e+00, v5  }
0x1b3: {  	v62 =	vadd.f32 v13, v11;
	v37 =	vmul.f32 v52, v9;
	v6 =	vmul.f32 v6, v53  }
0x1b4: {  	v58 =	vld [tilespmem:$0x1FFF0];
	v1 =	vadd.f32 v35, v1;
	v29 =	vmul.f32 $1.442695020e+00, v57;
	(erf) = vpow2.f32 v61  }
0x1b5: {  	v4 =	vmul.f32 v4, v48;
	v52 =	vmul.f32 v24, v47;
	v6 =	vadd.f32 $0.0e+00, v6  }
0x1b6: {  	v0 =	vadd.f32 v1, v0;
	v32 =	vmul.f32 $1.442695020e+00, v22;
	(erf) = vpow2.f32 v29  }
0x1b7: {  	v1 =	vadd.f32 v2, v39;
	v2 =	vmul.f32 v54, v19;
	v34 =	vsel vm0, $0xC1F00000, v21  }
0x1b8: {  	s31 =	spop (v2sf);
	v3 =	vadd.f32 v18, v3;
	v36 =	vmul.f32 $1.442695020e+00, v34;
	(erf) = vpow2.f32 v32  }
0x1b9: {  	v35 =	vld [tilespmem:s31+$0x8400];
	v18 =	vmul.f32 v58, v20;
	v4 =	vadd.f32 v4, v6;
	v1 =	vadd.f32 v60, v1  }
0x1ba: {  	v2 =	vadd.f32 v2, v3;
	v3 =	vadd.f32 v25, v62;
	(erf) = vpow2.f32 v36  }
0x1bb: {  	v39 =	vld [tilespmem:s31+$0x8410];
	v28 =	vsel vm0, $0x0, v18;
	v4 =	vadd.f32 v52, v4;
	v0 =	vadd.f32 v1, v0;
	v40 =	vpop (erf)  }
0x1bc: {  	v38 =	vsel vm0, $0x0, v33;
	v30 =	vadd.f32 v28, v2;
	v44 =	vadd.f32 $0.0e+00, v40  }
0x1bd: {  	v41 =	vmul.f32 v45, v10;
	v48 =	vld [tilespmem:s31+$0x8420];
	v2 =	vadd.f32 v31, v3;
	v3 =	vadd.f32 v37, v8;
	v45 =	vpop (erf)  }
0x1be: {  	v1 =	vmul.f32 v35, v15;
	v0 =	vadd.f32 v30, v0;
	v50 =	vadd.f32 v45, v44  }
0x1bf: {  	v53 =	vld [tilespmem:s31+$0x8430];
	v54 =	vmul.f32 v42, v12;
	v2 =	vadd.f32 v38, v2;
	v46 =	vadd.f32 v41, v3;
	v51 =	vpop (erf)  }
0x1c0: {  	v55 =	vld [tilespmem:s31+$0x8431];
	v5 =	vmul.f32 v39, v5;
	v1 =	vadd.f32 $0.0e+00, v1;
	v6 =	vadd.f32 v51, v50  }
0x1c1: {  	v58 =	vsel vm0, $0x0, v54;
	v0 =	vadd.f32 v2, v0;
	v2 =	vadd.f32 v49, v46;
	v56 =	vpop (erf)  }
0x1c2: {  	v3 =	vmul.f32 v48, v57;
	v1 =	vadd.f32 v5, v1;
	v57 =	vadd.f32 v56, v6  }
0x1c3: {  	v59 =	vmul.f32 v23, v26;
	v4 =	vadd.f32 v7, v4;
	v2 =	vadd.f32 v58, v2;
	v60 =	vpop (erf)  }
0x1c4: {  	v61 =	vmul.f32 v53, v22;
	v1 =	vadd.f32 v3, v1;
	v5 =	vadd.f32 v60, v57  }
0x1c5: {  	v62 =	vmul.f32 v55, v21;
	v0 =	vadd.f32 v2, v0;
	v6 =	vsel vm0, $0x0, v59  }
0x1c6: {  	v1 =	vadd.f32 v61, v1;
	v4 =	vadd.f32 v6, v4;
	[tilespmem:s21+$0x70] =	vst v5  }
0x1c7: {  	v2 =	vsel vm0, $0x0, v62;
	v63 =	vld [tilespmem:$0xE800]  }
0x1c8: {  	v1 =	vadd.f32 v2, v1;
	v0 =	vadd.f32 v4, v0  }
0x1c9: {  	p0 =	sne.s32 s19, $0xF0  }
.Ltmp0:
0x1ca: {  	v0 =	vadd.f32 v1, v0;
	(pc) =	sbr.rel @p0 .LBB2_3-.Ltmp0, $3  }
0x1cb: {  	_ = 	snop  }
0x1cc: {  	v0 =	vadd.f32 v0, v63;
	_ =	sdelay $0x1  }
0x1cd: {  	s19 =	sadd.s32 $0x10, s19;
	s20 =	sadd.s32 $0x800, s20;
	s21 =	sadd.s32 $0x100, s21;
	[tilespmem:$0xE800] =	vst v0  }
0x1ce: {  	s18 =	sadd.s32 $0x1, s18  }
0x1cf: {  	p0 =	sne.s32 s18, $0x4  }
.Ltmp1:
0x1d0: {  	_ = 	snop;
	(pc) =	sbr.rel @p0 .LBB2_2-.Ltmp1, $2  }
0x1d1: {  	_ =	sdelay $0x2  }
0x1d2: {  	s17 =	sadd.s32 $0x100, s17;
	s16 =	sadd.s32 $0x1000, s16  }
0x1d3: {  	[hbm4b:s7+s2] =	stream.linear.scatter [tilespmem:s13], [sflag:$0x1], $0x4000, $0x38;
	[tilespmem:$0xE880] =	vst v63  }
0x1d4: {  	s15 =	sadd.s32 $0x1, s15;
	_ =	swait.ge [sflag:s11], $0x4000  }
0x1d5: {  	p0 =	sne.s32 s15, s9;
	[sflag:s11] =	ssyncset.done $0x0  }
.Ltmp2:
0x1d6: {  	[sflag:s11] =	ssyncadd.s32 $0xFFFFC000;
	(pc) =	sbr.rel @p0 .LBB2_1-.Ltmp2, $4  }
0x1d7: {  	[hbm4b:s8+s2] =	stream.linear.scatter [tilespmem:s14], [sflag:$0x1], $0x10, $0x38;
	[tilespmem:$0xE880] =	vst v63  }
0x1d8: {  	_ =	swait.ge [sflag:s11], $0x10  }
0x1d9: {  	[sflag:s11] =	ssyncset.done $0x0  }
0x1da: {  	[sflag:s11] =	ssyncadd.s32 $0xFFFFFFF0  }
0x1db: {  	_ =	sfence.sel $0x180000  }
0x1dc: {  	[bflag:$0x0] =	sbarrier.arrive $0xFFFF  }
0x1dd: {  	p0 =	sne.s32 s1, $0x0;
	_ =	strace $0x90000047  }
0x1de: {  	s0 =	sadd.s32 @!p0 $0x100000, s0;
	[bflag:$0x2] =	sbarrier.arrive $0xFFFF  }
0x1df: {  	[sflag:s0] =	ssyncadd.tile.s32 @!p0 $0x1;
	_ =	shalt  }
.Lfunc_end2:
_tile_overlayer_lowered:
.L_overlay_start_2:
0x1e0: {  	(tag) =	ssettag $0x2  }
0x1e1: {  	s0 =	rddreg [dreg:$0x0];
	s2 =	stileid.u32  }
0x1e2: {  	s1 =	rddreg [dreg:$0x1];
	p0 =	sne.s32 s2, $0x0  }
0x1e3: {  	s3 =	rddreg [dreg:$0x2];
	[bflag:$0x3] =	sbarrier.arrive $0xFFFF;
	s2 =	simm.s32 @!p0 $0x1C01  }
0x1e4: {  	[timem:s3], [sflag:s2] =	dma.local @!p0 [hbm:s0], s1  }
0x1e5: {  	s0 =	simm.s32 @!p0 $0x1  }
0x1e6: {  	_ =	swait.ge @!p0 [sflag:s0], s1  }
0x1e7: {  	s1 =	ssub.s32 @!p0 $0x0, s1;
	[sflag:s0] =	ssyncset.done @!p0 $0x0  }
0x1e8: {  	[sflag:s0] =	ssyncadd.s32 @!p0 s1  }
0x1e9: {  	[bflag:$0x3] =	sbarrier.arrive $0xFFFF  }
0x1ea: {  	_ =	shalt  }

</sc_bundles>
